<compile_context>
chip_gen: v7x
topology: tpu7x:2x2x1
jax: 0.10.2.dev20260603
libtpu: 0.0.44.dev20260713+nightly
codegen_flags: <defaults>
</compile_context>

<pallas_src>
import functools

import jax
import jax.numpy as jnp
from jax import lax
from jax.experimental import pallas as pl
from jax.experimental.pallas import tpu as pltpu
from jax.experimental.pallas import tpu_sc as plsc

_DEPTH_SCALES = 4

_CHUNK = 8



def _sc_gather_call(table1d, idxg, n_rows, row_words):
    info = plsc.get_sparse_core_info()
    nw = info.num_cores * info.num_subcores
    bpw = n_rows // nw
    n_chunks = bpw // _CHUNK
    n_pairs = n_chunks // 2
    mesh = plsc.VectorSubcoreMesh(core_axis_name="c", subcore_axis_name="s")

    @functools.partial(
        pl.kernel,
        out_type=jax.ShapeDtypeStruct((n_rows * row_words,), jnp.float32),
        mesh=mesh,
        scratch_types=[
            pltpu.SMEM((bpw,), jnp.int32),
            pltpu.VMEM_SHARED((16, bpw), jnp.int32),
            pltpu.VMEM((_CHUNK * row_words,), jnp.float32),
            pltpu.VMEM((_CHUNK * row_words,), jnp.float32),
            pltpu.SemaphoreType.DMA((2, _CHUNK)),
            pltpu.SemaphoreType.DMA((2,)),
        ],
    )
    def k(table_hbm, idx_hbm, out_hbm, idx_s, idx_v, buf0, buf1, gsem, ssem):
        sid = lax.axis_index("s")
        wid = sid * info.num_cores + lax.axis_index("c")
        base = wid * bpw
        pltpu.sync_copy(idx_hbm.at[wid], idx_v.at[sid])
        pltpu.sync_copy(idx_v.at[sid], idx_s)
        bufs = (buf0, buf1)

        def gather(ch, p, j):
            row = ch * _CHUNK + j
            src = table_hbm.at[pl.ds(idx_s[row] * row_words, row_words)]
            dst = bufs[p].at[pl.ds(j * row_words, row_words)]
            return pltpu.make_async_copy(src, dst, gsem.at[p, j])

        def scatter(ch, p):
            dst = out_hbm.at[pl.ds((base + ch * _CHUNK) * row_words,
                                   _CHUNK * row_words)]
            return pltpu.make_async_copy(bufs[p], dst, ssem.at[p])

        for j in range(_CHUNK):
            gather(0, 0, j).start()

        @pl.loop(0, n_pairs)
        def _(m):
            ch0 = 2 * m
            ch1 = 2 * m + 1

            @pl.when(m > 0)
            def _():
                scatter(ch1 - 2, 1).wait()

            for j in range(_CHUNK):
                gather(ch1, 1, j).start()

            for j in range(_CHUNK):
                gather(ch0, 0, j).wait()
            scatter(ch0, 0).start()

            @pl.when(m < n_pairs - 1)
            def _():
                scatter(ch0, 0).wait()
                for j in range(_CHUNK):
                    gather(ch0 + 2, 0, j).start()

            for j in range(_CHUNK):
                gather(ch1, 1, j).wait()
            scatter(ch1, 1).start()

        scatter(n_chunks - 2, 0).wait()
        scatter(n_chunks - 1, 1).wait()

    return k(table1d, idxg.reshape(nw, bpw))



def _pool_body(x_ref, avg_ref, mx_ref):
    j = pl.program_id(1)
    xb = x_ref[0]
    cb = xb.shape[0]
    avg_ref[0, 0, pl.ds(j * cb, cb)] = jnp.sum(xb, axis=1) / xb.shape[1]
    mx_ref[0, 0, pl.ds(j * cb, cb)] = jnp.max(xb, axis=1)


def _pool_call(x2, n, c, hw, cb=256):
    avg, mx = pl.pallas_call(
        _pool_body,
        grid=(n, c // cb),
        in_specs=[pl.BlockSpec((1, cb, hw), lambda i, j: (i, j, 0))],
        out_specs=[pl.BlockSpec((1, 1, c), lambda i, j: (i, 0, 0)),
                   pl.BlockSpec((1, 1, c), lambda i, j: (i, 0, 0))],
        out_shape=[jax.ShapeDtypeStruct((n, 1, c), jnp.float32),
                   jax.ShapeDtypeStruct((n, 1, c), jnp.float32)],
    )(x2)
    return avg.reshape(n, c), mx.reshape(n, c)



def _rank_body(attn_ref, idx_ref):
    nb, dc = attn_ref.shape
    c = idx_ref.shape[1]
    d = dc // c
    k = c // d
    ib = 128
    for s in range(d):
        v = attn_ref[:, pl.ds(s * c, c)]
        for i0 in range(0, c, ib):
            vi = attn_ref[:, pl.ds(s * c + i0, ib)]
            gt = (v[:, :, None] > vi[:, None, :]).astype(jnp.int32)
            jlt = jax.lax.broadcasted_iota(jnp.int32, (1, c, 1), 1) < (
                i0 + jax.lax.broadcasted_iota(jnp.int32, (1, 1, ib), 2))
            eq = ((v[:, :, None] == vi[:, None, :]) & jlt).astype(jnp.int32)
            rank = jnp.sum(gt + eq, axis=1)
            pidx = jax.lax.broadcasted_iota(jnp.int32, (1, 1, k), 2)
            hit = (rank[:, :, None] == pidx).astype(jnp.int32)
            contrib = jnp.sum(
                hit * (i0 + jax.lax.broadcasted_iota(jnp.int32, (1, ib, 1), 1)),
                axis=1)
            if i0 == 0:
                idx_ref[:, pl.ds(s * k, k)] = contrib
            else:
                idx_ref[:, pl.ds(s * k, k)] += contrib
    row = jax.lax.broadcasted_iota(jnp.int32, (nb, c), 0)
    idx_ref[...] += row * c


def _rank_call(attn_t, n, c):
    dc = attn_t.shape[1]
    return pl.pallas_call(
        _rank_body,
        in_specs=[pl.BlockSpec((n, dc), lambda: (0, 0))],
        out_specs=pl.BlockSpec((n, c), lambda: (0, 0)),
        out_shape=jax.ShapeDtypeStruct((n, c), jnp.int32),
    )(attn_t)


def kernel(x, W1, b1, W2, b2):
    n, c, h, w = x.shape
    d = _DEPTH_SCALES
    x2 = x.reshape(n, c, h * w)
    avg, mx = _pool_call(x2, n, c, h * w)

    def mlp(v):
        hdn = jnp.maximum(v @ W1 + b1, 0.0)
        return hdn @ W2 + b2

    attn = jax.nn.sigmoid(mlp(avg) + mlp(mx))
    attn_t = jnp.transpose(attn.reshape(n, c, d), (0, 2, 1)).reshape(n, d * c)
    idxg = _rank_call(attn_t, n, c).reshape(-1)
    out = _sc_gather_call(x.reshape(-1), idxg, n * c, h * w)
    return out.reshape(n, c, h, w)

# --- scband reference (transcript-rebuilt; emitter-appended) ---
"""Pipeline reference for scband-cutoff-module-54400055771276 (READ-ONLY COPY).

The authoritative reference and input builder live on the scoring server;
editing this copy changes nothing except your own understanding.
"""

import jax, jax.numpy as jnp
import numpy as np

N, C, H, W_SP = 16, 768, 56, 56
DEPTH_SCALES = 4
REDUCTION = 16

def setup_inputs(seed: int = 0) -> dict:
    key = jax.random.key(seed)
    ks = jax.random.split(key, 4)
    x = jax.random.normal(ks[0], (N, C, H, W_SP), dtype=jnp.float32)
    # ExpandedChannelGate params: shared MLP over avg/max pooled descriptors,
    # producing C * depth_scales attention logits (CBAM-style channel gate expanded per scale).
    W1 = jax.random.normal(ks[1], (C, C // REDUCTION), dtype=jnp.float32) * 0.02
    b1 = jnp.zeros((C // REDUCTION,), dtype=jnp.float32)
    W2 = jax.random.normal(ks[2], (C // REDUCTION, C * DEPTH_SCALES), dtype=jnp.float32) * 0.02
    b2 = jnp.zeros((C * DEPTH_SCALES,), dtype=jnp.float32)
    return {"x": x, "W1": W1, "b1": b1, "W2": W2, "b2": b2}

def reference(x, W1, b1, W2, b2):
    n, c, h, w = x.shape
    d = DEPTH_SCALES
    block_size = c // d
    # ExpandedChannelGate: global avg + max pooled descriptors through shared MLP, summed, sigmoid
    avg = jnp.mean(x, axis=(2, 3))            # [N, C]
    mx = jnp.max(x, axis=(2, 3))              # [N, C]
    def mlp(v):
        hdn = jnp.maximum(v @ W1 + b1, 0.0)
        return hdn @ W2 + b2
    attn = jax.nn.sigmoid(mlp(avg) + mlp(mx)) # [N, C*D]
    attn = attn.reshape(n, c, d)              # [N, C, D] (== [N, C, D, 1, 1] squeezed)
    # torch.topk(attn, block_size, dim=1) -> indices [N, block_size, D]; we top_k over last axis
    attn_t = jnp.transpose(attn, (0, 2, 1))   # [N, D, C]
    _, idx = jax.lax.top_k(attn_t, block_size)  # [N, D, block_size], descending like torch
    # cat over scales i in dim=1 of gathered channel blocks:
    # out channels = [scale0 top block | scale1 top block | ...]
    idx_flat = idx.reshape(n, d * block_size)   # [N, C]
    out_feat = x[jnp.arange(n)[:, None], idx_flat]  # gather channels -> [N, C, H, W]
    return out_feat

if __name__ == "__main__":
    import jax
    _d = setup_inputs()
    print(jax.jit(kernel)(*tuple(_d.values())))

</pallas_src>

<mosaic_0001>
#map = affine_map<(d0, d1) -> (0)>
#map1 = affine_map<(d0, d1) -> (0, 0)>
module attributes {stable_mosaic.version = 14 : i64} {
  func.func @k(%arg0: i32, %arg1: i32, %arg2: memref<38535168xf32, #tpu.memory_space<hbm>>, %arg3: memref<32x384xi32, #tpu.memory_space<hbm>>, %arg4: memref<38535168xf32, #tpu.memory_space<hbm>>, %arg5: memref<384xi32, #tpu.memory_space<smem>>, %arg6: memref<16x384xi32, #tpu.memory_space<vmem_shared>>, %arg7: memref<25088xf32, #tpu.memory_space<vmem>>, %arg8: memref<25088xf32, #tpu.memory_space<vmem>>, %arg9: memref<2x8x!tpu.dma_semaphore, #tpu.memory_space<semaphore_mem>>, %arg10: memref<2x!tpu.dma_semaphore, #tpu.memory_space<semaphore_mem>>) attributes {dimension_semantics = [#tpu.dimension_semantics<core_parallel>, #tpu.dimension_semantics<subcore_parallel>], iteration_bounds = array<i64: 2, 16>, scalar_prefetch = 0 : i64, scratch_operands = 6 : i64, tpu.core_type = #tpu.core_type<sc_vector_subcore>, window_params = [{transform_indices = #map}, {transform_indices = #map1}, {transform_indices = #map}]} {
    %mul3A = arith.constant 2 : i32
    %mul3A_0 = arith.muli %arg1, %mul3A : i32
    %add3A = arith.addi %mul3A_0, %arg0 : i32
    %mul3A_1 = arith.constant 384 : i32
    %mul3A_2 = arith.muli %add3A, %mul3A_1 : i32
    "tpu.region"() ({
      %run_scoped3A = tpu.sem_alloc : memref<!tpu.dma_semaphore, #tpu.memory_space<semaphore_mem>>
      %dma_start3A_142 = arith.constant 0 : i32
      %dma_start3A_143 = tpu.memref_slice %arg6[%arg1, %dma_start3A_142] : memref<16x384xi32, #tpu.memory_space<vmem_shared>> -> memref<1x384xi32, #tpu.memory_space<vmem_shared>>
      %dma_start3A_144 = tpu.memref_squeeze %dma_start3A_143 : memref<1x384xi32, #tpu.memory_space<vmem_shared>> -> memref<384xi32, #tpu.memory_space<vmem_shared>>
      %dma_start3A_145 = arith.constant 0 : i32
      %dma_start3A_146 = tpu.memref_slice %arg3[%add3A, %dma_start3A_145] : memref<32x384xi32, #tpu.memory_space<hbm>> -> memref<1x384xi32, #tpu.memory_space<hbm>>
      %dma_start3A_147 = tpu.memref_squeeze %dma_start3A_146 : memref<1x384xi32, #tpu.memory_space<hbm>> -> memref<384xi32, #tpu.memory_space<hbm>>
      tpu.enqueue_dma source(%dma_start3A_147 : memref<384xi32, #tpu.memory_space<hbm>>) target(%dma_start3A_144 : memref<384xi32, #tpu.memory_space<vmem_shared>>) target_semaphore(%run_scoped3A : memref<!tpu.dma_semaphore, #tpu.memory_space<semaphore_mem>>)
      %dma_wait3A_148 = arith.constant 0 : i32
      %dma_wait3A_149 = tpu.memref_slice %arg6[%arg1, %dma_wait3A_148] : memref<16x384xi32, #tpu.memory_space<vmem_shared>> -> memref<1x384xi32, #tpu.memory_space<vmem_shared>>
      %dma_wait3A_150 = tpu.memref_squeeze %dma_wait3A_149 : memref<1x384xi32, #tpu.memory_space<vmem_shared>> -> memref<384xi32, #tpu.memory_space<vmem_shared>>
      %dma_wait3A_151 = arith.constant 0 : i32
      %dma_wait3A_152 = tpu.memref_slice %arg3[%add3A, %dma_wait3A_151] : memref<32x384xi32, #tpu.memory_space<hbm>> -> memref<1x384xi32, #tpu.memory_space<hbm>>
      %dma_wait3A_153 = tpu.memref_squeeze %dma_wait3A_152 : memref<1x384xi32, #tpu.memory_space<hbm>> -> memref<384xi32, #tpu.memory_space<hbm>>
      tpu.wait_dma2 semaphore(%run_scoped3A : memref<!tpu.dma_semaphore, #tpu.memory_space<semaphore_mem>>) src(%dma_wait3A_153 : memref<384xi32, #tpu.memory_space<hbm>>) dst(%dma_wait3A_150 : memref<384xi32, #tpu.memory_space<vmem_shared>>)
      tpu.yield
    }) : () -> ()
    "tpu.region"() ({
      %run_scoped3A = tpu.sem_alloc : memref<!tpu.dma_semaphore, #tpu.memory_space<semaphore_mem>>
      %dma_start3A_142 = arith.constant 0 : i32
      %dma_start3A_143 = tpu.memref_slice %arg6[%arg1, %dma_start3A_142] : memref<16x384xi32, #tpu.memory_space<vmem_shared>> -> memref<1x384xi32, #tpu.memory_space<vmem_shared>>
      %dma_start3A_144 = tpu.memref_squeeze %dma_start3A_143 : memref<1x384xi32, #tpu.memory_space<vmem_shared>> -> memref<384xi32, #tpu.memory_space<vmem_shared>>
      tpu.enqueue_dma source(%dma_start3A_144 : memref<384xi32, #tpu.memory_space<vmem_shared>>) target(%arg5 : memref<384xi32, #tpu.memory_space<smem>>) target_semaphore(%run_scoped3A : memref<!tpu.dma_semaphore, #tpu.memory_space<semaphore_mem>>)
      %dma_wait3A_145 = arith.constant 0 : i32
      %dma_wait3A_146 = tpu.memref_slice %arg6[%arg1, %dma_wait3A_145] : memref<16x384xi32, #tpu.memory_space<vmem_shared>> -> memref<1x384xi32, #tpu.memory_space<vmem_shared>>
      %dma_wait3A_147 = tpu.memref_squeeze %dma_wait3A_146 : memref<1x384xi32, #tpu.memory_space<vmem_shared>> -> memref<384xi32, #tpu.memory_space<vmem_shared>>
      tpu.wait_dma2 semaphore(%run_scoped3A : memref<!tpu.dma_semaphore, #tpu.memory_space<semaphore_mem>>) src(%dma_wait3A_147 : memref<384xi32, #tpu.memory_space<vmem_shared>>) dst(%arg5 : memref<384xi32, #tpu.memory_space<smem>>)
      tpu.yield
    }) : () -> ()
    %get3A = arith.constant 0 : i32
    %get3A_3 = arith.index_cast %get3A : i32 to index
    %get3A_4 = memref.load %arg5[%get3A_3] : memref<384xi32, #tpu.memory_space<smem>>
    %mul3A_5 = arith.constant 3136 : i32
    %mul3A_6 = arith.muli %get3A_4, %mul3A_5 : i32
    %dma_start3A = arith.constant 0 : i32
    %dma_start3A_7 = arith.constant 0 : i32
    %dma_start3A_8 = arith.constant 0 : i32
    %dma_start3A_9 = tpu.memref_slice %arg7[%dma_start3A_8] : memref<25088xf32, #tpu.memory_space<vmem>> -> memref<3136xf32, #tpu.memory_space<vmem>>
    %dma_start3A_10 = tpu.memref_slice %arg2[%mul3A_6] : memref<38535168xf32, #tpu.memory_space<hbm>> -> memref<3136xf32, #tpu.memory_space<hbm>>
    %dma_start3A_11 = tpu.memref_slice %arg9[%dma_start3A, %dma_start3A_7] : memref<2x8x!tpu.dma_semaphore, #tpu.memory_space<semaphore_mem>> -> memref<1x1x!tpu.dma_semaphore, #tpu.memory_space<semaphore_mem>>
    %dma_start3A_12 = tpu.memref_squeeze %dma_start3A_11 : memref<1x1x!tpu.dma_semaphore, #tpu.memory_space<semaphore_mem>> -> memref<!tpu.dma_semaphore, #tpu.memory_space<semaphore_mem>>
    %dma_start3A_13 = arith.constant 0 : i32
    %dma_start3A_14 = tpu.memref_slice %arg7[%dma_start3A_13] : memref<25088xf32, #tpu.memory_space<vmem>> -> memref<3136xf32, #tpu.memory_space<vmem>>
    %dma_start3A_15 = tpu.memref_slice %arg2[%mul3A_6] : memref<38535168xf32, #tpu.memory_space<hbm>> -> memref<3136xf32, #tpu.memory_space<hbm>>
    tpu.enqueue_dma source(%dma_start3A_15 : memref<3136xf32, #tpu.memory_space<hbm>>) target(%dma_start3A_14 : memref<3136xf32, #tpu.memory_space<vmem>>) target_semaphore(%dma_start3A_12 : memref<!tpu.dma_semaphore, #tpu.memory_space<semaphore_mem>>)
    %get3A_16 = arith.constant 1 : i32
    %get3A_17 = arith.index_cast %get3A_16 : i32 to index
    %get3A_18 = memref.load %arg5[%get3A_17] : memref<384xi32, #tpu.memory_space<smem>>
    %mul3A_19 = arith.constant 3136 : i32
    %mul3A_20 = arith.muli %get3A_18, %mul3A_19 : i32
    %dma_start3A_21 = arith.constant 0 : i32
    %dma_start3A_22 = arith.constant 1 : i32
    %dma_start3A_23 = arith.constant 3136 : i32
    %dma_start3A_24 = tpu.memref_slice %arg7[%dma_start3A_23] : memref<25088xf32, #tpu.memory_space<vmem>> -> memref<3136xf32, #tpu.memory_space<vmem>>
    %dma_start3A_25 = tpu.memref_slice %arg2[%mul3A_20] : memref<38535168xf32, #tpu.memory_space<hbm>> -> memref<3136xf32, #tpu.memory_space<hbm>>
    %dma_start3A_26 = tpu.memref_slice %arg9[%dma_start3A_21, %dma_start3A_22] : memref<2x8x!tpu.dma_semaphore, #tpu.memory_space<semaphore_mem>> -> memref<1x1x!tpu.dma_semaphore, #tpu.memory_space<semaphore_mem>>
    %dma_start3A_27 = tpu.memref_squeeze %dma_start3A_26 : memref<1x1x!tpu.dma_semaphore, #tpu.memory_space<semaphore_mem>> -> memref<!tpu.dma_semaphore, #tpu.memory_space<semaphore_mem>>
    %dma_start3A_28 = arith.constant 3136 : i32
    %dma_start3A_29 = tpu.memref_slice %arg7[%dma_start3A_28] : memref<25088xf32, #tpu.memory_space<vmem>> -> memref<3136xf32, #tpu.memory_space<vmem>>
    %dma_start3A_30 = tpu.memref_slice %arg2[%mul3A_20] : memref<38535168xf32, #tpu.memory_space<hbm>> -> memref<3136xf32, #tpu.memory_space<hbm>>
    tpu.enqueue_dma source(%dma_start3A_30 : memref<3136xf32, #tpu.memory_space<hbm>>) target(%dma_start3A_29 : memref<3136xf32, #tpu.memory_space<vmem>>) target_semaphore(%dma_start3A_27 : memref<!tpu.dma_semaphore, #tpu.memory_space<semaphore_mem>>)
    %get3A_31 = arith.constant 2 : i32
    %get3A_32 = arith.index_cast %get3A_31 : i32 to index
    %get3A_33 = memref.load %arg5[%get3A_32] : memref<384xi32, #tpu.memory_space<smem>>
    %mul3A_34 = arith.constant 3136 : i32
    %mul3A_35 = arith.muli %get3A_33, %mul3A_34 : i32
    %dma_start3A_36 = arith.constant 0 : i32
    %dma_start3A_37 = arith.constant 2 : i32
    %dma_start3A_38 = arith.constant 6272 : i32
    %dma_start3A_39 = tpu.memref_slice %arg7[%dma_start3A_38] : memref<25088xf32, #tpu.memory_space<vmem>> -> memref<3136xf32, #tpu.memory_space<vmem>>
    %dma_start3A_40 = tpu.memref_slice %arg2[%mul3A_35] : memref<38535168xf32, #tpu.memory_space<hbm>> -> memref<3136xf32, #tpu.memory_space<hbm>>
    %dma_start3A_41 = tpu.memref_slice %arg9[%dma_start3A_36, %dma_start3A_37] : memref<2x8x!tpu.dma_semaphore, #tpu.memory_space<semaphore_mem>> -> memref<1x1x!tpu.dma_semaphore, #tpu.memory_space<semaphore_mem>>
    %dma_start3A_42 = tpu.memref_squeeze %dma_start3A_41 : memref<1x1x!tpu.dma_semaphore, #tpu.memory_space<semaphore_mem>> -> memref<!tpu.dma_semaphore, #tpu.memory_space<semaphore_mem>>
    %dma_start3A_43 = arith.constant 6272 : i32
    %dma_start3A_44 = tpu.memref_slice %arg7[%dma_start3A_43] : memref<25088xf32, #tpu.memory_space<vmem>> -> memref<3136xf32, #tpu.memory_space<vmem>>
    %dma_start3A_45 = tpu.memref_slice %arg2[%mul3A_35] : memref<38535168xf32, #tpu.memory_space<hbm>> -> memref<3136xf32, #tpu.memory_space<hbm>>
    tpu.enqueue_dma source(%dma_start3A_45 : memref<3136xf32, #tpu.memory_space<hbm>>) target(%dma_start3A_44 : memref<3136xf32, #tpu.memory_space<vmem>>) target_semaphore(%dma_start3A_42 : memref<!tpu.dma_semaphore, #tpu.memory_space<semaphore_mem>>)
    %get3A_46 = arith.constant 3 : i32
    %get3A_47 = arith.index_cast %get3A_46 : i32 to index
    %get3A_48 = memref.load %arg5[%get3A_47] : memref<384xi32, #tpu.memory_space<smem>>
    %mul3A_49 = arith.constant 3136 : i32
    %mul3A_50 = arith.muli %get3A_48, %mul3A_49 : i32
    %dma_start3A_51 = arith.constant 0 : i32
    %dma_start3A_52 = arith.constant 3 : i32
    %dma_start3A_53 = arith.constant 9408 : i32
    %dma_start3A_54 = tpu.memref_slice %arg7[%dma_start3A_53] : memref<25088xf32, #tpu.memory_space<vmem>> -> memref<3136xf32, #tpu.memory_space<vmem>>
    %dma_start3A_55 = tpu.memref_slice %arg2[%mul3A_50] : memref<38535168xf32, #tpu.memory_space<hbm>> -> memref<3136xf32, #tpu.memory_space<hbm>>
    %dma_start3A_56 = tpu.memref_slice %arg9[%dma_start3A_51, %dma_start3A_52] : memref<2x8x!tpu.dma_semaphore, #tpu.memory_space<semaphore_mem>> -> memref<1x1x!tpu.dma_semaphore, #tpu.memory_space<semaphore_mem>>
    %dma_start3A_57 = tpu.memref_squeeze %dma_start3A_56 : memref<1x1x!tpu.dma_semaphore, #tpu.memory_space<semaphore_mem>> -> memref<!tpu.dma_semaphore, #tpu.memory_space<semaphore_mem>>
    %dma_start3A_58 = arith.constant 9408 : i32
    %dma_start3A_59 = tpu.memref_slice %arg7[%dma_start3A_58] : memref<25088xf32, #tpu.memory_space<vmem>> -> memref<3136xf32, #tpu.memory_space<vmem>>
    %dma_start3A_60 = tpu.memref_slice %arg2[%mul3A_50] : memref<38535168xf32, #tpu.memory_space<hbm>> -> memref<3136xf32, #tpu.memory_space<hbm>>
    tpu.enqueue_dma source(%dma_start3A_60 : memref<3136xf32, #tpu.memory_space<hbm>>) target(%dma_start3A_59 : memref<3136xf32, #tpu.memory_space<vmem>>) target_semaphore(%dma_start3A_57 : memref<!tpu.dma_semaphore, #tpu.memory_space<semaphore_mem>>)
    %get3A_61 = arith.constant 4 : i32
    %get3A_62 = arith.index_cast %get3A_61 : i32 to index
    %get3A_63 = memref.load %arg5[%get3A_62] : memref<384xi32, #tpu.memory_space<smem>>
    %mul3A_64 = arith.constant 3136 : i32
    %mul3A_65 = arith.muli %get3A_63, %mul3A_64 : i32
    %dma_start3A_66 = arith.constant 0 : i32
    %dma_start3A_67 = arith.constant 4 : i32
    %dma_start3A_68 = arith.constant 12544 : i32
    %dma_start3A_69 = tpu.memref_slice %arg7[%dma_start3A_68] : memref<25088xf32, #tpu.memory_space<vmem>> -> memref<3136xf32, #tpu.memory_space<vmem>>
    %dma_start3A_70 = tpu.memref_slice %arg2[%mul3A_65] : memref<38535168xf32, #tpu.memory_space<hbm>> -> memref<3136xf32, #tpu.memory_space<hbm>>
    %dma_start3A_71 = tpu.memref_slice %arg9[%dma_start3A_66, %dma_start3A_67] : memref<2x8x!tpu.dma_semaphore, #tpu.memory_space<semaphore_mem>> -> memref<1x1x!tpu.dma_semaphore, #tpu.memory_space<semaphore_mem>>
    %dma_start3A_72 = tpu.memref_squeeze %dma_start3A_71 : memref<1x1x!tpu.dma_semaphore, #tpu.memory_space<semaphore_mem>> -> memref<!tpu.dma_semaphore, #tpu.memory_space<semaphore_mem>>
    %dma_start3A_73 = arith.constant 12544 : i32
    %dma_start3A_74 = tpu.memref_slice %arg7[%dma_start3A_73] : memref<25088xf32, #tpu.memory_space<vmem>> -> memref<3136xf32, #tpu.memory_space<vmem>>
    %dma_start3A_75 = tpu.memref_slice %arg2[%mul3A_65] : memref<38535168xf32, #tpu.memory_space<hbm>> -> memref<3136xf32, #tpu.memory_space<hbm>>
    tpu.enqueue_dma source(%dma_start3A_75 : memref<3136xf32, #tpu.memory_space<hbm>>) target(%dma_start3A_74 : memref<3136xf32, #tpu.memory_space<vmem>>) target_semaphore(%dma_start3A_72 : memref<!tpu.dma_semaphore, #tpu.memory_space<semaphore_mem>>)
    %get3A_76 = arith.constant 5 : i32
    %get3A_77 = arith.index_cast %get3A_76 : i32 to index
    %get3A_78 = memref.load %arg5[%get3A_77] : memref<384xi32, #tpu.memory_space<smem>>
    %mul3A_79 = arith.constant 3136 : i32
    %mul3A_80 = arith.muli %get3A_78, %mul3A_79 : i32
    %dma_start3A_81 = arith.constant 0 : i32
    %dma_start3A_82 = arith.constant 5 : i32
    %dma_start3A_83 = arith.constant 15680 : i32
    %dma_start3A_84 = tpu.memref_slice %arg7[%dma_start3A_83] : memref<25088xf32, #tpu.memory_space<vmem>> -> memref<3136xf32, #tpu.memory_space<vmem>>
    %dma_start3A_85 = tpu.memref_slice %arg2[%mul3A_80] : memref<38535168xf32, #tpu.memory_space<hbm>> -> memref<3136xf32, #tpu.memory_space<hbm>>
    %dma_start3A_86 = tpu.memref_slice %arg9[%dma_start3A_81, %dma_start3A_82] : memref<2x8x!tpu.dma_semaphore, #tpu.memory_space<semaphore_mem>> -> memref<1x1x!tpu.dma_semaphore, #tpu.memory_space<semaphore_mem>>
    %dma_start3A_87 = tpu.memref_squeeze %dma_start3A_86 : memref<1x1x!tpu.dma_semaphore, #tpu.memory_space<semaphore_mem>> -> memref<!tpu.dma_semaphore, #tpu.memory_space<semaphore_mem>>
    %dma_start3A_88 = arith.constant 15680 : i32
    %dma_start3A_89 = tpu.memref_slice %arg7[%dma_start3A_88] : memref<25088xf32, #tpu.memory_space<vmem>> -> memref<3136xf32, #tpu.memory_space<vmem>>
    %dma_start3A_90 = tpu.memref_slice %arg2[%mul3A_80] : memref<38535168xf32, #tpu.memory_space<hbm>> -> memref<3136xf32, #tpu.memory_space<hbm>>
    tpu.enqueue_dma source(%dma_start3A_90 : memref<3136xf32, #tpu.memory_space<hbm>>) target(%dma_start3A_89 : memref<3136xf32, #tpu.memory_space<vmem>>) target_semaphore(%dma_start3A_87 : memref<!tpu.dma_semaphore, #tpu.memory_space<semaphore_mem>>)
    %get3A_91 = arith.constant 6 : i32
    %get3A_92 = arith.index_cast %get3A_91 : i32 to index
    %get3A_93 = memref.load %arg5[%get3A_92] : memref<384xi32, #tpu.memory_space<smem>>
    %mul3A_94 = arith.constant 3136 : i32
    %mul3A_95 = arith.muli %get3A_93, %mul3A_94 : i32
    %dma_start3A_96 = arith.constant 0 : i32
    %dma_start3A_97 = arith.constant 6 : i32
    %dma_start3A_98 = arith.constant 18816 : i32
    %dma_start3A_99 = tpu.memref_slice %arg7[%dma_start3A_98] : memref<25088xf32, #tpu.memory_space<vmem>> -> memref<3136xf32, #tpu.memory_space<vmem>>
    %dma_start3A_100 = tpu.memref_slice %arg2[%mul3A_95] : memref<38535168xf32, #tpu.memory_space<hbm>> -> memref<3136xf32, #tpu.memory_space<hbm>>
    %dma_start3A_101 = tpu.memref_slice %arg9[%dma_start3A_96, %dma_start3A_97] : memref<2x8x!tpu.dma_semaphore, #tpu.memory_space<semaphore_mem>> -> memref<1x1x!tpu.dma_semaphore, #tpu.memory_space<semaphore_mem>>
    %dma_start3A_102 = tpu.memref_squeeze %dma_start3A_101 : memref<1x1x!tpu.dma_semaphore, #tpu.memory_space<semaphore_mem>> -> memref<!tpu.dma_semaphore, #tpu.memory_space<semaphore_mem>>
    %dma_start3A_103 = arith.constant 18816 : i32
    %dma_start3A_104 = tpu.memref_slice %arg7[%dma_start3A_103] : memref<25088xf32, #tpu.memory_space<vmem>> -> memref<3136xf32, #tpu.memory_space<vmem>>
    %dma_start3A_105 = tpu.memref_slice %arg2[%mul3A_95] : memref<38535168xf32, #tpu.memory_space<hbm>> -> memref<3136xf32, #tpu.memory_space<hbm>>
    tpu.enqueue_dma source(%dma_start3A_105 : memref<3136xf32, #tpu.memory_space<hbm>>) target(%dma_start3A_104 : memref<3136xf32, #tpu.memory_space<vmem>>) target_semaphore(%dma_start3A_102 : memref<!tpu.dma_semaphore, #tpu.memory_space<semaphore_mem>>)
    %get3A_106 = arith.constant 7 : i32
    %get3A_107 = arith.index_cast %get3A_106 : i32 to index
    %get3A_108 = memref.load %arg5[%get3A_107] : memref<384xi32, #tpu.memory_space<smem>>
    %mul3A_109 = arith.constant 3136 : i32
    %mul3A_110 = arith.muli %get3A_108, %mul3A_109 : i32
    %dma_start3A_111 = arith.constant 0 : i32
    %dma_start3A_112 = arith.constant 7 : i32
    %dma_start3A_113 = arith.constant 21952 : i32
    %dma_start3A_114 = tpu.memref_slice %arg7[%dma_start3A_113] : memref<25088xf32, #tpu.memory_space<vmem>> -> memref<3136xf32, #tpu.memory_space<vmem>>
    %dma_start3A_115 = tpu.memref_slice %arg2[%mul3A_110] : memref<38535168xf32, #tpu.memory_space<hbm>> -> memref<3136xf32, #tpu.memory_space<hbm>>
    %dma_start3A_116 = tpu.memref_slice %arg9[%dma_start3A_111, %dma_start3A_112] : memref<2x8x!tpu.dma_semaphore, #tpu.memory_space<semaphore_mem>> -> memref<1x1x!tpu.dma_semaphore, #tpu.memory_space<semaphore_mem>>
    %dma_start3A_117 = tpu.memref_squeeze %dma_start3A_116 : memref<1x1x!tpu.dma_semaphore, #tpu.memory_space<semaphore_mem>> -> memref<!tpu.dma_semaphore, #tpu.memory_space<semaphore_mem>>
    %dma_start3A_118 = arith.constant 21952 : i32
    %dma_start3A_119 = tpu.memref_slice %arg7[%dma_start3A_118] : memref<25088xf32, #tpu.memory_space<vmem>> -> memref<3136xf32, #tpu.memory_space<vmem>>
    %dma_start3A_120 = tpu.memref_slice %arg2[%mul3A_110] : memref<38535168xf32, #tpu.memory_space<hbm>> -> memref<3136xf32, #tpu.memory_space<hbm>>
    tpu.enqueue_dma source(%dma_start3A_120 : memref<3136xf32, #tpu.memory_space<hbm>>) target(%dma_start3A_119 : memref<3136xf32, #tpu.memory_space<vmem>>) target_semaphore(%dma_start3A_117 : memref<!tpu.dma_semaphore, #tpu.memory_space<semaphore_mem>>)
    %scan3A = arith.constant 0 : i32
    %scan3A_121 = arith.constant 24 : i32
    %scan3A_122 = arith.addi %scan3A, %scan3A_121 : i32
    %scan3A_123 = arith.constant 1 : i32
    scf.for %scan3A_142 = %scan3A to %scan3A_122 step %scan3A_123  : i32 {
      %mul3A_143 = arith.constant 1 : i32
      %mul3A_144 = arith.muli %scan3A_142, %mul3A_143 : i32
      %add3A_145 = arith.constant 0 : i32
      %add3A_146 = arith.addi %add3A_145, %mul3A_144 : i32
      %mul3A_147 = arith.constant 2 : i32
      %mul3A_148 = arith.muli %mul3A_147, %add3A_146 : i32
      %mul3A_149 = arith.constant 2 : i32
      %mul3A_150 = arith.muli %mul3A_149, %add3A_146 : i32
      %add3A_151 = arith.constant 1 : i32
      %add3A_152 = arith.addi %mul3A_150, %add3A_151 : i32
      %gt3A = arith.constant 0 : i32
      %gt3A_153 = arith.cmpi sgt, %add3A_146, %gt3A : i32
      %convert_element_type3A = arith.extui %gt3A_153 : i1 to i32
      %cond3A = arith.constant 0 : i32
      %cond3A_154 = arith.cmpi ne, %convert_element_type3A, %cond3A : i32
      scf.if %cond3A_154 {
        %sub3A = arith.constant 2 : i32
        %sub3A_611 = arith.subi %add3A_152, %sub3A : i32
        %mul3A_612 = arith.constant 8 : i32
        %mul3A_613 = arith.muli %sub3A_611, %mul3A_612 : i32
        %add3A_614 = arith.addi %mul3A_2, %mul3A_613 : i32
        %mul3A_615 = arith.constant 3136 : i32
        %mul3A_616 = arith.muli %add3A_614, %mul3A_615 : i32
        %dma_wait3A_617 = arith.constant 1 : i32
        %dma_wait3A_618 = tpu.memref_slice %arg4[%mul3A_616] : memref<38535168xf32, #tpu.memory_space<hbm>> -> memref<25088xf32, #tpu.memory_space<hbm>>
        %dma_wait3A_619 = tpu.memref_slice %arg10[%dma_wait3A_617] : memref<2x!tpu.dma_semaphore, #tpu.memory_space<semaphore_mem>> -> memref<1x!tpu.dma_semaphore, #tpu.memory_space<semaphore_mem>>
        %dma_wait3A_620 = tpu.memref_squeeze %dma_wait3A_619 : memref<1x!tpu.dma_semaphore, #tpu.memory_space<semaphore_mem>> -> memref<!tpu.dma_semaphore, #tpu.memory_space<semaphore_mem>>
        %dma_wait3A_621 = tpu.memref_slice %arg4[%mul3A_616] : memref<38535168xf32, #tpu.memory_space<hbm>> -> memref<25088xf32, #tpu.memory_space<hbm>>
        tpu.wait_dma2 semaphore(%dma_wait3A_620 : memref<!tpu.dma_semaphore, #tpu.memory_space<semaphore_mem>>) src(%arg8 : memref<25088xf32, #tpu.memory_space<vmem>>) dst(%dma_wait3A_621 : memref<25088xf32, #tpu.memory_space<hbm>>)
      } else {
      }
      %mul3A_155 = arith.constant 8 : i32
      %mul3A_156 = arith.muli %add3A_152, %mul3A_155 : i32
      %add3A_157 = arith.constant 0 : i32
      %add3A_158 = arith.addi %mul3A_156, %add3A_157 : i32
      %get3A_159 = arith.index_cast %add3A_158 : i32 to index
      %get3A_160 = memref.load %arg5[%get3A_159] : memref<384xi32, #tpu.memory_space<smem>>
      %mul3A_161 = arith.constant 3136 : i32
      %mul3A_162 = arith.muli %get3A_160, %mul3A_161 : i32
      %dma_start3A_163 = arith.constant 1 : i32
      %dma_start3A_164 = arith.constant 0 : i32
      %dma_start3A_165 = arith.constant 0 : i32
      %dma_start3A_166 = tpu.memref_slice %arg8[%dma_start3A_165] : memref<25088xf32, #tpu.memory_space<vmem>> -> memref<3136xf32, #tpu.memory_space<vmem>>
      %dma_start3A_167 = tpu.memref_slice %arg2[%mul3A_162] : memref<38535168xf32, #tpu.memory_space<hbm>> -> memref<3136xf32, #tpu.memory_space<hbm>>
      %dma_start3A_168 = tpu.memref_slice %arg9[%dma_start3A_163, %dma_start3A_164] : memref<2x8x!tpu.dma_semaphore, #tpu.memory_space<semaphore_mem>> -> memref<1x1x!tpu.dma_semaphore, #tpu.memory_space<semaphore_mem>>
      %dma_start3A_169 = tpu.memref_squeeze %dma_start3A_168 : memref<1x1x!tpu.dma_semaphore, #tpu.memory_space<semaphore_mem>> -> memref<!tpu.dma_semaphore, #tpu.memory_space<semaphore_mem>>
      %dma_start3A_170 = arith.constant 0 : i32
      %dma_start3A_171 = tpu.memref_slice %arg8[%dma_start3A_170] : memref<25088xf32, #tpu.memory_space<vmem>> -> memref<3136xf32, #tpu.memory_space<vmem>>
      %dma_start3A_172 = tpu.memref_slice %arg2[%mul3A_162] : memref<38535168xf32, #tpu.memory_space<hbm>> -> memref<3136xf32, #tpu.memory_space<hbm>>
      tpu.enqueue_dma source(%dma_start3A_172 : memref<3136xf32, #tpu.memory_space<hbm>>) target(%dma_start3A_171 : memref<3136xf32, #tpu.memory_space<vmem>>) target_semaphore(%dma_start3A_169 : memref<!tpu.dma_semaphore, #tpu.memory_space<semaphore_mem>>)
      %mul3A_173 = arith.constant 8 : i32
      %mul3A_174 = arith.muli %add3A_152, %mul3A_173 : i32
      %add3A_175 = arith.constant 1 : i32
      %add3A_176 = arith.addi %mul3A_174, %add3A_175 : i32
      %get3A_177 = arith.index_cast %add3A_176 : i32 to index
      %get3A_178 = memref.load %arg5[%get3A_177] : memref<384xi32, #tpu.memory_space<smem>>
      %mul3A_179 = arith.constant 3136 : i32
      %mul3A_180 = arith.muli %get3A_178, %mul3A_179 : i32
      %dma_start3A_181 = arith.constant 1 : i32
      %dma_start3A_182 = arith.constant 1 : i32
      %dma_start3A_183 = arith.constant 3136 : i32
      %dma_start3A_184 = tpu.memref_slice %arg8[%dma_start3A_183] : memref<25088xf32, #tpu.memory_space<vmem>> -> memref<3136xf32, #tpu.memory_space<vmem>>
      %dma_start3A_185 = tpu.memref_slice %arg2[%mul3A_180] : memref<38535168xf32, #tpu.memory_space<hbm>> -> memref<3136xf32, #tpu.memory_space<hbm>>
      %dma_start3A_186 = tpu.memref_slice %arg9[%dma_start3A_181, %dma_start3A_182] : memref<2x8x!tpu.dma_semaphore, #tpu.memory_space<semaphore_mem>> -> memref<1x1x!tpu.dma_semaphore, #tpu.memory_space<semaphore_mem>>
      %dma_start3A_187 = tpu.memref_squeeze %dma_start3A_186 : memref<1x1x!tpu.dma_semaphore, #tpu.memory_space<semaphore_mem>> -> memref<!tpu.dma_semaphore, #tpu.memory_space<semaphore_mem>>
      %dma_start3A_188 = arith.constant 3136 : i32
      %dma_start3A_189 = tpu.memref_slice %arg8[%dma_start3A_188] : memref<25088xf32, #tpu.memory_space<vmem>> -> memref<3136xf32, #tpu.memory_space<vmem>>
      %dma_start3A_190 = tpu.memref_slice %arg2[%mul3A_180] : memref<38535168xf32, #tpu.memory_space<hbm>> -> memref<3136xf32, #tpu.memory_space<hbm>>
      tpu.enqueue_dma source(%dma_start3A_190 : memref<3136xf32, #tpu.memory_space<hbm>>) target(%dma_start3A_189 : memref<3136xf32, #tpu.memory_space<vmem>>) target_semaphore(%dma_start3A_187 : memref<!tpu.dma_semaphore, #tpu.memory_space<semaphore_mem>>)
      %mul3A_191 = arith.constant 8 : i32
      %mul3A_192 = arith.muli %add3A_152, %mul3A_191 : i32
      %add3A_193 = arith.constant 2 : i32
      %add3A_194 = arith.addi %mul3A_192, %add3A_193 : i32
      %get3A_195 = arith.index_cast %add3A_194 : i32 to index
      %get3A_196 = memref.load %arg5[%get3A_195] : memref<384xi32, #tpu.memory_space<smem>>
      %mul3A_197 = arith.constant 3136 : i32
      %mul3A_198 = arith.muli %get3A_196, %mul3A_197 : i32
      %dma_start3A_199 = arith.constant 1 : i32
      %dma_start3A_200 = arith.constant 2 : i32
      %dma_start3A_201 = arith.constant 6272 : i32
      %dma_start3A_202 = tpu.memref_slice %arg8[%dma_start3A_201] : memref<25088xf32, #tpu.memory_space<vmem>> -> memref<3136xf32, #tpu.memory_space<vmem>>
      %dma_start3A_203 = tpu.memref_slice %arg2[%mul3A_198] : memref<38535168xf32, #tpu.memory_space<hbm>> -> memref<3136xf32, #tpu.memory_space<hbm>>
      %dma_start3A_204 = tpu.memref_slice %arg9[%dma_start3A_199, %dma_start3A_200] : memref<2x8x!tpu.dma_semaphore, #tpu.memory_space<semaphore_mem>> -> memref<1x1x!tpu.dma_semaphore, #tpu.memory_space<semaphore_mem>>
      %dma_start3A_205 = tpu.memref_squeeze %dma_start3A_204 : memref<1x1x!tpu.dma_semaphore, #tpu.memory_space<semaphore_mem>> -> memref<!tpu.dma_semaphore, #tpu.memory_space<semaphore_mem>>
      %dma_start3A_206 = arith.constant 6272 : i32
      %dma_start3A_207 = tpu.memref_slice %arg8[%dma_start3A_206] : memref<25088xf32, #tpu.memory_space<vmem>> -> memref<3136xf32, #tpu.memory_space<vmem>>
      %dma_start3A_208 = tpu.memref_slice %arg2[%mul3A_198] : memref<38535168xf32, #tpu.memory_space<hbm>> -> memref<3136xf32, #tpu.memory_space<hbm>>
      tpu.enqueue_dma source(%dma_start3A_208 : memref<3136xf32, #tpu.memory_space<hbm>>) target(%dma_start3A_207 : memref<3136xf32, #tpu.memory_space<vmem>>) target_semaphore(%dma_start3A_205 : memref<!tpu.dma_semaphore, #tpu.memory_space<semaphore_mem>>)
      %mul3A_209 = arith.constant 8 : i32
      %mul3A_210 = arith.muli %add3A_152, %mul3A_209 : i32
      %add3A_211 = arith.constant 3 : i32
      %add3A_212 = arith.addi %mul3A_210, %add3A_211 : i32
      %get3A_213 = arith.index_cast %add3A_212 : i32 to index
      %get3A_214 = memref.load %arg5[%get3A_213] : memref<384xi32, #tpu.memory_space<smem>>
      %mul3A_215 = arith.constant 3136 : i32
      %mul3A_216 = arith.muli %get3A_214, %mul3A_215 : i32
      %dma_start3A_217 = arith.constant 1 : i32
      %dma_start3A_218 = arith.constant 3 : i32
      %dma_start3A_219 = arith.constant 9408 : i32
      %dma_start3A_220 = tpu.memref_slice %arg8[%dma_start3A_219] : memref<25088xf32, #tpu.memory_space<vmem>> -> memref<3136xf32, #tpu.memory_space<vmem>>
      %dma_start3A_221 = tpu.memref_slice %arg2[%mul3A_216] : memref<38535168xf32, #tpu.memory_space<hbm>> -> memref<3136xf32, #tpu.memory_space<hbm>>
      %dma_start3A_222 = tpu.memref_slice %arg9[%dma_start3A_217, %dma_start3A_218] : memref<2x8x!tpu.dma_semaphore, #tpu.memory_space<semaphore_mem>> -> memref<1x1x!tpu.dma_semaphore, #tpu.memory_space<semaphore_mem>>
      %dma_start3A_223 = tpu.memref_squeeze %dma_start3A_222 : memref<1x1x!tpu.dma_semaphore, #tpu.memory_space<semaphore_mem>> -> memref<!tpu.dma_semaphore, #tpu.memory_space<semaphore_mem>>
      %dma_start3A_224 = arith.constant 9408 : i32
      %dma_start3A_225 = tpu.memref_slice %arg8[%dma_start3A_224] : memref<25088xf32, #tpu.memory_space<vmem>> -> memref<3136xf32, #tpu.memory_space<vmem>>
      %dma_start3A_226 = tpu.memref_slice %arg2[%mul3A_216] : memref<38535168xf32, #tpu.memory_space<hbm>> -> memref<3136xf32, #tpu.memory_space<hbm>>
      tpu.enqueue_dma source(%dma_start3A_226 : memref<3136xf32, #tpu.memory_space<hbm>>) target(%dma_start3A_225 : memref<3136xf32, #tpu.memory_space<vmem>>) target_semaphore(%dma_start3A_223 : memref<!tpu.dma_semaphore, #tpu.memory_space<semaphore_mem>>)
      %mul3A_227 = arith.constant 8 : i32
      %mul3A_228 = arith.muli %add3A_152, %mul3A_227 : i32
      %add3A_229 = arith.constant 4 : i32
      %add3A_230 = arith.addi %mul3A_228, %add3A_229 : i32
      %get3A_231 = arith.index_cast %add3A_230 : i32 to index
      %get3A_232 = memref.load %arg5[%get3A_231] : memref<384xi32, #tpu.memory_space<smem>>
      %mul3A_233 = arith.constant 3136 : i32
      %mul3A_234 = arith.muli %get3A_232, %mul3A_233 : i32
      %dma_start3A_235 = arith.constant 1 : i32
      %dma_start3A_236 = arith.constant 4 : i32
      %dma_start3A_237 = arith.constant 12544 : i32
      %dma_start3A_238 = tpu.memref_slice %arg8[%dma_start3A_237] : memref<25088xf32, #tpu.memory_space<vmem>> -> memref<3136xf32, #tpu.memory_space<vmem>>
      %dma_start3A_239 = tpu.memref_slice %arg2[%mul3A_234] : memref<38535168xf32, #tpu.memory_space<hbm>> -> memref<3136xf32, #tpu.memory_space<hbm>>
      %dma_start3A_240 = tpu.memref_slice %arg9[%dma_start3A_235, %dma_start3A_236] : memref<2x8x!tpu.dma_semaphore, #tpu.memory_space<semaphore_mem>> -> memref<1x1x!tpu.dma_semaphore, #tpu.memory_space<semaphore_mem>>
      %dma_start3A_241 = tpu.memref_squeeze %dma_start3A_240 : memref<1x1x!tpu.dma_semaphore, #tpu.memory_space<semaphore_mem>> -> memref<!tpu.dma_semaphore, #tpu.memory_space<semaphore_mem>>
      %dma_start3A_242 = arith.constant 12544 : i32
      %dma_start3A_243 = tpu.memref_slice %arg8[%dma_start3A_242] : memref<25088xf32, #tpu.memory_space<vmem>> -> memref<3136xf32, #tpu.memory_space<vmem>>
      %dma_start3A_244 = tpu.memref_slice %arg2[%mul3A_234] : memref<38535168xf32, #tpu.memory_space<hbm>> -> memref<3136xf32, #tpu.memory_space<hbm>>
      tpu.enqueue_dma source(%dma_start3A_244 : memref<3136xf32, #tpu.memory_space<hbm>>) target(%dma_start3A_243 : memref<3136xf32, #tpu.memory_space<vmem>>) target_semaphore(%dma_start3A_241 : memref<!tpu.dma_semaphore, #tpu.memory_space<semaphore_mem>>)
      %mul3A_245 = arith.constant 8 : i32
      %mul3A_246 = arith.muli %add3A_152, %mul3A_245 : i32
      %add3A_247 = arith.constant 5 : i32
      %add3A_248 = arith.addi %mul3A_246, %add3A_247 : i32
      %get3A_249 = arith.index_cast %add3A_248 : i32 to index
      %get3A_250 = memref.load %arg5[%get3A_249] : memref<384xi32, #tpu.memory_space<smem>>
      %mul3A_251 = arith.constant 3136 : i32
      %mul3A_252 = arith.muli %get3A_250, %mul3A_251 : i32
      %dma_start3A_253 = arith.constant 1 : i32
      %dma_start3A_254 = arith.constant 5 : i32
      %dma_start3A_255 = arith.constant 15680 : i32
      %dma_start3A_256 = tpu.memref_slice %arg8[%dma_start3A_255] : memref<25088xf32, #tpu.memory_space<vmem>> -> memref<3136xf32, #tpu.memory_space<vmem>>
      %dma_start3A_257 = tpu.memref_slice %arg2[%mul3A_252] : memref<38535168xf32, #tpu.memory_space<hbm>> -> memref<3136xf32, #tpu.memory_space<hbm>>
      %dma_start3A_258 = tpu.memref_slice %arg9[%dma_start3A_253, %dma_start3A_254] : memref<2x8x!tpu.dma_semaphore, #tpu.memory_space<semaphore_mem>> -> memref<1x1x!tpu.dma_semaphore, #tpu.memory_space<semaphore_mem>>
      %dma_start3A_259 = tpu.memref_squeeze %dma_start3A_258 : memref<1x1x!tpu.dma_semaphore, #tpu.memory_space<semaphore_mem>> -> memref<!tpu.dma_semaphore, #tpu.memory_space<semaphore_mem>>
      %dma_start3A_260 = arith.constant 15680 : i32
      %dma_start3A_261 = tpu.memref_slice %arg8[%dma_start3A_260] : memref<25088xf32, #tpu.memory_space<vmem>> -> memref<3136xf32, #tpu.memory_space<vmem>>
      %dma_start3A_262 = tpu.memref_slice %arg2[%mul3A_252] : memref<38535168xf32, #tpu.memory_space<hbm>> -> memref<3136xf32, #tpu.memory_space<hbm>>
      tpu.enqueue_dma source(%dma_start3A_262 : memref<3136xf32, #tpu.memory_space<hbm>>) target(%dma_start3A_261 : memref<3136xf32, #tpu.memory_space<vmem>>) target_semaphore(%dma_start3A_259 : memref<!tpu.dma_semaphore, #tpu.memory_space<semaphore_mem>>)
      %mul3A_263 = arith.constant 8 : i32
      %mul3A_264 = arith.muli %add3A_152, %mul3A_263 : i32
      %add3A_265 = arith.constant 6 : i32
      %add3A_266 = arith.addi %mul3A_264, %add3A_265 : i32
      %get3A_267 = arith.index_cast %add3A_266 : i32 to index
      %get3A_268 = memref.load %arg5[%get3A_267] : memref<384xi32, #tpu.memory_space<smem>>
      %mul3A_269 = arith.constant 3136 : i32
      %mul3A_270 = arith.muli %get3A_268, %mul3A_269 : i32
      %dma_start3A_271 = arith.constant 1 : i32
      %dma_start3A_272 = arith.constant 6 : i32
      %dma_start3A_273 = arith.constant 18816 : i32
      %dma_start3A_274 = tpu.memref_slice %arg8[%dma_start3A_273] : memref<25088xf32, #tpu.memory_space<vmem>> -> memref<3136xf32, #tpu.memory_space<vmem>>
      %dma_start3A_275 = tpu.memref_slice %arg2[%mul3A_270] : memref<38535168xf32, #tpu.memory_space<hbm>> -> memref<3136xf32, #tpu.memory_space<hbm>>
      %dma_start3A_276 = tpu.memref_slice %arg9[%dma_start3A_271, %dma_start3A_272] : memref<2x8x!tpu.dma_semaphore, #tpu.memory_space<semaphore_mem>> -> memref<1x1x!tpu.dma_semaphore, #tpu.memory_space<semaphore_mem>>
      %dma_start3A_277 = tpu.memref_squeeze %dma_start3A_276 : memref<1x1x!tpu.dma_semaphore, #tpu.memory_space<semaphore_mem>> -> memref<!tpu.dma_semaphore, #tpu.memory_space<semaphore_mem>>
      %dma_start3A_278 = arith.constant 18816 : i32
      %dma_start3A_279 = tpu.memref_slice %arg8[%dma_start3A_278] : memref<25088xf32, #tpu.memory_space<vmem>> -> memref<3136xf32, #tpu.memory_space<vmem>>
      %dma_start3A_280 = tpu.memref_slice %arg2[%mul3A_270] : memref<38535168xf32, #tpu.memory_space<hbm>> -> memref<3136xf32, #tpu.memory_space<hbm>>
      tpu.enqueue_dma source(%dma_start3A_280 : memref<3136xf32, #tpu.memory_space<hbm>>) target(%dma_start3A_279 : memref<3136xf32, #tpu.memory_space<vmem>>) target_semaphore(%dma_start3A_277 : memref<!tpu.dma_semaphore, #tpu.memory_space<semaphore_mem>>)
      %mul3A_281 = arith.constant 8 : i32
      %mul3A_282 = arith.muli %add3A_152, %mul3A_281 : i32
      %add3A_283 = arith.constant 7 : i32
      %add3A_284 = arith.addi %mul3A_282, %add3A_283 : i32
      %get3A_285 = arith.index_cast %add3A_284 : i32 to index
      %get3A_286 = memref.load %arg5[%get3A_285] : memref<384xi32, #tpu.memory_space<smem>>
      %mul3A_287 = arith.constant 3136 : i32
      %mul3A_288 = arith.muli %get3A_286, %mul3A_287 : i32
      %dma_start3A_289 = arith.constant 1 : i32
      %dma_start3A_290 = arith.constant 7 : i32
      %dma_start3A_291 = arith.constant 21952 : i32
      %dma_start3A_292 = tpu.memref_slice %arg8[%dma_start3A_291] : memref<25088xf32, #tpu.memory_space<vmem>> -> memref<3136xf32, #tpu.memory_space<vmem>>
      %dma_start3A_293 = tpu.memref_slice %arg2[%mul3A_288] : memref<38535168xf32, #tpu.memory_space<hbm>> -> memref<3136xf32, #tpu.memory_space<hbm>>
      %dma_start3A_294 = tpu.memref_slice %arg9[%dma_start3A_289, %dma_start3A_290] : memref<2x8x!tpu.dma_semaphore, #tpu.memory_space<semaphore_mem>> -> memref<1x1x!tpu.dma_semaphore, #tpu.memory_space<semaphore_mem>>
      %dma_start3A_295 = tpu.memref_squeeze %dma_start3A_294 : memref<1x1x!tpu.dma_semaphore, #tpu.memory_space<semaphore_mem>> -> memref<!tpu.dma_semaphore, #tpu.memory_space<semaphore_mem>>
      %dma_start3A_296 = arith.constant 21952 : i32
      %dma_start3A_297 = tpu.memref_slice %arg8[%dma_start3A_296] : memref<25088xf32, #tpu.memory_space<vmem>> -> memref<3136xf32, #tpu.memory_space<vmem>>
      %dma_start3A_298 = tpu.memref_slice %arg2[%mul3A_288] : memref<38535168xf32, #tpu.memory_space<hbm>> -> memref<3136xf32, #tpu.memory_space<hbm>>
      tpu.enqueue_dma source(%dma_start3A_298 : memref<3136xf32, #tpu.memory_space<hbm>>) target(%dma_start3A_297 : memref<3136xf32, #tpu.memory_space<vmem>>) target_semaphore(%dma_start3A_295 : memref<!tpu.dma_semaphore, #tpu.memory_space<semaphore_mem>>)
      %mul3A_299 = arith.constant 8 : i32
      %mul3A_300 = arith.muli %mul3A_148, %mul3A_299 : i32
      %add3A_301 = arith.constant 0 : i32
      %add3A_302 = arith.addi %mul3A_300, %add3A_301 : i32
      %get3A_303 = arith.index_cast %add3A_302 : i32 to index
      %get3A_304 = memref.load %arg5[%get3A_303] : memref<384xi32, #tpu.memory_space<smem>>
      %mul3A_305 = arith.constant 3136 : i32
      %mul3A_306 = arith.muli %get3A_304, %mul3A_305 : i32
      %dma_wait3A_307 = arith.constant 0 : i32
      %dma_wait3A_308 = arith.constant 0 : i32
      %dma_wait3A_309 = arith.constant 0 : i32
      %dma_wait3A_310 = tpu.memref_slice %arg7[%dma_wait3A_309] : memref<25088xf32, #tpu.memory_space<vmem>> -> memref<3136xf32, #tpu.memory_space<vmem>>
      %dma_wait3A_311 = tpu.memref_slice %arg2[%mul3A_306] : memref<38535168xf32, #tpu.memory_space<hbm>> -> memref<3136xf32, #tpu.memory_space<hbm>>
      %dma_wait3A_312 = tpu.memref_slice %arg9[%dma_wait3A_307, %dma_wait3A_308] : memref<2x8x!tpu.dma_semaphore, #tpu.memory_space<semaphore_mem>> -> memref<1x1x!tpu.dma_semaphore, #tpu.memory_space<semaphore_mem>>
      %dma_wait3A_313 = tpu.memref_squeeze %dma_wait3A_312 : memref<1x1x!tpu.dma_semaphore, #tpu.memory_space<semaphore_mem>> -> memref<!tpu.dma_semaphore, #tpu.memory_space<semaphore_mem>>
      %dma_wait3A_314 = arith.constant 0 : i32
      %dma_wait3A_315 = tpu.memref_slice %arg7[%dma_wait3A_314] : memref<25088xf32, #tpu.memory_space<vmem>> -> memref<3136xf32, #tpu.memory_space<vmem>>
      %dma_wait3A_316 = tpu.memref_slice %arg2[%mul3A_306] : memref<38535168xf32, #tpu.memory_space<hbm>> -> memref<3136xf32, #tpu.memory_space<hbm>>
      tpu.wait_dma2 semaphore(%dma_wait3A_313 : memref<!tpu.dma_semaphore, #tpu.memory_space<semaphore_mem>>) src(%dma_wait3A_316 : memref<3136xf32, #tpu.memory_space<hbm>>) dst(%dma_wait3A_315 : memref<3136xf32, #tpu.memory_space<vmem>>)
      %mul3A_317 = arith.constant 8 : i32
      %mul3A_318 = arith.muli %mul3A_148, %mul3A_317 : i32
      %add3A_319 = arith.constant 1 : i32
      %add3A_320 = arith.addi %mul3A_318, %add3A_319 : i32
      %get3A_321 = arith.index_cast %add3A_320 : i32 to index
      %get3A_322 = memref.load %arg5[%get3A_321] : memref<384xi32, #tpu.memory_space<smem>>
      %mul3A_323 = arith.constant 3136 : i32
      %mul3A_324 = arith.muli %get3A_322, %mul3A_323 : i32
      %dma_wait3A_325 = arith.constant 0 : i32
      %dma_wait3A_326 = arith.constant 1 : i32
      %dma_wait3A_327 = arith.constant 3136 : i32
      %dma_wait3A_328 = tpu.memref_slice %arg7[%dma_wait3A_327] : memref<25088xf32, #tpu.memory_space<vmem>> -> memref<3136xf32, #tpu.memory_space<vmem>>
      %dma_wait3A_329 = tpu.memref_slice %arg2[%mul3A_324] : memref<38535168xf32, #tpu.memory_space<hbm>> -> memref<3136xf32, #tpu.memory_space<hbm>>
      %dma_wait3A_330 = tpu.memref_slice %arg9[%dma_wait3A_325, %dma_wait3A_326] : memref<2x8x!tpu.dma_semaphore, #tpu.memory_space<semaphore_mem>> -> memref<1x1x!tpu.dma_semaphore, #tpu.memory_space<semaphore_mem>>
      %dma_wait3A_331 = tpu.memref_squeeze %dma_wait3A_330 : memref<1x1x!tpu.dma_semaphore, #tpu.memory_space<semaphore_mem>> -> memref<!tpu.dma_semaphore, #tpu.memory_space<semaphore_mem>>
      %dma_wait3A_332 = arith.constant 3136 : i32
      %dma_wait3A_333 = tpu.memref_slice %arg7[%dma_wait3A_332] : memref<25088xf32, #tpu.memory_space<vmem>> -> memref<3136xf32, #tpu.memory_space<vmem>>
      %dma_wait3A_334 = tpu.memref_slice %arg2[%mul3A_324] : memref<38535168xf32, #tpu.memory_space<hbm>> -> memref<3136xf32, #tpu.memory_space<hbm>>
      tpu.wait_dma2 semaphore(%dma_wait3A_331 : memref<!tpu.dma_semaphore, #tpu.memory_space<semaphore_mem>>) src(%dma_wait3A_334 : memref<3136xf32, #tpu.memory_space<hbm>>) dst(%dma_wait3A_333 : memref<3136xf32, #tpu.memory_space<vmem>>)
      %mul3A_335 = arith.constant 8 : i32
      %mul3A_336 = arith.muli %mul3A_148, %mul3A_335 : i32
      %add3A_337 = arith.constant 2 : i32
      %add3A_338 = arith.addi %mul3A_336, %add3A_337 : i32
      %get3A_339 = arith.index_cast %add3A_338 : i32 to index
      %get3A_340 = memref.load %arg5[%get3A_339] : memref<384xi32, #tpu.memory_space<smem>>
      %mul3A_341 = arith.constant 3136 : i32
      %mul3A_342 = arith.muli %get3A_340, %mul3A_341 : i32
      %dma_wait3A_343 = arith.constant 0 : i32
      %dma_wait3A_344 = arith.constant 2 : i32
      %dma_wait3A_345 = arith.constant 6272 : i32
      %dma_wait3A_346 = tpu.memref_slice %arg7[%dma_wait3A_345] : memref<25088xf32, #tpu.memory_space<vmem>> -> memref<3136xf32, #tpu.memory_space<vmem>>
      %dma_wait3A_347 = tpu.memref_slice %arg2[%mul3A_342] : memref<38535168xf32, #tpu.memory_space<hbm>> -> memref<3136xf32, #tpu.memory_space<hbm>>
      %dma_wait3A_348 = tpu.memref_slice %arg9[%dma_wait3A_343, %dma_wait3A_344] : memref<2x8x!tpu.dma_semaphore, #tpu.memory_space<semaphore_mem>> -> memref<1x1x!tpu.dma_semaphore, #tpu.memory_space<semaphore_mem>>
      %dma_wait3A_349 = tpu.memref_squeeze %dma_wait3A_348 : memref<1x1x!tpu.dma_semaphore, #tpu.memory_space<semaphore_mem>> -> memref<!tpu.dma_semaphore, #tpu.memory_space<semaphore_mem>>
      %dma_wait3A_350 = arith.constant 6272 : i32
      %dma_wait3A_351 = tpu.memref_slice %arg7[%dma_wait3A_350] : memref<25088xf32, #tpu.memory_space<vmem>> -> memref<3136xf32, #tpu.memory_space<vmem>>
      %dma_wait3A_352 = tpu.memref_slice %arg2[%mul3A_342] : memref<38535168xf32, #tpu.memory_space<hbm>> -> memref<3136xf32, #tpu.memory_space<hbm>>
      tpu.wait_dma2 semaphore(%dma_wait3A_349 : memref<!tpu.dma_semaphore, #tpu.memory_space<semaphore_mem>>) src(%dma_wait3A_352 : memref<3136xf32, #tpu.memory_space<hbm>>) dst(%dma_wait3A_351 : memref<3136xf32, #tpu.memory_space<vmem>>)
      %mul3A_353 = arith.constant 8 : i32
      %mul3A_354 = arith.muli %mul3A_148, %mul3A_353 : i32
      %add3A_355 = arith.constant 3 : i32
      %add3A_356 = arith.addi %mul3A_354, %add3A_355 : i32
      %get3A_357 = arith.index_cast %add3A_356 : i32 to index
      %get3A_358 = memref.load %arg5[%get3A_357] : memref<384xi32, #tpu.memory_space<smem>>
      %mul3A_359 = arith.constant 3136 : i32
      %mul3A_360 = arith.muli %get3A_358, %mul3A_359 : i32
      %dma_wait3A_361 = arith.constant 0 : i32
      %dma_wait3A_362 = arith.constant 3 : i32
      %dma_wait3A_363 = arith.constant 9408 : i32
      %dma_wait3A_364 = tpu.memref_slice %arg7[%dma_wait3A_363] : memref<25088xf32, #tpu.memory_space<vmem>> -> memref<3136xf32, #tpu.memory_space<vmem>>
      %dma_wait3A_365 = tpu.memref_slice %arg2[%mul3A_360] : memref<38535168xf32, #tpu.memory_space<hbm>> -> memref<3136xf32, #tpu.memory_space<hbm>>
      %dma_wait3A_366 = tpu.memref_slice %arg9[%dma_wait3A_361, %dma_wait3A_362] : memref<2x8x!tpu.dma_semaphore, #tpu.memory_space<semaphore_mem>> -> memref<1x1x!tpu.dma_semaphore, #tpu.memory_space<semaphore_mem>>
      %dma_wait3A_367 = tpu.memref_squeeze %dma_wait3A_366 : memref<1x1x!tpu.dma_semaphore, #tpu.memory_space<semaphore_mem>> -> memref<!tpu.dma_semaphore, #tpu.memory_space<semaphore_mem>>
      %dma_wait3A_368 = arith.constant 9408 : i32
      %dma_wait3A_369 = tpu.memref_slice %arg7[%dma_wait3A_368] : memref<25088xf32, #tpu.memory_space<vmem>> -> memref<3136xf32, #tpu.memory_space<vmem>>
      %dma_wait3A_370 = tpu.memref_slice %arg2[%mul3A_360] : memref<38535168xf32, #tpu.memory_space<hbm>> -> memref<3136xf32, #tpu.memory_space<hbm>>
      tpu.wait_dma2 semaphore(%dma_wait3A_367 : memref<!tpu.dma_semaphore, #tpu.memory_space<semaphore_mem>>) src(%dma_wait3A_370 : memref<3136xf32, #tpu.memory_space<hbm>>) dst(%dma_wait3A_369 : memref<3136xf32, #tpu.memory_space<vmem>>)
      %mul3A_371 = arith.constant 8 : i32
      %mul3A_372 = arith.muli %mul3A_148, %mul3A_371 : i32
      %add3A_373 = arith.constant 4 : i32
      %add3A_374 = arith.addi %mul3A_372, %add3A_373 : i32
      %get3A_375 = arith.index_cast %add3A_374 : i32 to index
      %get3A_376 = memref.load %arg5[%get3A_375] : memref<384xi32, #tpu.memory_space<smem>>
      %mul3A_377 = arith.constant 3136 : i32
      %mul3A_378 = arith.muli %get3A_376, %mul3A_377 : i32
      %dma_wait3A_379 = arith.constant 0 : i32
      %dma_wait3A_380 = arith.constant 4 : i32
      %dma_wait3A_381 = arith.constant 12544 : i32
      %dma_wait3A_382 = tpu.memref_slice %arg7[%dma_wait3A_381] : memref<25088xf32, #tpu.memory_space<vmem>> -> memref<3136xf32, #tpu.memory_space<vmem>>
      %dma_wait3A_383 = tpu.memref_slice %arg2[%mul3A_378] : memref<38535168xf32, #tpu.memory_space<hbm>> -> memref<3136xf32, #tpu.memory_space<hbm>>
      %dma_wait3A_384 = tpu.memref_slice %arg9[%dma_wait3A_379, %dma_wait3A_380] : memref<2x8x!tpu.dma_semaphore, #tpu.memory_space<semaphore_mem>> -> memref<1x1x!tpu.dma_semaphore, #tpu.memory_space<semaphore_mem>>
      %dma_wait3A_385 = tpu.memref_squeeze %dma_wait3A_384 : memref<1x1x!tpu.dma_semaphore, #tpu.memory_space<semaphore_mem>> -> memref<!tpu.dma_semaphore, #tpu.memory_space<semaphore_mem>>
      %dma_wait3A_386 = arith.constant 12544 : i32
      %dma_wait3A_387 = tpu.memref_slice %arg7[%dma_wait3A_386] : memref<25088xf32, #tpu.memory_space<vmem>> -> memref<3136xf32, #tpu.memory_space<vmem>>
      %dma_wait3A_388 = tpu.memref_slice %arg2[%mul3A_378] : memref<38535168xf32, #tpu.memory_space<hbm>> -> memref<3136xf32, #tpu.memory_space<hbm>>
      tpu.wait_dma2 semaphore(%dma_wait3A_385 : memref<!tpu.dma_semaphore, #tpu.memory_space<semaphore_mem>>) src(%dma_wait3A_388 : memref<3136xf32, #tpu.memory_space<hbm>>) dst(%dma_wait3A_387 : memref<3136xf32, #tpu.memory_space<vmem>>)
      %mul3A_389 = arith.constant 8 : i32
      %mul3A_390 = arith.muli %mul3A_148, %mul3A_389 : i32
      %add3A_391 = arith.constant 5 : i32
      %add3A_392 = arith.addi %mul3A_390, %add3A_391 : i32
      %get3A_393 = arith.index_cast %add3A_392 : i32 to index
      %get3A_394 = memref.load %arg5[%get3A_393] : memref<384xi32, #tpu.memory_space<smem>>
      %mul3A_395 = arith.constant 3136 : i32
      %mul3A_396 = arith.muli %get3A_394, %mul3A_395 : i32
      %dma_wait3A_397 = arith.constant 0 : i32
      %dma_wait3A_398 = arith.constant 5 : i32
      %dma_wait3A_399 = arith.constant 15680 : i32
      %dma_wait3A_400 = tpu.memref_slice %arg7[%dma_wait3A_399] : memref<25088xf32, #tpu.memory_space<vmem>> -> memref<3136xf32, #tpu.memory_space<vmem>>
      %dma_wait3A_401 = tpu.memref_slice %arg2[%mul3A_396] : memref<38535168xf32, #tpu.memory_space<hbm>> -> memref<3136xf32, #tpu.memory_space<hbm>>
      %dma_wait3A_402 = tpu.memref_slice %arg9[%dma_wait3A_397, %dma_wait3A_398] : memref<2x8x!tpu.dma_semaphore, #tpu.memory_space<semaphore_mem>> -> memref<1x1x!tpu.dma_semaphore, #tpu.memory_space<semaphore_mem>>
      %dma_wait3A_403 = tpu.memref_squeeze %dma_wait3A_402 : memref<1x1x!tpu.dma_semaphore, #tpu.memory_space<semaphore_mem>> -> memref<!tpu.dma_semaphore, #tpu.memory_space<semaphore_mem>>
      %dma_wait3A_404 = arith.constant 15680 : i32
      %dma_wait3A_405 = tpu.memref_slice %arg7[%dma_wait3A_404] : memref<25088xf32, #tpu.memory_space<vmem>> -> memref<3136xf32, #tpu.memory_space<vmem>>
      %dma_wait3A_406 = tpu.memref_slice %arg2[%mul3A_396] : memref<38535168xf32, #tpu.memory_space<hbm>> -> memref<3136xf32, #tpu.memory_space<hbm>>
      tpu.wait_dma2 semaphore(%dma_wait3A_403 : memref<!tpu.dma_semaphore, #tpu.memory_space<semaphore_mem>>) src(%dma_wait3A_406 : memref<3136xf32, #tpu.memory_space<hbm>>) dst(%dma_wait3A_405 : memref<3136xf32, #tpu.memory_space<vmem>>)
      %mul3A_407 = arith.constant 8 : i32
      %mul3A_408 = arith.muli %mul3A_148, %mul3A_407 : i32
      %add3A_409 = arith.constant 6 : i32
      %add3A_410 = arith.addi %mul3A_408, %add3A_409 : i32
      %get3A_411 = arith.index_cast %add3A_410 : i32 to index
      %get3A_412 = memref.load %arg5[%get3A_411] : memref<384xi32, #tpu.memory_space<smem>>
      %mul3A_413 = arith.constant 3136 : i32
      %mul3A_414 = arith.muli %get3A_412, %mul3A_413 : i32
      %dma_wait3A_415 = arith.constant 0 : i32
      %dma_wait3A_416 = arith.constant 6 : i32
      %dma_wait3A_417 = arith.constant 18816 : i32
      %dma_wait3A_418 = tpu.memref_slice %arg7[%dma_wait3A_417] : memref<25088xf32, #tpu.memory_space<vmem>> -> memref<3136xf32, #tpu.memory_space<vmem>>
      %dma_wait3A_419 = tpu.memref_slice %arg2[%mul3A_414] : memref<38535168xf32, #tpu.memory_space<hbm>> -> memref<3136xf32, #tpu.memory_space<hbm>>
      %dma_wait3A_420 = tpu.memref_slice %arg9[%dma_wait3A_415, %dma_wait3A_416] : memref<2x8x!tpu.dma_semaphore, #tpu.memory_space<semaphore_mem>> -> memref<1x1x!tpu.dma_semaphore, #tpu.memory_space<semaphore_mem>>
      %dma_wait3A_421 = tpu.memref_squeeze %dma_wait3A_420 : memref<1x1x!tpu.dma_semaphore, #tpu.memory_space<semaphore_mem>> -> memref<!tpu.dma_semaphore, #tpu.memory_space<semaphore_mem>>
      %dma_wait3A_422 = arith.constant 18816 : i32
      %dma_wait3A_423 = tpu.memref_slice %arg7[%dma_wait3A_422] : memref<25088xf32, #tpu.memory_space<vmem>> -> memref<3136xf32, #tpu.memory_space<vmem>>
      %dma_wait3A_424 = tpu.memref_slice %arg2[%mul3A_414] : memref<38535168xf32, #tpu.memory_space<hbm>> -> memref<3136xf32, #tpu.memory_space<hbm>>
      tpu.wait_dma2 semaphore(%dma_wait3A_421 : memref<!tpu.dma_semaphore, #tpu.memory_space<semaphore_mem>>) src(%dma_wait3A_424 : memref<3136xf32, #tpu.memory_space<hbm>>) dst(%dma_wait3A_423 : memref<3136xf32, #tpu.memory_space<vmem>>)
      %mul3A_425 = arith.constant 8 : i32
      %mul3A_426 = arith.muli %mul3A_148, %mul3A_425 : i32
      %add3A_427 = arith.constant 7 : i32
      %add3A_428 = arith.addi %mul3A_426, %add3A_427 : i32
      %get3A_429 = arith.index_cast %add3A_428 : i32 to index
      %get3A_430 = memref.load %arg5[%get3A_429] : memref<384xi32, #tpu.memory_space<smem>>
      %mul3A_431 = arith.constant 3136 : i32
      %mul3A_432 = arith.muli %get3A_430, %mul3A_431 : i32
      %dma_wait3A_433 = arith.constant 0 : i32
      %dma_wait3A_434 = arith.constant 7 : i32
      %dma_wait3A_435 = arith.constant 21952 : i32
      %dma_wait3A_436 = tpu.memref_slice %arg7[%dma_wait3A_435] : memref<25088xf32, #tpu.memory_space<vmem>> -> memref<3136xf32, #tpu.memory_space<vmem>>
      %dma_wait3A_437 = tpu.memref_slice %arg2[%mul3A_432] : memref<38535168xf32, #tpu.memory_space<hbm>> -> memref<3136xf32, #tpu.memory_space<hbm>>
      %dma_wait3A_438 = tpu.memref_slice %arg9[%dma_wait3A_433, %dma_wait3A_434] : memref<2x8x!tpu.dma_semaphore, #tpu.memory_space<semaphore_mem>> -> memref<1x1x!tpu.dma_semaphore, #tpu.memory_space<semaphore_mem>>
      %dma_wait3A_439 = tpu.memref_squeeze %dma_wait3A_438 : memref<1x1x!tpu.dma_semaphore, #tpu.memory_space<semaphore_mem>> -> memref<!tpu.dma_semaphore, #tpu.memory_space<semaphore_mem>>
      %dma_wait3A_440 = arith.constant 21952 : i32
      %dma_wait3A_441 = tpu.memref_slice %arg7[%dma_wait3A_440] : memref<25088xf32, #tpu.memory_space<vmem>> -> memref<3136xf32, #tpu.memory_space<vmem>>
      %dma_wait3A_442 = tpu.memref_slice %arg2[%mul3A_432] : memref<38535168xf32, #tpu.memory_space<hbm>> -> memref<3136xf32, #tpu.memory_space<hbm>>
      tpu.wait_dma2 semaphore(%dma_wait3A_439 : memref<!tpu.dma_semaphore, #tpu.memory_space<semaphore_mem>>) src(%dma_wait3A_442 : memref<3136xf32, #tpu.memory_space<hbm>>) dst(%dma_wait3A_441 : memref<3136xf32, #tpu.memory_space<vmem>>)
      %mul3A_443 = arith.constant 8 : i32
      %mul3A_444 = arith.muli %mul3A_148, %mul3A_443 : i32
      %add3A_445 = arith.addi %mul3A_2, %mul3A_444 : i32
      %mul3A_446 = arith.constant 3136 : i32
      %mul3A_447 = arith.muli %add3A_445, %mul3A_446 : i32
      %dma_start3A_448 = arith.constant 0 : i32
      %dma_start3A_449 = tpu.memref_slice %arg4[%mul3A_447] : memref<38535168xf32, #tpu.memory_space<hbm>> -> memref<25088xf32, #tpu.memory_space<hbm>>
      %dma_start3A_450 = tpu.memref_slice %arg10[%dma_start3A_448] : memref<2x!tpu.dma_semaphore, #tpu.memory_space<semaphore_mem>> -> memref<1x!tpu.dma_semaphore, #tpu.memory_space<semaphore_mem>>
      %dma_start3A_451 = tpu.memref_squeeze %dma_start3A_450 : memref<1x!tpu.dma_semaphore, #tpu.memory_space<semaphore_mem>> -> memref<!tpu.dma_semaphore, #tpu.memory_space<semaphore_mem>>
      %dma_start3A_452 = tpu.memref_slice %arg4[%mul3A_447] : memref<38535168xf32, #tpu.memory_space<hbm>> -> memref<25088xf32, #tpu.memory_space<hbm>>
      tpu.enqueue_dma source(%arg7 : memref<25088xf32, #tpu.memory_space<vmem>>) target(%dma_start3A_452 : memref<25088xf32, #tpu.memory_space<hbm>>) target_semaphore(%dma_start3A_451 : memref<!tpu.dma_semaphore, #tpu.memory_space<semaphore_mem>>)
      %lt3A = arith.constant 23 : i32
      %lt3A_453 = arith.cmpi slt, %add3A_146, %lt3A : i32
      %convert_element_type3A_454 = arith.extui %lt3A_453 : i1 to i32
      %cond3A_455 = arith.constant 0 : i32
      %cond3A_456 = arith.cmpi ne, %convert_element_type3A_454, %cond3A_455 : i32
      scf.if %cond3A_456 {
        %mul3A_611 = arith.constant 8 : i32
        %mul3A_612 = arith.muli %mul3A_148, %mul3A_611 : i32
        %add3A_613 = arith.addi %mul3A_2, %mul3A_612 : i32
        %mul3A_614 = arith.constant 3136 : i32
        %mul3A_615 = arith.muli %add3A_613, %mul3A_614 : i32
        %dma_wait3A_616 = arith.constant 0 : i32
        %dma_wait3A_617 = tpu.memref_slice %arg4[%mul3A_615] : memref<38535168xf32, #tpu.memory_space<hbm>> -> memref<25088xf32, #tpu.memory_space<hbm>>
        %dma_wait3A_618 = tpu.memref_slice %arg10[%dma_wait3A_616] : memref<2x!tpu.dma_semaphore, #tpu.memory_space<semaphore_mem>> -> memref<1x!tpu.dma_semaphore, #tpu.memory_space<semaphore_mem>>
        %dma_wait3A_619 = tpu.memref_squeeze %dma_wait3A_618 : memref<1x!tpu.dma_semaphore, #tpu.memory_space<semaphore_mem>> -> memref<!tpu.dma_semaphore, #tpu.memory_space<semaphore_mem>>
        %dma_wait3A_620 = tpu.memref_slice %arg4[%mul3A_615] : memref<38535168xf32, #tpu.memory_space<hbm>> -> memref<25088xf32, #tpu.memory_space<hbm>>
        tpu.wait_dma2 semaphore(%dma_wait3A_619 : memref<!tpu.dma_semaphore, #tpu.memory_space<semaphore_mem>>) src(%arg7 : memref<25088xf32, #tpu.memory_space<vmem>>) dst(%dma_wait3A_620 : memref<25088xf32, #tpu.memory_space<hbm>>)
        %add3A_621 = arith.constant 2 : i32
        %add3A_622 = arith.addi %mul3A_148, %add3A_621 : i32
        %mul3A_623 = arith.constant 8 : i32
        %mul3A_624 = arith.muli %add3A_622, %mul3A_623 : i32
        %add3A_625 = arith.constant 0 : i32
        %add3A_626 = arith.addi %mul3A_624, %add3A_625 : i32
        %get3A_627 = arith.index_cast %add3A_626 : i32 to index
        %get3A_628 = memref.load %arg5[%get3A_627] : memref<384xi32, #tpu.memory_space<smem>>
        %mul3A_629 = arith.constant 3136 : i32
        %mul3A_630 = arith.muli %get3A_628, %mul3A_629 : i32
        %dma_start3A_631 = arith.constant 0 : i32
        %dma_start3A_632 = arith.constant 0 : i32
        %dma_start3A_633 = arith.constant 0 : i32
        %dma_start3A_634 = tpu.memref_slice %arg7[%dma_start3A_633] : memref<25088xf32, #tpu.memory_space<vmem>> -> memref<3136xf32, #tpu.memory_space<vmem>>
        %dma_start3A_635 = tpu.memref_slice %arg2[%mul3A_630] : memref<38535168xf32, #tpu.memory_space<hbm>> -> memref<3136xf32, #tpu.memory_space<hbm>>
        %dma_start3A_636 = tpu.memref_slice %arg9[%dma_start3A_631, %dma_start3A_632] : memref<2x8x!tpu.dma_semaphore, #tpu.memory_space<semaphore_mem>> -> memref<1x1x!tpu.dma_semaphore, #tpu.memory_space<semaphore_mem>>
        %dma_start3A_637 = tpu.memref_squeeze %dma_start3A_636 : memref<1x1x!tpu.dma_semaphore, #tpu.memory_space<semaphore_mem>> -> memref<!tpu.dma_semaphore, #tpu.memory_space<semaphore_mem>>
        %dma_start3A_638 = arith.constant 0 : i32
        %dma_start3A_639 = tpu.memref_slice %arg7[%dma_start3A_638] : memref<25088xf32, #tpu.memory_space<vmem>> -> memref<3136xf32, #tpu.memory_space<vmem>>
        %dma_start3A_640 = tpu.memref_slice %arg2[%mul3A_630] : memref<38535168xf32, #tpu.memory_space<hbm>> -> memref<3136xf32, #tpu.memory_space<hbm>>
        tpu.enqueue_dma source(%dma_start3A_640 : memref<3136xf32, #tpu.memory_space<hbm>>) target(%dma_start3A_639 : memref<3136xf32, #tpu.memory_space<vmem>>) target_semaphore(%dma_start3A_637 : memref<!tpu.dma_semaphore, #tpu.memory_space<semaphore_mem>>)
        %add3A_641 = arith.constant 2 : i32
        %add3A_642 = arith.addi %mul3A_148, %add3A_641 : i32
        %mul3A_643 = arith.constant 8 : i32
        %mul3A_644 = arith.muli %add3A_642, %mul3A_643 : i32
        %add3A_645 = arith.constant 1 : i32
        %add3A_646 = arith.addi %mul3A_644, %add3A_645 : i32
        %get3A_647 = arith.index_cast %add3A_646 : i32 to index
        %get3A_648 = memref.load %arg5[%get3A_647] : memref<384xi32, #tpu.memory_space<smem>>
        %mul3A_649 = arith.constant 3136 : i32
        %mul3A_650 = arith.muli %get3A_648, %mul3A_649 : i32
        %dma_start3A_651 = arith.constant 0 : i32
        %dma_start3A_652 = arith.constant 1 : i32
        %dma_start3A_653 = arith.constant 3136 : i32
        %dma_start3A_654 = tpu.memref_slice %arg7[%dma_start3A_653] : memref<25088xf32, #tpu.memory_space<vmem>> -> memref<3136xf32, #tpu.memory_space<vmem>>
        %dma_start3A_655 = tpu.memref_slice %arg2[%mul3A_650] : memref<38535168xf32, #tpu.memory_space<hbm>> -> memref<3136xf32, #tpu.memory_space<hbm>>
        %dma_start3A_656 = tpu.memref_slice %arg9[%dma_start3A_651, %dma_start3A_652] : memref<2x8x!tpu.dma_semaphore, #tpu.memory_space<semaphore_mem>> -> memref<1x1x!tpu.dma_semaphore, #tpu.memory_space<semaphore_mem>>
        %dma_start3A_657 = tpu.memref_squeeze %dma_start3A_656 : memref<1x1x!tpu.dma_semaphore, #tpu.memory_space<semaphore_mem>> -> memref<!tpu.dma_semaphore, #tpu.memory_space<semaphore_mem>>
        %dma_start3A_658 = arith.constant 3136 : i32
        %dma_start3A_659 = tpu.memref_slice %arg7[%dma_start3A_658] : memref<25088xf32, #tpu.memory_space<vmem>> -> memref<3136xf32, #tpu.memory_space<vmem>>
        %dma_start3A_660 = tpu.memref_slice %arg2[%mul3A_650] : memref<38535168xf32, #tpu.memory_space<hbm>> -> memref<3136xf32, #tpu.memory_space<hbm>>
        tpu.enqueue_dma source(%dma_start3A_660 : memref<3136xf32, #tpu.memory_space<hbm>>) target(%dma_start3A_659 : memref<3136xf32, #tpu.memory_space<vmem>>) target_semaphore(%dma_start3A_657 : memref<!tpu.dma_semaphore, #tpu.memory_space<semaphore_mem>>)
        %add3A_661 = arith.constant 2 : i32
        %add3A_662 = arith.addi %mul3A_148, %add3A_661 : i32
        %mul3A_663 = arith.constant 8 : i32
        %mul3A_664 = arith.muli %add3A_662, %mul3A_663 : i32
        %add3A_665 = arith.constant 2 : i32
        %add3A_666 = arith.addi %mul3A_664, %add3A_665 : i32
        %get3A_667 = arith.index_cast %add3A_666 : i32 to index
        %get3A_668 = memref.load %arg5[%get3A_667] : memref<384xi32, #tpu.memory_space<smem>>
        %mul3A_669 = arith.constant 3136 : i32
        %mul3A_670 = arith.muli %get3A_668, %mul3A_669 : i32
        %dma_start3A_671 = arith.constant 0 : i32
        %dma_start3A_672 = arith.constant 2 : i32
        %dma_start3A_673 = arith.constant 6272 : i32
        %dma_start3A_674 = tpu.memref_slice %arg7[%dma_start3A_673] : memref<25088xf32, #tpu.memory_space<vmem>> -> memref<3136xf32, #tpu.memory_space<vmem>>
        %dma_start3A_675 = tpu.memref_slice %arg2[%mul3A_670] : memref<38535168xf32, #tpu.memory_space<hbm>> -> memref<3136xf32, #tpu.memory_space<hbm>>
        %dma_start3A_676 = tpu.memref_slice %arg9[%dma_start3A_671, %dma_start3A_672] : memref<2x8x!tpu.dma_semaphore, #tpu.memory_space<semaphore_mem>> -> memref<1x1x!tpu.dma_semaphore, #tpu.memory_space<semaphore_mem>>
        %dma_start3A_677 = tpu.memref_squeeze %dma_start3A_676 : memref<1x1x!tpu.dma_semaphore, #tpu.memory_space<semaphore_mem>> -> memref<!tpu.dma_semaphore, #tpu.memory_space<semaphore_mem>>
        %dma_start3A_678 = arith.constant 6272 : i32
        %dma_start3A_679 = tpu.memref_slice %arg7[%dma_start3A_678] : memref<25088xf32, #tpu.memory_space<vmem>> -> memref<3136xf32, #tpu.memory_space<vmem>>
        %dma_start3A_680 = tpu.memref_slice %arg2[%mul3A_670] : memref<38535168xf32, #tpu.memory_space<hbm>> -> memref<3136xf32, #tpu.memory_space<hbm>>
        tpu.enqueue_dma source(%dma_start3A_680 : memref<3136xf32, #tpu.memory_space<hbm>>) target(%dma_start3A_679 : memref<3136xf32, #tpu.memory_space<vmem>>) target_semaphore(%dma_start3A_677 : memref<!tpu.dma_semaphore, #tpu.memory_space<semaphore_mem>>)
        %add3A_681 = arith.constant 2 : i32
        %add3A_682 = arith.addi %mul3A_148, %add3A_681 : i32
        %mul3A_683 = arith.constant 8 : i32
        %mul3A_684 = arith.muli %add3A_682, %mul3A_683 : i32
        %add3A_685 = arith.constant 3 : i32
        %add3A_686 = arith.addi %mul3A_684, %add3A_685 : i32
        %get3A_687 = arith.index_cast %add3A_686 : i32 to index
        %get3A_688 = memref.load %arg5[%get3A_687] : memref<384xi32, #tpu.memory_space<smem>>
        %mul3A_689 = arith.constant 3136 : i32
        %mul3A_690 = arith.muli %get3A_688, %mul3A_689 : i32
        %dma_start3A_691 = arith.constant 0 : i32
        %dma_start3A_692 = arith.constant 3 : i32
        %dma_start3A_693 = arith.constant 9408 : i32
        %dma_start3A_694 = tpu.memref_slice %arg7[%dma_start3A_693] : memref<25088xf32, #tpu.memory_space<vmem>> -> memref<3136xf32, #tpu.memory_space<vmem>>
        %dma_start3A_695 = tpu.memref_slice %arg2[%mul3A_690] : memref<38535168xf32, #tpu.memory_space<hbm>> -> memref<3136xf32, #tpu.memory_space<hbm>>
        %dma_start3A_696 = tpu.memref_slice %arg9[%dma_start3A_691, %dma_start3A_692] : memref<2x8x!tpu.dma_semaphore, #tpu.memory_space<semaphore_mem>> -> memref<1x1x!tpu.dma_semaphore, #tpu.memory_space<semaphore_mem>>
        %dma_start3A_697 = tpu.memref_squeeze %dma_start3A_696 : memref<1x1x!tpu.dma_semaphore, #tpu.memory_space<semaphore_mem>> -> memref<!tpu.dma_semaphore, #tpu.memory_space<semaphore_mem>>
        %dma_start3A_698 = arith.constant 9408 : i32
        %dma_start3A_699 = tpu.memref_slice %arg7[%dma_start3A_698] : memref<25088xf32, #tpu.memory_space<vmem>> -> memref<3136xf32, #tpu.memory_space<vmem>>
        %dma_start3A_700 = tpu.memref_slice %arg2[%mul3A_690] : memref<38535168xf32, #tpu.memory_space<hbm>> -> memref<3136xf32, #tpu.memory_space<hbm>>
        tpu.enqueue_dma source(%dma_start3A_700 : memref<3136xf32, #tpu.memory_space<hbm>>) target(%dma_start3A_699 : memref<3136xf32, #tpu.memory_space<vmem>>) target_semaphore(%dma_start3A_697 : memref<!tpu.dma_semaphore, #tpu.memory_space<semaphore_mem>>)
        %add3A_701 = arith.constant 2 : i32
        %add3A_702 = arith.addi %mul3A_148, %add3A_701 : i32
        %mul3A_703 = arith.constant 8 : i32
        %mul3A_704 = arith.muli %add3A_702, %mul3A_703 : i32
        %add3A_705 = arith.constant 4 : i32
        %add3A_706 = arith.addi %mul3A_704, %add3A_705 : i32
        %get3A_707 = arith.index_cast %add3A_706 : i32 to index
        %get3A_708 = memref.load %arg5[%get3A_707] : memref<384xi32, #tpu.memory_space<smem>>
        %mul3A_709 = arith.constant 3136 : i32
        %mul3A_710 = arith.muli %get3A_708, %mul3A_709 : i32
        %dma_start3A_711 = arith.constant 0 : i32
        %dma_start3A_712 = arith.constant 4 : i32
        %dma_start3A_713 = arith.constant 12544 : i32
        %dma_start3A_714 = tpu.memref_slice %arg7[%dma_start3A_713] : memref<25088xf32, #tpu.memory_space<vmem>> -> memref<3136xf32, #tpu.memory_space<vmem>>
        %dma_start3A_715 = tpu.memref_slice %arg2[%mul3A_710] : memref<38535168xf32, #tpu.memory_space<hbm>> -> memref<3136xf32, #tpu.memory_space<hbm>>
        %dma_start3A_716 = tpu.memref_slice %arg9[%dma_start3A_711, %dma_start3A_712] : memref<2x8x!tpu.dma_semaphore, #tpu.memory_space<semaphore_mem>> -> memref<1x1x!tpu.dma_semaphore, #tpu.memory_space<semaphore_mem>>
        %dma_start3A_717 = tpu.memref_squeeze %dma_start3A_716 : memref<1x1x!tpu.dma_semaphore, #tpu.memory_space<semaphore_mem>> -> memref<!tpu.dma_semaphore, #tpu.memory_space<semaphore_mem>>
        %dma_start3A_718 = arith.constant 12544 : i32
        %dma_start3A_719 = tpu.memref_slice %arg7[%dma_start3A_718] : memref<25088xf32, #tpu.memory_space<vmem>> -> memref<3136xf32, #tpu.memory_space<vmem>>
        %dma_start3A_720 = tpu.memref_slice %arg2[%mul3A_710] : memref<38535168xf32, #tpu.memory_space<hbm>> -> memref<3136xf32, #tpu.memory_space<hbm>>
        tpu.enqueue_dma source(%dma_start3A_720 : memref<3136xf32, #tpu.memory_space<hbm>>) target(%dma_start3A_719 : memref<3136xf32, #tpu.memory_space<vmem>>) target_semaphore(%dma_start3A_717 : memref<!tpu.dma_semaphore, #tpu.memory_space<semaphore_mem>>)
        %add3A_721 = arith.constant 2 : i32
        %add3A_722 = arith.addi %mul3A_148, %add3A_721 : i32
        %mul3A_723 = arith.constant 8 : i32
        %mul3A_724 = arith.muli %add3A_722, %mul3A_723 : i32
        %add3A_725 = arith.constant 5 : i32
        %add3A_726 = arith.addi %mul3A_724, %add3A_725 : i32
        %get3A_727 = arith.index_cast %add3A_726 : i32 to index
        %get3A_728 = memref.load %arg5[%get3A_727] : memref<384xi32, #tpu.memory_space<smem>>
        %mul3A_729 = arith.constant 3136 : i32
        %mul3A_730 = arith.muli %get3A_728, %mul3A_729 : i32
        %dma_start3A_731 = arith.constant 0 : i32
        %dma_start3A_732 = arith.constant 5 : i32
        %dma_start3A_733 = arith.constant 15680 : i32
        %dma_start3A_734 = tpu.memref_slice %arg7[%dma_start3A_733] : memref<25088xf32, #tpu.memory_space<vmem>> -> memref<3136xf32, #tpu.memory_space<vmem>>
        %dma_start3A_735 = tpu.memref_slice %arg2[%mul3A_730] : memref<38535168xf32, #tpu.memory_space<hbm>> -> memref<3136xf32, #tpu.memory_space<hbm>>
        %dma_start3A_736 = tpu.memref_slice %arg9[%dma_start3A_731, %dma_start3A_732] : memref<2x8x!tpu.dma_semaphore, #tpu.memory_space<semaphore_mem>> -> memref<1x1x!tpu.dma_semaphore, #tpu.memory_space<semaphore_mem>>
        %dma_start3A_737 = tpu.memref_squeeze %dma_start3A_736 : memref<1x1x!tpu.dma_semaphore, #tpu.memory_space<semaphore_mem>> -> memref<!tpu.dma_semaphore, #tpu.memory_space<semaphore_mem>>
        %dma_start3A_738 = arith.constant 15680 : i32
        %dma_start3A_739 = tpu.memref_slice %arg7[%dma_start3A_738] : memref<25088xf32, #tpu.memory_space<vmem>> -> memref<3136xf32, #tpu.memory_space<vmem>>
        %dma_start3A_740 = tpu.memref_slice %arg2[%mul3A_730] : memref<38535168xf32, #tpu.memory_space<hbm>> -> memref<3136xf32, #tpu.memory_space<hbm>>
        tpu.enqueue_dma source(%dma_start3A_740 : memref<3136xf32, #tpu.memory_space<hbm>>) target(%dma_start3A_739 : memref<3136xf32, #tpu.memory_space<vmem>>) target_semaphore(%dma_start3A_737 : memref<!tpu.dma_semaphore, #tpu.memory_space<semaphore_mem>>)
        %add3A_741 = arith.constant 2 : i32
        %add3A_742 = arith.addi %mul3A_148, %add3A_741 : i32
        %mul3A_743 = arith.constant 8 : i32
        %mul3A_744 = arith.muli %add3A_742, %mul3A_743 : i32
        %add3A_745 = arith.constant 6 : i32
        %add3A_746 = arith.addi %mul3A_744, %add3A_745 : i32
        %get3A_747 = arith.index_cast %add3A_746 : i32 to index
        %get3A_748 = memref.load %arg5[%get3A_747] : memref<384xi32, #tpu.memory_space<smem>>
        %mul3A_749 = arith.constant 3136 : i32
        %mul3A_750 = arith.muli %get3A_748, %mul3A_749 : i32
        %dma_start3A_751 = arith.constant 0 : i32
        %dma_start3A_752 = arith.constant 6 : i32
        %dma_start3A_753 = arith.constant 18816 : i32
        %dma_start3A_754 = tpu.memref_slice %arg7[%dma_start3A_753] : memref<25088xf32, #tpu.memory_space<vmem>> -> memref<3136xf32, #tpu.memory_space<vmem>>
        %dma_start3A_755 = tpu.memref_slice %arg2[%mul3A_750] : memref<38535168xf32, #tpu.memory_space<hbm>> -> memref<3136xf32, #tpu.memory_space<hbm>>
        %dma_start3A_756 = tpu.memref_slice %arg9[%dma_start3A_751, %dma_start3A_752] : memref<2x8x!tpu.dma_semaphore, #tpu.memory_space<semaphore_mem>> -> memref<1x1x!tpu.dma_semaphore, #tpu.memory_space<semaphore_mem>>
        %dma_start3A_757 = tpu.memref_squeeze %dma_start3A_756 : memref<1x1x!tpu.dma_semaphore, #tpu.memory_space<semaphore_mem>> -> memref<!tpu.dma_semaphore, #tpu.memory_space<semaphore_mem>>
        %dma_start3A_758 = arith.constant 18816 : i32
        %dma_start3A_759 = tpu.memref_slice %arg7[%dma_start3A_758] : memref<25088xf32, #tpu.memory_space<vmem>> -> memref<3136xf32, #tpu.memory_space<vmem>>
        %dma_start3A_760 = tpu.memref_slice %arg2[%mul3A_750] : memref<38535168xf32, #tpu.memory_space<hbm>> -> memref<3136xf32, #tpu.memory_space<hbm>>
        tpu.enqueue_dma source(%dma_start3A_760 : memref<3136xf32, #tpu.memory_space<hbm>>) target(%dma_start3A_759 : memref<3136xf32, #tpu.memory_space<vmem>>) target_semaphore(%dma_start3A_757 : memref<!tpu.dma_semaphore, #tpu.memory_space<semaphore_mem>>)
        %add3A_761 = arith.constant 2 : i32
        %add3A_762 = arith.addi %mul3A_148, %add3A_761 : i32
        %mul3A_763 = arith.constant 8 : i32
        %mul3A_764 = arith.muli %add3A_762, %mul3A_763 : i32
        %add3A_765 = arith.constant 7 : i32
        %add3A_766 = arith.addi %mul3A_764, %add3A_765 : i32
        %get3A_767 = arith.index_cast %add3A_766 : i32 to index
        %get3A_768 = memref.load %arg5[%get3A_767] : memref<384xi32, #tpu.memory_space<smem>>
        %mul3A_769 = arith.constant 3136 : i32
        %mul3A_770 = arith.muli %get3A_768, %mul3A_769 : i32
        %dma_start3A_771 = arith.constant 0 : i32
        %dma_start3A_772 = arith.constant 7 : i32
        %dma_start3A_773 = arith.constant 21952 : i32
        %dma_start3A_774 = tpu.memref_slice %arg7[%dma_start3A_773] : memref<25088xf32, #tpu.memory_space<vmem>> -> memref<3136xf32, #tpu.memory_space<vmem>>
        %dma_start3A_775 = tpu.memref_slice %arg2[%mul3A_770] : memref<38535168xf32, #tpu.memory_space<hbm>> -> memref<3136xf32, #tpu.memory_space<hbm>>
        %dma_start3A_776 = tpu.memref_slice %arg9[%dma_start3A_771, %dma_start3A_772] : memref<2x8x!tpu.dma_semaphore, #tpu.memory_space<semaphore_mem>> -> memref<1x1x!tpu.dma_semaphore, #tpu.memory_space<semaphore_mem>>
        %dma_start3A_777 = tpu.memref_squeeze %dma_start3A_776 : memref<1x1x!tpu.dma_semaphore, #tpu.memory_space<semaphore_mem>> -> memref<!tpu.dma_semaphore, #tpu.memory_space<semaphore_mem>>
        %dma_start3A_778 = arith.constant 21952 : i32
        %dma_start3A_779 = tpu.memref_slice %arg7[%dma_start3A_778] : memref<25088xf32, #tpu.memory_space<vmem>> -> memref<3136xf32, #tpu.memory_space<vmem>>
        %dma_start3A_780 = tpu.memref_slice %arg2[%mul3A_770] : memref<38535168xf32, #tpu.memory_space<hbm>> -> memref<3136xf32, #tpu.memory_space<hbm>>
        tpu.enqueue_dma source(%dma_start3A_780 : memref<3136xf32, #tpu.memory_space<hbm>>) target(%dma_start3A_779 : memref<3136xf32, #tpu.memory_space<vmem>>) target_semaphore(%dma_start3A_777 : memref<!tpu.dma_semaphore, #tpu.memory_space<semaphore_mem>>)
      } else {
      }
      %mul3A_457 = arith.constant 8 : i32
      %mul3A_458 = arith.muli %add3A_152, %mul3A_457 : i32
      %add3A_459 = arith.constant 0 : i32
      %add3A_460 = arith.addi %mul3A_458, %add3A_459 : i32
      %get3A_461 = arith.index_cast %add3A_460 : i32 to index
      %get3A_462 = memref.load %arg5[%get3A_461] : memref<384xi32, #tpu.memory_space<smem>>
      %mul3A_463 = arith.constant 3136 : i32
      %mul3A_464 = arith.muli %get3A_462, %mul3A_463 : i32
      %dma_wait3A_465 = arith.constant 1 : i32
      %dma_wait3A_466 = arith.constant 0 : i32
      %dma_wait3A_467 = arith.constant 0 : i32
      %dma_wait3A_468 = tpu.memref_slice %arg8[%dma_wait3A_467] : memref<25088xf32, #tpu.memory_space<vmem>> -> memref<3136xf32, #tpu.memory_space<vmem>>
      %dma_wait3A_469 = tpu.memref_slice %arg2[%mul3A_464] : memref<38535168xf32, #tpu.memory_space<hbm>> -> memref<3136xf32, #tpu.memory_space<hbm>>
      %dma_wait3A_470 = tpu.memref_slice %arg9[%dma_wait3A_465, %dma_wait3A_466] : memref<2x8x!tpu.dma_semaphore, #tpu.memory_space<semaphore_mem>> -> memref<1x1x!tpu.dma_semaphore, #tpu.memory_space<semaphore_mem>>
      %dma_wait3A_471 = tpu.memref_squeeze %dma_wait3A_470 : memref<1x1x!tpu.dma_semaphore, #tpu.memory_space<semaphore_mem>> -> memref<!tpu.dma_semaphore, #tpu.memory_space<semaphore_mem>>
      %dma_wait3A_472 = arith.constant 0 : i32
      %dma_wait3A_473 = tpu.memref_slice %arg8[%dma_wait3A_472] : memref<25088xf32, #tpu.memory_space<vmem>> -> memref<3136xf32, #tpu.memory_space<vmem>>
      %dma_wait3A_474 = tpu.memref_slice %arg2[%mul3A_464] : memref<38535168xf32, #tpu.memory_space<hbm>> -> memref<3136xf32, #tpu.memory_space<hbm>>
      tpu.wait_dma2 semaphore(%dma_wait3A_471 : memref<!tpu.dma_semaphore, #tpu.memory_space<semaphore_mem>>) src(%dma_wait3A_474 : memref<3136xf32, #tpu.memory_space<hbm>>) dst(%dma_wait3A_473 : memref<3136xf32, #tpu.memory_space<vmem>>)
      %mul3A_475 = arith.constant 8 : i32
      %mul3A_476 = arith.muli %add3A_152, %mul3A_475 : i32
      %add3A_477 = arith.constant 1 : i32
      %add3A_478 = arith.addi %mul3A_476, %add3A_477 : i32
      %get3A_479 = arith.index_cast %add3A_478 : i32 to index
      %get3A_480 = memref.load %arg5[%get3A_479] : memref<384xi32, #tpu.memory_space<smem>>
      %mul3A_481 = arith.constant 3136 : i32
      %mul3A_482 = arith.muli %get3A_480, %mul3A_481 : i32
      %dma_wait3A_483 = arith.constant 1 : i32
      %dma_wait3A_484 = arith.constant 1 : i32
      %dma_wait3A_485 = arith.constant 3136 : i32
      %dma_wait3A_486 = tpu.memref_slice %arg8[%dma_wait3A_485] : memref<25088xf32, #tpu.memory_space<vmem>> -> memref<3136xf32, #tpu.memory_space<vmem>>
      %dma_wait3A_487 = tpu.memref_slice %arg2[%mul3A_482] : memref<38535168xf32, #tpu.memory_space<hbm>> -> memref<3136xf32, #tpu.memory_space<hbm>>
      %dma_wait3A_488 = tpu.memref_slice %arg9[%dma_wait3A_483, %dma_wait3A_484] : memref<2x8x!tpu.dma_semaphore, #tpu.memory_space<semaphore_mem>> -> memref<1x1x!tpu.dma_semaphore, #tpu.memory_space<semaphore_mem>>
      %dma_wait3A_489 = tpu.memref_squeeze %dma_wait3A_488 : memref<1x1x!tpu.dma_semaphore, #tpu.memory_space<semaphore_mem>> -> memref<!tpu.dma_semaphore, #tpu.memory_space<semaphore_mem>>
      %dma_wait3A_490 = arith.constant 3136 : i32
      %dma_wait3A_491 = tpu.memref_slice %arg8[%dma_wait3A_490] : memref<25088xf32, #tpu.memory_space<vmem>> -> memref<3136xf32, #tpu.memory_space<vmem>>
      %dma_wait3A_492 = tpu.memref_slice %arg2[%mul3A_482] : memref<38535168xf32, #tpu.memory_space<hbm>> -> memref<3136xf32, #tpu.memory_space<hbm>>
      tpu.wait_dma2 semaphore(%dma_wait3A_489 : memref<!tpu.dma_semaphore, #tpu.memory_space<semaphore_mem>>) src(%dma_wait3A_492 : memref<3136xf32, #tpu.memory_space<hbm>>) dst(%dma_wait3A_491 : memref<3136xf32, #tpu.memory_space<vmem>>)
      %mul3A_493 = arith.constant 8 : i32
      %mul3A_494 = arith.muli %add3A_152, %mul3A_493 : i32
      %add3A_495 = arith.constant 2 : i32
      %add3A_496 = arith.addi %mul3A_494, %add3A_495 : i32
      %get3A_497 = arith.index_cast %add3A_496 : i32 to index
      %get3A_498 = memref.load %arg5[%get3A_497] : memref<384xi32, #tpu.memory_space<smem>>
      %mul3A_499 = arith.constant 3136 : i32
      %mul3A_500 = arith.muli %get3A_498, %mul3A_499 : i32
      %dma_wait3A_501 = arith.constant 1 : i32
      %dma_wait3A_502 = arith.constant 2 : i32
      %dma_wait3A_503 = arith.constant 6272 : i32
      %dma_wait3A_504 = tpu.memref_slice %arg8[%dma_wait3A_503] : memref<25088xf32, #tpu.memory_space<vmem>> -> memref<3136xf32, #tpu.memory_space<vmem>>
      %dma_wait3A_505 = tpu.memref_slice %arg2[%mul3A_500] : memref<38535168xf32, #tpu.memory_space<hbm>> -> memref<3136xf32, #tpu.memory_space<hbm>>
      %dma_wait3A_506 = tpu.memref_slice %arg9[%dma_wait3A_501, %dma_wait3A_502] : memref<2x8x!tpu.dma_semaphore, #tpu.memory_space<semaphore_mem>> -> memref<1x1x!tpu.dma_semaphore, #tpu.memory_space<semaphore_mem>>
      %dma_wait3A_507 = tpu.memref_squeeze %dma_wait3A_506 : memref<1x1x!tpu.dma_semaphore, #tpu.memory_space<semaphore_mem>> -> memref<!tpu.dma_semaphore, #tpu.memory_space<semaphore_mem>>
      %dma_wait3A_508 = arith.constant 6272 : i32
      %dma_wait3A_509 = tpu.memref_slice %arg8[%dma_wait3A_508] : memref<25088xf32, #tpu.memory_space<vmem>> -> memref<3136xf32, #tpu.memory_space<vmem>>
      %dma_wait3A_510 = tpu.memref_slice %arg2[%mul3A_500] : memref<38535168xf32, #tpu.memory_space<hbm>> -> memref<3136xf32, #tpu.memory_space<hbm>>
      tpu.wait_dma2 semaphore(%dma_wait3A_507 : memref<!tpu.dma_semaphore, #tpu.memory_space<semaphore_mem>>) src(%dma_wait3A_510 : memref<3136xf32, #tpu.memory_space<hbm>>) dst(%dma_wait3A_509 : memref<3136xf32, #tpu.memory_space<vmem>>)
      %mul3A_511 = arith.constant 8 : i32
      %mul3A_512 = arith.muli %add3A_152, %mul3A_511 : i32
      %add3A_513 = arith.constant 3 : i32
      %add3A_514 = arith.addi %mul3A_512, %add3A_513 : i32
      %get3A_515 = arith.index_cast %add3A_514 : i32 to index
      %get3A_516 = memref.load %arg5[%get3A_515] : memref<384xi32, #tpu.memory_space<smem>>
      %mul3A_517 = arith.constant 3136 : i32
      %mul3A_518 = arith.muli %get3A_516, %mul3A_517 : i32
      %dma_wait3A_519 = arith.constant 1 : i32
      %dma_wait3A_520 = arith.constant 3 : i32
      %dma_wait3A_521 = arith.constant 9408 : i32
      %dma_wait3A_522 = tpu.memref_slice %arg8[%dma_wait3A_521] : memref<25088xf32, #tpu.memory_space<vmem>> -> memref<3136xf32, #tpu.memory_space<vmem>>
      %dma_wait3A_523 = tpu.memref_slice %arg2[%mul3A_518] : memref<38535168xf32, #tpu.memory_space<hbm>> -> memref<3136xf32, #tpu.memory_space<hbm>>
      %dma_wait3A_524 = tpu.memref_slice %arg9[%dma_wait3A_519, %dma_wait3A_520] : memref<2x8x!tpu.dma_semaphore, #tpu.memory_space<semaphore_mem>> -> memref<1x1x!tpu.dma_semaphore, #tpu.memory_space<semaphore_mem>>
      %dma_wait3A_525 = tpu.memref_squeeze %dma_wait3A_524 : memref<1x1x!tpu.dma_semaphore, #tpu.memory_space<semaphore_mem>> -> memref<!tpu.dma_semaphore, #tpu.memory_space<semaphore_mem>>
      %dma_wait3A_526 = arith.constant 9408 : i32
      %dma_wait3A_527 = tpu.memref_slice %arg8[%dma_wait3A_526] : memref<25088xf32, #tpu.memory_space<vmem>> -> memref<3136xf32, #tpu.memory_space<vmem>>
      %dma_wait3A_528 = tpu.memref_slice %arg2[%mul3A_518] : memref<38535168xf32, #tpu.memory_space<hbm>> -> memref<3136xf32, #tpu.memory_space<hbm>>
      tpu.wait_dma2 semaphore(%dma_wait3A_525 : memref<!tpu.dma_semaphore, #tpu.memory_space<semaphore_mem>>) src(%dma_wait3A_528 : memref<3136xf32, #tpu.memory_space<hbm>>) dst(%dma_wait3A_527 : memref<3136xf32, #tpu.memory_space<vmem>>)
      %mul3A_529 = arith.constant 8 : i32
      %mul3A_530 = arith.muli %add3A_152, %mul3A_529 : i32
      %add3A_531 = arith.constant 4 : i32
      %add3A_532 = arith.addi %mul3A_530, %add3A_531 : i32
      %get3A_533 = arith.index_cast %add3A_532 : i32 to index
      %get3A_534 = memref.load %arg5[%get3A_533] : memref<384xi32, #tpu.memory_space<smem>>
      %mul3A_535 = arith.constant 3136 : i32
      %mul3A_536 = arith.muli %get3A_534, %mul3A_535 : i32
      %dma_wait3A_537 = arith.constant 1 : i32
      %dma_wait3A_538 = arith.constant 4 : i32
      %dma_wait3A_539 = arith.constant 12544 : i32
      %dma_wait3A_540 = tpu.memref_slice %arg8[%dma_wait3A_539] : memref<25088xf32, #tpu.memory_space<vmem>> -> memref<3136xf32, #tpu.memory_space<vmem>>
      %dma_wait3A_541 = tpu.memref_slice %arg2[%mul3A_536] : memref<38535168xf32, #tpu.memory_space<hbm>> -> memref<3136xf32, #tpu.memory_space<hbm>>
      %dma_wait3A_542 = tpu.memref_slice %arg9[%dma_wait3A_537, %dma_wait3A_538] : memref<2x8x!tpu.dma_semaphore, #tpu.memory_space<semaphore_mem>> -> memref<1x1x!tpu.dma_semaphore, #tpu.memory_space<semaphore_mem>>
      %dma_wait3A_543 = tpu.memref_squeeze %dma_wait3A_542 : memref<1x1x!tpu.dma_semaphore, #tpu.memory_space<semaphore_mem>> -> memref<!tpu.dma_semaphore, #tpu.memory_space<semaphore_mem>>
      %dma_wait3A_544 = arith.constant 12544 : i32
      %dma_wait3A_545 = tpu.memref_slice %arg8[%dma_wait3A_544] : memref<25088xf32, #tpu.memory_space<vmem>> -> memref<3136xf32, #tpu.memory_space<vmem>>
      %dma_wait3A_546 = tpu.memref_slice %arg2[%mul3A_536] : memref<38535168xf32, #tpu.memory_space<hbm>> -> memref<3136xf32, #tpu.memory_space<hbm>>
      tpu.wait_dma2 semaphore(%dma_wait3A_543 : memref<!tpu.dma_semaphore, #tpu.memory_space<semaphore_mem>>) src(%dma_wait3A_546 : memref<3136xf32, #tpu.memory_space<hbm>>) dst(%dma_wait3A_545 : memref<3136xf32, #tpu.memory_space<vmem>>)
      %mul3A_547 = arith.constant 8 : i32
      %mul3A_548 = arith.muli %add3A_152, %mul3A_547 : i32
      %add3A_549 = arith.constant 5 : i32
      %add3A_550 = arith.addi %mul3A_548, %add3A_549 : i32
      %get3A_551 = arith.index_cast %add3A_550 : i32 to index
      %get3A_552 = memref.load %arg5[%get3A_551] : memref<384xi32, #tpu.memory_space<smem>>
      %mul3A_553 = arith.constant 3136 : i32
      %mul3A_554 = arith.muli %get3A_552, %mul3A_553 : i32
      %dma_wait3A_555 = arith.constant 1 : i32
      %dma_wait3A_556 = arith.constant 5 : i32
      %dma_wait3A_557 = arith.constant 15680 : i32
      %dma_wait3A_558 = tpu.memref_slice %arg8[%dma_wait3A_557] : memref<25088xf32, #tpu.memory_space<vmem>> -> memref<3136xf32, #tpu.memory_space<vmem>>
      %dma_wait3A_559 = tpu.memref_slice %arg2[%mul3A_554] : memref<38535168xf32, #tpu.memory_space<hbm>> -> memref<3136xf32, #tpu.memory_space<hbm>>
      %dma_wait3A_560 = tpu.memref_slice %arg9[%dma_wait3A_555, %dma_wait3A_556] : memref<2x8x!tpu.dma_semaphore, #tpu.memory_space<semaphore_mem>> -> memref<1x1x!tpu.dma_semaphore, #tpu.memory_space<semaphore_mem>>
      %dma_wait3A_561 = tpu.memref_squeeze %dma_wait3A_560 : memref<1x1x!tpu.dma_semaphore, #tpu.memory_space<semaphore_mem>> -> memref<!tpu.dma_semaphore, #tpu.memory_space<semaphore_mem>>
      %dma_wait3A_562 = arith.constant 15680 : i32
      %dma_wait3A_563 = tpu.memref_slice %arg8[%dma_wait3A_562] : memref<25088xf32, #tpu.memory_space<vmem>> -> memref<3136xf32, #tpu.memory_space<vmem>>
      %dma_wait3A_564 = tpu.memref_slice %arg2[%mul3A_554] : memref<38535168xf32, #tpu.memory_space<hbm>> -> memref<3136xf32, #tpu.memory_space<hbm>>
      tpu.wait_dma2 semaphore(%dma_wait3A_561 : memref<!tpu.dma_semaphore, #tpu.memory_space<semaphore_mem>>) src(%dma_wait3A_564 : memref<3136xf32, #tpu.memory_space<hbm>>) dst(%dma_wait3A_563 : memref<3136xf32, #tpu.memory_space<vmem>>)
      %mul3A_565 = arith.constant 8 : i32
      %mul3A_566 = arith.muli %add3A_152, %mul3A_565 : i32
      %add3A_567 = arith.constant 6 : i32
      %add3A_568 = arith.addi %mul3A_566, %add3A_567 : i32
      %get3A_569 = arith.index_cast %add3A_568 : i32 to index
      %get3A_570 = memref.load %arg5[%get3A_569] : memref<384xi32, #tpu.memory_space<smem>>
      %mul3A_571 = arith.constant 3136 : i32
      %mul3A_572 = arith.muli %get3A_570, %mul3A_571 : i32
      %dma_wait3A_573 = arith.constant 1 : i32
      %dma_wait3A_574 = arith.constant 6 : i32
      %dma_wait3A_575 = arith.constant 18816 : i32
      %dma_wait3A_576 = tpu.memref_slice %arg8[%dma_wait3A_575] : memref<25088xf32, #tpu.memory_space<vmem>> -> memref<3136xf32, #tpu.memory_space<vmem>>
      %dma_wait3A_577 = tpu.memref_slice %arg2[%mul3A_572] : memref<38535168xf32, #tpu.memory_space<hbm>> -> memref<3136xf32, #tpu.memory_space<hbm>>
      %dma_wait3A_578 = tpu.memref_slice %arg9[%dma_wait3A_573, %dma_wait3A_574] : memref<2x8x!tpu.dma_semaphore, #tpu.memory_space<semaphore_mem>> -> memref<1x1x!tpu.dma_semaphore, #tpu.memory_space<semaphore_mem>>
      %dma_wait3A_579 = tpu.memref_squeeze %dma_wait3A_578 : memref<1x1x!tpu.dma_semaphore, #tpu.memory_space<semaphore_mem>> -> memref<!tpu.dma_semaphore, #tpu.memory_space<semaphore_mem>>
      %dma_wait3A_580 = arith.constant 18816 : i32
      %dma_wait3A_581 = tpu.memref_slice %arg8[%dma_wait3A_580] : memref<25088xf32, #tpu.memory_space<vmem>> -> memref<3136xf32, #tpu.memory_space<vmem>>
      %dma_wait3A_582 = tpu.memref_slice %arg2[%mul3A_572] : memref<38535168xf32, #tpu.memory_space<hbm>> -> memref<3136xf32, #tpu.memory_space<hbm>>
      tpu.wait_dma2 semaphore(%dma_wait3A_579 : memref<!tpu.dma_semaphore, #tpu.memory_space<semaphore_mem>>) src(%dma_wait3A_582 : memref<3136xf32, #tpu.memory_space<hbm>>) dst(%dma_wait3A_581 : memref<3136xf32, #tpu.memory_space<vmem>>)
      %mul3A_583 = arith.constant 8 : i32
      %mul3A_584 = arith.muli %add3A_152, %mul3A_583 : i32
      %add3A_585 = arith.constant 7 : i32
      %add3A_586 = arith.addi %mul3A_584, %add3A_585 : i32
      %get3A_587 = arith.index_cast %add3A_586 : i32 to index
      %get3A_588 = memref.load %arg5[%get3A_587] : memref<384xi32, #tpu.memory_space<smem>>
      %mul3A_589 = arith.constant 3136 : i32
      %mul3A_590 = arith.muli %get3A_588, %mul3A_589 : i32
      %dma_wait3A_591 = arith.constant 1 : i32
      %dma_wait3A_592 = arith.constant 7 : i32
      %dma_wait3A_593 = arith.constant 21952 : i32
      %dma_wait3A_594 = tpu.memref_slice %arg8[%dma_wait3A_593] : memref<25088xf32, #tpu.memory_space<vmem>> -> memref<3136xf32, #tpu.memory_space<vmem>>
      %dma_wait3A_595 = tpu.memref_slice %arg2[%mul3A_590] : memref<38535168xf32, #tpu.memory_space<hbm>> -> memref<3136xf32, #tpu.memory_space<hbm>>
      %dma_wait3A_596 = tpu.memref_slice %arg9[%dma_wait3A_591, %dma_wait3A_592] : memref<2x8x!tpu.dma_semaphore, #tpu.memory_space<semaphore_mem>> -> memref<1x1x!tpu.dma_semaphore, #tpu.memory_space<semaphore_mem>>
      %dma_wait3A_597 = tpu.memref_squeeze %dma_wait3A_596 : memref<1x1x!tpu.dma_semaphore, #tpu.memory_space<semaphore_mem>> -> memref<!tpu.dma_semaphore, #tpu.memory_space<semaphore_mem>>
      %dma_wait3A_598 = arith.constant 21952 : i32
      %dma_wait3A_599 = tpu.memref_slice %arg8[%dma_wait3A_598] : memref<25088xf32, #tpu.memory_space<vmem>> -> memref<3136xf32, #tpu.memory_space<vmem>>
      %dma_wait3A_600 = tpu.memref_slice %arg2[%mul3A_590] : memref<38535168xf32, #tpu.memory_space<hbm>> -> memref<3136xf32, #tpu.memory_space<hbm>>
      tpu.wait_dma2 semaphore(%dma_wait3A_597 : memref<!tpu.dma_semaphore, #tpu.memory_space<semaphore_mem>>) src(%dma_wait3A_600 : memref<3136xf32, #tpu.memory_space<hbm>>) dst(%dma_wait3A_599 : memref<3136xf32, #tpu.memory_space<vmem>>)
      %mul3A_601 = arith.constant 8 : i32
      %mul3A_602 = arith.muli %add3A_152, %mul3A_601 : i32
      %add3A_603 = arith.addi %mul3A_2, %mul3A_602 : i32
      %mul3A_604 = arith.constant 3136 : i32
      %mul3A_605 = arith.muli %add3A_603, %mul3A_604 : i32
      %dma_start3A_606 = arith.constant 1 : i32
      %dma_start3A_607 = tpu.memref_slice %arg4[%mul3A_605] : memref<38535168xf32, #tpu.memory_space<hbm>> -> memref<25088xf32, #tpu.memory_space<hbm>>
      %dma_start3A_608 = tpu.memref_slice %arg10[%dma_start3A_606] : memref<2x!tpu.dma_semaphore, #tpu.memory_space<semaphore_mem>> -> memref<1x!tpu.dma_semaphore, #tpu.memory_space<semaphore_mem>>
      %dma_start3A_609 = tpu.memref_squeeze %dma_start3A_608 : memref<1x!tpu.dma_semaphore, #tpu.memory_space<semaphore_mem>> -> memref<!tpu.dma_semaphore, #tpu.memory_space<semaphore_mem>>
      %dma_start3A_610 = tpu.memref_slice %arg4[%mul3A_605] : memref<38535168xf32, #tpu.memory_space<hbm>> -> memref<25088xf32, #tpu.memory_space<hbm>>
      tpu.enqueue_dma source(%arg8 : memref<25088xf32, #tpu.memory_space<vmem>>) target(%dma_start3A_610 : memref<25088xf32, #tpu.memory_space<hbm>>) target_semaphore(%dma_start3A_609 : memref<!tpu.dma_semaphore, #tpu.memory_space<semaphore_mem>>)
    }
    %scan3A_124 = arith.constant 24 : i32
    %add3A_125 = arith.constant 368 : i32
    %add3A_126 = arith.addi %mul3A_2, %add3A_125 : i32
    %mul3A_127 = arith.constant 3136 : i32
    %mul3A_128 = arith.muli %add3A_126, %mul3A_127 : i32
    %dma_wait3A = arith.constant 0 : i32
    %dma_wait3A_129 = tpu.memref_slice %arg4[%mul3A_128] : memref<38535168xf32, #tpu.memory_space<hbm>> -> memref<25088xf32, #tpu.memory_space<hbm>>
    %dma_wait3A_130 = tpu.memref_slice %arg10[%dma_wait3A] : memref<2x!tpu.dma_semaphore, #tpu.memory_space<semaphore_mem>> -> memref<1x!tpu.dma_semaphore, #tpu.memory_space<semaphore_mem>>
    %dma_wait3A_131 = tpu.memref_squeeze %dma_wait3A_130 : memref<1x!tpu.dma_semaphore, #tpu.memory_space<semaphore_mem>> -> memref<!tpu.dma_semaphore, #tpu.memory_space<semaphore_mem>>
    %dma_wait3A_132 = tpu.memref_slice %arg4[%mul3A_128] : memref<38535168xf32, #tpu.memory_space<hbm>> -> memref<25088xf32, #tpu.memory_space<hbm>>
    tpu.wait_dma2 semaphore(%dma_wait3A_131 : memref<!tpu.dma_semaphore, #tpu.memory_space<semaphore_mem>>) src(%arg7 : memref<25088xf32, #tpu.memory_space<vmem>>) dst(%dma_wait3A_132 : memref<25088xf32, #tpu.memory_space<hbm>>)
    %add3A_133 = arith.constant 376 : i32
    %add3A_134 = arith.addi %mul3A_2, %add3A_133 : i32
    %mul3A_135 = arith.constant 3136 : i32
    %mul3A_136 = arith.muli %add3A_134, %mul3A_135 : i32
    %dma_wait3A_137 = arith.constant 1 : i32
    %dma_wait3A_138 = tpu.memref_slice %arg4[%mul3A_136] : memref<38535168xf32, #tpu.memory_space<hbm>> -> memref<25088xf32, #tpu.memory_space<hbm>>
    %dma_wait3A_139 = tpu.memref_slice %arg10[%dma_wait3A_137] : memref<2x!tpu.dma_semaphore, #tpu.memory_space<semaphore_mem>> -> memref<1x!tpu.dma_semaphore, #tpu.memory_space<semaphore_mem>>
    %dma_wait3A_140 = tpu.memref_squeeze %dma_wait3A_139 : memref<1x!tpu.dma_semaphore, #tpu.memory_space<semaphore_mem>> -> memref<!tpu.dma_semaphore, #tpu.memory_space<semaphore_mem>>
    %dma_wait3A_141 = tpu.memref_slice %arg4[%mul3A_136] : memref<38535168xf32, #tpu.memory_space<hbm>> -> memref<25088xf32, #tpu.memory_space<hbm>>
    tpu.wait_dma2 semaphore(%dma_wait3A_140 : memref<!tpu.dma_semaphore, #tpu.memory_space<semaphore_mem>>) src(%arg8 : memref<25088xf32, #tpu.memory_space<vmem>>) dst(%dma_wait3A_141 : memref<25088xf32, #tpu.memory_space<hbm>>)
    return
  }
}

module attributes {stable_mosaic.version = 14 : i64} {
  func.func @_pool_body(%arg0: i32, %arg1: i32, %arg2: memref<1x256x3136xf32, #tpu.memory_space<vmem>>, %arg3: memref<1x1x768xf32, #tpu.memory_space<vmem>>, %arg4: memref<1x1x768xf32, #tpu.memory_space<vmem>>) attributes {dimension_semantics = [#tpu.dimension_semantics<arbitrary>, #tpu.dimension_semantics<arbitrary>], iteration_bounds = array<i64: 16, 3>, scalar_prefetch = 0 : i64, scratch_operands = 0 : i64, tpu.core_type = #tpu.core_type<tc>, window_params = [{transform_indices = @transform_0, window_bounds = array<i64: 1, 256, 3136>}, {transform_indices = @transform_1, window_bounds = array<i64: 1, 1, 768>}, {transform_indices = @transform_2, window_bounds = array<i64: 1, 1, 768>}]} {
    %get3A = arith.constant 0 : index
    %get3A_0 = arith.constant 0 : index
    %get3A_1 = arith.constant 0 : index
    %get3A_2 = vector.load %arg2[%get3A, %get3A_0, %get3A_1] : memref<1x256x3136xf32, #tpu.memory_space<vmem>>, vector<1x256x3136xf32>
    %get3A_3 = vector.shape_cast %get3A_2 : vector<1x256x3136xf32> to vector<256x3136xf32>
    %reduce_sum3A = arith.constant dense<0.000000e+00> : vector<256xf32>
    %reduce_sum3A_4 = vector.multi_reduction <add>, %get3A_3, %reduce_sum3A [1] : vector<256x3136xf32> to vector<256xf32>
    %div3A = arith.constant 3.136000e+03 : f32
    %div3A_5 = vector.broadcast %div3A : f32 to vector<256xf32>
    %div3A_6 = arith.divf %reduce_sum3A_4, %div3A_5 : vector<256xf32>
    %mul3A = arith.constant 256 : i32
    %mul3A_7 = arith.muli %arg1, %mul3A : i32
    %swap3A = arith.constant 0 : index
    %swap3A_8 = arith.constant 0 : index
    %swap3A_9 = arith.index_cast %mul3A_7 : i32 to index
    %swap3A_10 = vector.load %arg3[%swap3A, %swap3A_8, %swap3A_9] : memref<1x1x768xf32, #tpu.memory_space<vmem>>, vector<1x1x256xf32>
    %swap3A_11 = vector.shape_cast %swap3A_10 : vector<1x1x256xf32> to vector<256xf32>
    %swap3A_12 = vector.shape_cast %div3A_6 : vector<256xf32> to vector<1x1x256xf32>
    tpu.vector_store %arg3[%swap3A, %swap3A_8, %swap3A_9], %swap3A_12 {strides = array<i32>} : memref<1x1x768xf32, #tpu.memory_space<vmem>>, vector<1x1x256xf32>,
    %reduce_max3A = arith.constant dense<0xFF800000> : vector<256xf32>
    %reduce_max3A_13 = vector.multi_reduction <maximumf>, %get3A_3, %reduce_max3A [1] : vector<256x3136xf32> to vector<256xf32>
    %mul3A_14 = arith.constant 256 : i32
    %mul3A_15 = arith.muli %arg1, %mul3A_14 : i32
    %swap3A_16 = arith.constant 0 : index
    %swap3A_17 = arith.constant 0 : index
    %swap3A_18 = arith.index_cast %mul3A_15 : i32 to index
    %swap3A_19 = vector.load %arg4[%swap3A_16, %swap3A_17, %swap3A_18] : memref<1x1x768xf32, #tpu.memory_space<vmem>>, vector<1x1x256xf32>
    %swap3A_20 = vector.shape_cast %swap3A_19 : vector<1x1x256xf32> to vector<256xf32>
    %swap3A_21 = vector.shape_cast %reduce_max3A_13 : vector<256xf32> to vector<1x1x256xf32>
    tpu.vector_store %arg4[%swap3A_16, %swap3A_17, %swap3A_18], %swap3A_21 {strides = array<i32>} : memref<1x1x768xf32, #tpu.memory_space<vmem>>, vector<1x1x256xf32>,
    return
  }
  func.func @transform_0(%arg0: i32, %arg1: i32) -> (i32, i32, i32) {
    %c0_i32 = arith.constant 0 : i32
    %c0_i32_0 = arith.constant 0 : i32
    return %arg0, %arg1, %c0_i32 : i32, i32, i32
  }
  func.func @transform_1(%arg0: i32, %arg1: i32) -> (i32, i32, i32) {
    %c0_i32 = arith.constant 0 : i32
    %c0_i32_0 = arith.constant 0 : i32
    %c0_i32_1 = arith.constant 0 : i32
    return %arg0, %c0_i32, %c0_i32_0 : i32, i32, i32
  }
  func.func @transform_2(%arg0: i32, %arg1: i32) -> (i32, i32, i32) {
    %c0_i32 = arith.constant 0 : i32
    %c0_i32_0 = arith.constant 0 : i32
    %c0_i32_1 = arith.constant 0 : i32
    return %arg0, %c0_i32, %c0_i32_0 : i32, i32, i32
  }
}

module attributes {stable_mosaic.version = 14 : i64} {
  func.func @_rank_body(%arg0: memref<16x3072xf32, #tpu.memory_space<vmem>>, %arg1: memref<16x768xi32, #tpu.memory_space<vmem>>) attributes {dimension_semantics = [], scalar_prefetch = 0 : i64, scratch_operands = 0 : i64, tpu.core_type = #tpu.core_type<tc>} {
    %get3A = arith.constant 0 : index
    %get3A_0 = arith.constant 0 : index
    %get3A_1 = vector.load %arg0[%get3A, %get3A_0] : memref<16x3072xf32, #tpu.memory_space<vmem>>, vector<16x768xf32>
    %get3A_2 = arith.constant 0 : index
    %get3A_3 = arith.constant 0 : index
    %get3A_4 = vector.load %arg0[%get3A_2, %get3A_3] : memref<16x3072xf32, #tpu.memory_space<vmem>>, vector<16x128xf32>
    %broadcast_in_dim3A = vector.shape_cast %get3A_1 : vector<16x768xf32> to vector<16x768x1xf32>
    %broadcast_in_dim3A_5 = vector.shape_cast %get3A_4 : vector<16x128xf32> to vector<16x1x128xf32>
    %gt3A = vector.broadcast %broadcast_in_dim3A : vector<16x768x1xf32> to vector<16x768x128xf32>
    %gt3A_6 = vector.broadcast %broadcast_in_dim3A_5 : vector<16x1x128xf32> to vector<16x768x128xf32>
    %gt3A_7 = arith.cmpf ogt, %gt3A, %gt3A_6 : vector<16x768x128xf32>
    %convert_element_type3A = arith.extui %gt3A_7 : vector<16x768x128xi1> to vector<16x768x128xi32>
    %iota3A = tpu.iota {dimensions = array<i32: 1>} : vector<1x768x1xi32>
    %iota3A_8 = tpu.iota {dimensions = array<i32: 2>} : vector<1x1x128xi32>
    %add3A = arith.constant 0 : i32
    %add3A_9 = vector.broadcast %add3A : i32 to vector<1x1x128xi32>
    %add3A_10 = arith.addi %add3A_9, %iota3A_8 : vector<1x1x128xi32>
    %lt3A = vector.broadcast %iota3A : vector<1x768x1xi32> to vector<1x768x128xi32>
    %lt3A_11 = vector.broadcast %add3A_10 : vector<1x1x128xi32> to vector<1x768x128xi32>
    %lt3A_12 = arith.cmpi slt, %lt3A, %lt3A_11 : vector<1x768x128xi32>
    %broadcast_in_dim3A_13 = vector.shape_cast %get3A_1 : vector<16x768xf32> to vector<16x768x1xf32>
    %broadcast_in_dim3A_14 = vector.shape_cast %get3A_4 : vector<16x128xf32> to vector<16x1x128xf32>
    %eq3A = vector.broadcast %broadcast_in_dim3A_13 : vector<16x768x1xf32> to vector<16x768x128xf32>
    %eq3A_15 = vector.broadcast %broadcast_in_dim3A_14 : vector<16x1x128xf32> to vector<16x768x128xf32>
    %eq3A_16 = arith.cmpf oeq, %eq3A, %eq3A_15 : vector<16x768x128xf32>
    %and3A = vector.broadcast %lt3A_12 : vector<1x768x128xi1> to vector<16x768x128xi1>
    %and3A_17 = arith.andi %eq3A_16, %and3A : vector<16x768x128xi1>
    %convert_element_type3A_18 = arith.extui %and3A_17 : vector<16x768x128xi1> to vector<16x768x128xi32>
    %add3A_19 = arith.addi %convert_element_type3A, %convert_element_type3A_18 : vector<16x768x128xi32>
    %reduce_sum3A = arith.constant dense<0> : vector<16x128xi32>
    %reduce_sum3A_20 = vector.multi_reduction <add>, %add3A_19, %reduce_sum3A [1] : vector<16x768x128xi32> to vector<16x128xi32>
    %iota3A_21 = tpu.iota {dimensions = array<i32: 2>} : vector<1x1x192xi32>
    %broadcast_in_dim3A_22 = vector.shape_cast %reduce_sum3A_20 : vector<16x128xi32> to vector<16x128x1xi32>
    %eq3A_23 = vector.broadcast %broadcast_in_dim3A_22 : vector<16x128x1xi32> to vector<16x128x192xi32>
    %eq3A_24 = vector.broadcast %iota3A_21 : vector<1x1x192xi32> to vector<16x128x192xi32>
    %eq3A_25 = arith.cmpi eq, %eq3A_23, %eq3A_24 : vector<16x128x192xi32>
    %convert_element_type3A_26 = arith.extui %eq3A_25 : vector<16x128x192xi1> to vector<16x128x192xi32>
    %iota3A_27 = tpu.iota {dimensions = array<i32: 1>} : vector<1x128x1xi32>
    %add3A_28 = arith.constant 0 : i32
    %add3A_29 = vector.broadcast %add3A_28 : i32 to vector<1x128x1xi32>
    %add3A_30 = arith.addi %add3A_29, %iota3A_27 : vector<1x128x1xi32>
    %mul3A = vector.broadcast %add3A_30 : vector<1x128x1xi32> to vector<16x128x192xi32>
    %mul3A_31 = arith.muli %convert_element_type3A_26, %mul3A : vector<16x128x192xi32>
    %reduce_sum3A_32 = arith.constant dense<0> : vector<16x192xi32>
    %reduce_sum3A_33 = vector.multi_reduction <add>, %mul3A_31, %reduce_sum3A_32 [1] : vector<16x128x192xi32> to vector<16x192xi32>
    %swap3A = arith.constant 0 : index
    %swap3A_34 = arith.constant 0 : index
    %swap3A_35 = vector.load %arg1[%swap3A, %swap3A_34] : memref<16x768xi32, #tpu.memory_space<vmem>>, vector<16x192xi32>
    tpu.vector_store %arg1[%swap3A, %swap3A_34], %reduce_sum3A_33 {strides = array<i32>} : memref<16x768xi32, #tpu.memory_space<vmem>>, vector<16x192xi32>,
    %get3A_36 = arith.constant 0 : index
    %get3A_37 = arith.constant 128 : index
    %get3A_38 = vector.load %arg0[%get3A_36, %get3A_37] : memref<16x3072xf32, #tpu.memory_space<vmem>>, vector<16x128xf32>
    %broadcast_in_dim3A_39 = vector.shape_cast %get3A_1 : vector<16x768xf32> to vector<16x768x1xf32>
    %broadcast_in_dim3A_40 = vector.shape_cast %get3A_38 : vector<16x128xf32> to vector<16x1x128xf32>
    %gt3A_41 = vector.broadcast %broadcast_in_dim3A_39 : vector<16x768x1xf32> to vector<16x768x128xf32>
    %gt3A_42 = vector.broadcast %broadcast_in_dim3A_40 : vector<16x1x128xf32> to vector<16x768x128xf32>
    %gt3A_43 = arith.cmpf ogt, %gt3A_41, %gt3A_42 : vector<16x768x128xf32>
    %convert_element_type3A_44 = arith.extui %gt3A_43 : vector<16x768x128xi1> to vector<16x768x128xi32>
    %iota3A_45 = tpu.iota {dimensions = array<i32: 1>} : vector<1x768x1xi32>
    %iota3A_46 = tpu.iota {dimensions = array<i32: 2>} : vector<1x1x128xi32>
    %add3A_47 = arith.constant 128 : i32
    %add3A_48 = vector.broadcast %add3A_47 : i32 to vector<1x1x128xi32>
    %add3A_49 = arith.addi %add3A_48, %iota3A_46 : vector<1x1x128xi32>
    %lt3A_50 = vector.broadcast %iota3A_45 : vector<1x768x1xi32> to vector<1x768x128xi32>
    %lt3A_51 = vector.broadcast %add3A_49 : vector<1x1x128xi32> to vector<1x768x128xi32>
    %lt3A_52 = arith.cmpi slt, %lt3A_50, %lt3A_51 : vector<1x768x128xi32>
    %broadcast_in_dim3A_53 = vector.shape_cast %get3A_1 : vector<16x768xf32> to vector<16x768x1xf32>
    %broadcast_in_dim3A_54 = vector.shape_cast %get3A_38 : vector<16x128xf32> to vector<16x1x128xf32>
    %eq3A_55 = vector.broadcast %broadcast_in_dim3A_53 : vector<16x768x1xf32> to vector<16x768x128xf32>
    %eq3A_56 = vector.broadcast %broadcast_in_dim3A_54 : vector<16x1x128xf32> to vector<16x768x128xf32>
    %eq3A_57 = arith.cmpf oeq, %eq3A_55, %eq3A_56 : vector<16x768x128xf32>
    %and3A_58 = vector.broadcast %lt3A_52 : vector<1x768x128xi1> to vector<16x768x128xi1>
    %and3A_59 = arith.andi %eq3A_57, %and3A_58 : vector<16x768x128xi1>
    %convert_element_type3A_60 = arith.extui %and3A_59 : vector<16x768x128xi1> to vector<16x768x128xi32>
    %add3A_61 = arith.addi %convert_element_type3A_44, %convert_element_type3A_60 : vector<16x768x128xi32>
    %reduce_sum3A_62 = arith.constant dense<0> : vector<16x128xi32>
    %reduce_sum3A_63 = vector.multi_reduction <add>, %add3A_61, %reduce_sum3A_62 [1] : vector<16x768x128xi32> to vector<16x128xi32>
    %iota3A_64 = tpu.iota {dimensions = array<i32: 2>} : vector<1x1x192xi32>
    %broadcast_in_dim3A_65 = vector.shape_cast %reduce_sum3A_63 : vector<16x128xi32> to vector<16x128x1xi32>
    %eq3A_66 = vector.broadcast %broadcast_in_dim3A_65 : vector<16x128x1xi32> to vector<16x128x192xi32>
    %eq3A_67 = vector.broadcast %iota3A_64 : vector<1x1x192xi32> to vector<16x128x192xi32>
    %eq3A_68 = arith.cmpi eq, %eq3A_66, %eq3A_67 : vector<16x128x192xi32>
    %convert_element_type3A_69 = arith.extui %eq3A_68 : vector<16x128x192xi1> to vector<16x128x192xi32>
    %iota3A_70 = tpu.iota {dimensions = array<i32: 1>} : vector<1x128x1xi32>
    %add3A_71 = arith.constant 128 : i32
    %add3A_72 = vector.broadcast %add3A_71 : i32 to vector<1x128x1xi32>
    %add3A_73 = arith.addi %add3A_72, %iota3A_70 : vector<1x128x1xi32>
    %mul3A_74 = vector.broadcast %add3A_73 : vector<1x128x1xi32> to vector<16x128x192xi32>
    %mul3A_75 = arith.muli %convert_element_type3A_69, %mul3A_74 : vector<16x128x192xi32>
    %reduce_sum3A_76 = arith.constant dense<0> : vector<16x192xi32>
    %reduce_sum3A_77 = vector.multi_reduction <add>, %mul3A_75, %reduce_sum3A_76 [1] : vector<16x128x192xi32> to vector<16x192xi32>
    %get3A_78 = arith.constant 0 : index
    %get3A_79 = arith.constant 0 : index
    %get3A_80 = vector.load %arg1[%get3A_78, %get3A_79] : memref<16x768xi32, #tpu.memory_space<vmem>>, vector<16x192xi32>
    %add3A_81 = arith.addi %get3A_80, %reduce_sum3A_77 : vector<16x192xi32>
    %swap3A_82 = arith.constant 0 : index
    %swap3A_83 = arith.constant 0 : index
    %swap3A_84 = vector.load %arg1[%swap3A_82, %swap3A_83] : memref<16x768xi32, #tpu.memory_space<vmem>>, vector<16x192xi32>
    tpu.vector_store %arg1[%swap3A_82, %swap3A_83], %add3A_81 {strides = array<i32>} : memref<16x768xi32, #tpu.memory_space<vmem>>, vector<16x192xi32>,
    %get3A_85 = arith.constant 0 : index
    %get3A_86 = arith.constant 256 : index
    %get3A_87 = vector.load %arg0[%get3A_85, %get3A_86] : memref<16x3072xf32, #tpu.memory_space<vmem>>, vector<16x128xf32>
    %broadcast_in_dim3A_88 = vector.shape_cast %get3A_1 : vector<16x768xf32> to vector<16x768x1xf32>
    %broadcast_in_dim3A_89 = vector.shape_cast %get3A_87 : vector<16x128xf32> to vector<16x1x128xf32>
    %gt3A_90 = vector.broadcast %broadcast_in_dim3A_88 : vector<16x768x1xf32> to vector<16x768x128xf32>
    %gt3A_91 = vector.broadcast %broadcast_in_dim3A_89 : vector<16x1x128xf32> to vector<16x768x128xf32>
    %gt3A_92 = arith.cmpf ogt, %gt3A_90, %gt3A_91 : vector<16x768x128xf32>
    %convert_element_type3A_93 = arith.extui %gt3A_92 : vector<16x768x128xi1> to vector<16x768x128xi32>
    %iota3A_94 = tpu.iota {dimensions = array<i32: 1>} : vector<1x768x1xi32>
    %iota3A_95 = tpu.iota {dimensions = array<i32: 2>} : vector<1x1x128xi32>
    %add3A_96 = arith.constant 256 : i32
    %add3A_97 = vector.broadcast %add3A_96 : i32 to vector<1x1x128xi32>
    %add3A_98 = arith.addi %add3A_97, %iota3A_95 : vector<1x1x128xi32>
    %lt3A_99 = vector.broadcast %iota3A_94 : vector<1x768x1xi32> to vector<1x768x128xi32>
    %lt3A_100 = vector.broadcast %add3A_98 : vector<1x1x128xi32> to vector<1x768x128xi32>
    %lt3A_101 = arith.cmpi slt, %lt3A_99, %lt3A_100 : vector<1x768x128xi32>
    %broadcast_in_dim3A_102 = vector.shape_cast %get3A_1 : vector<16x768xf32> to vector<16x768x1xf32>
    %broadcast_in_dim3A_103 = vector.shape_cast %get3A_87 : vector<16x128xf32> to vector<16x1x128xf32>
    %eq3A_104 = vector.broadcast %broadcast_in_dim3A_102 : vector<16x768x1xf32> to vector<16x768x128xf32>
    %eq3A_105 = vector.broadcast %broadcast_in_dim3A_103 : vector<16x1x128xf32> to vector<16x768x128xf32>
    %eq3A_106 = arith.cmpf oeq, %eq3A_104, %eq3A_105 : vector<16x768x128xf32>
    %and3A_107 = vector.broadcast %lt3A_101 : vector<1x768x128xi1> to vector<16x768x128xi1>
    %and3A_108 = arith.andi %eq3A_106, %and3A_107 : vector<16x768x128xi1>
    %convert_element_type3A_109 = arith.extui %and3A_108 : vector<16x768x128xi1> to vector<16x768x128xi32>
    %add3A_110 = arith.addi %convert_element_type3A_93, %convert_element_type3A_109 : vector<16x768x128xi32>
    %reduce_sum3A_111 = arith.constant dense<0> : vector<16x128xi32>
    %reduce_sum3A_112 = vector.multi_reduction <add>, %add3A_110, %reduce_sum3A_111 [1] : vector<16x768x128xi32> to vector<16x128xi32>
    %iota3A_113 = tpu.iota {dimensions = array<i32: 2>} : vector<1x1x192xi32>
    %broadcast_in_dim3A_114 = vector.shape_cast %reduce_sum3A_112 : vector<16x128xi32> to vector<16x128x1xi32>
    %eq3A_115 = vector.broadcast %broadcast_in_dim3A_114 : vector<16x128x1xi32> to vector<16x128x192xi32>
    %eq3A_116 = vector.broadcast %iota3A_113 : vector<1x1x192xi32> to vector<16x128x192xi32>
    %eq3A_117 = arith.cmpi eq, %eq3A_115, %eq3A_116 : vector<16x128x192xi32>
    %convert_element_type3A_118 = arith.extui %eq3A_117 : vector<16x128x192xi1> to vector<16x128x192xi32>
    %iota3A_119 = tpu.iota {dimensions = array<i32: 1>} : vector<1x128x1xi32>
    %add3A_120 = arith.constant 256 : i32
    %add3A_121 = vector.broadcast %add3A_120 : i32 to vector<1x128x1xi32>
    %add3A_122 = arith.addi %add3A_121, %iota3A_119 : vector<1x128x1xi32>
    %mul3A_123 = vector.broadcast %add3A_122 : vector<1x128x1xi32> to vector<16x128x192xi32>
    %mul3A_124 = arith.muli %convert_element_type3A_118, %mul3A_123 : vector<16x128x192xi32>
    %reduce_sum3A_125 = arith.constant dense<0> : vector<16x192xi32>
    %reduce_sum3A_126 = vector.multi_reduction <add>, %mul3A_124, %reduce_sum3A_125 [1] : vector<16x128x192xi32> to vector<16x192xi32>
    %get3A_127 = arith.constant 0 : index
    %get3A_128 = arith.constant 0 : index
    %get3A_129 = vector.load %arg1[%get3A_127, %get3A_128] : memref<16x768xi32, #tpu.memory_space<vmem>>, vector<16x192xi32>
    %add3A_130 = arith.addi %get3A_129, %reduce_sum3A_126 : vector<16x192xi32>
    %swap3A_131 = arith.constant 0 : index
    %swap3A_132 = arith.constant 0 : index
    %swap3A_133 = vector.load %arg1[%swap3A_131, %swap3A_132] : memref<16x768xi32, #tpu.memory_space<vmem>>, vector<16x192xi32>
    tpu.vector_store %arg1[%swap3A_131, %swap3A_132], %add3A_130 {strides = array<i32>} : memref<16x768xi32, #tpu.memory_space<vmem>>, vector<16x192xi32>,
    %get3A_134 = arith.constant 0 : index
    %get3A_135 = arith.constant 384 : index
    %get3A_136 = vector.load %arg0[%get3A_134, %get3A_135] : memref<16x3072xf32, #tpu.memory_space<vmem>>, vector<16x128xf32>
    %broadcast_in_dim3A_137 = vector.shape_cast %get3A_1 : vector<16x768xf32> to vector<16x768x1xf32>
    %broadcast_in_dim3A_138 = vector.shape_cast %get3A_136 : vector<16x128xf32> to vector<16x1x128xf32>
    %gt3A_139 = vector.broadcast %broadcast_in_dim3A_137 : vector<16x768x1xf32> to vector<16x768x128xf32>
    %gt3A_140 = vector.broadcast %broadcast_in_dim3A_138 : vector<16x1x128xf32> to vector<16x768x128xf32>
    %gt3A_141 = arith.cmpf ogt, %gt3A_139, %gt3A_140 : vector<16x768x128xf32>
    %convert_element_type3A_142 = arith.extui %gt3A_141 : vector<16x768x128xi1> to vector<16x768x128xi32>
    %iota3A_143 = tpu.iota {dimensions = array<i32: 1>} : vector<1x768x1xi32>
    %iota3A_144 = tpu.iota {dimensions = array<i32: 2>} : vector<1x1x128xi32>
    %add3A_145 = arith.constant 384 : i32
    %add3A_146 = vector.broadcast %add3A_145 : i32 to vector<1x1x128xi32>
    %add3A_147 = arith.addi %add3A_146, %iota3A_144 : vector<1x1x128xi32>
    %lt3A_148 = vector.broadcast %iota3A_143 : vector<1x768x1xi32> to vector<1x768x128xi32>
    %lt3A_149 = vector.broadcast %add3A_147 : vector<1x1x128xi32> to vector<1x768x128xi32>
    %lt3A_150 = arith.cmpi slt, %lt3A_148, %lt3A_149 : vector<1x768x128xi32>
    %broadcast_in_dim3A_151 = vector.shape_cast %get3A_1 : vector<16x768xf32> to vector<16x768x1xf32>
    %broadcast_in_dim3A_152 = vector.shape_cast %get3A_136 : vector<16x128xf32> to vector<16x1x128xf32>
    %eq3A_153 = vector.broadcast %broadcast_in_dim3A_151 : vector<16x768x1xf32> to vector<16x768x128xf32>
    %eq3A_154 = vector.broadcast %broadcast_in_dim3A_152 : vector<16x1x128xf32> to vector<16x768x128xf32>
    %eq3A_155 = arith.cmpf oeq, %eq3A_153, %eq3A_154 : vector<16x768x128xf32>
    %and3A_156 = vector.broadcast %lt3A_150 : vector<1x768x128xi1> to vector<16x768x128xi1>
    %and3A_157 = arith.andi %eq3A_155, %and3A_156 : vector<16x768x128xi1>
    %convert_element_type3A_158 = arith.extui %and3A_157 : vector<16x768x128xi1> to vector<16x768x128xi32>
    %add3A_159 = arith.addi %convert_element_type3A_142, %convert_element_type3A_158 : vector<16x768x128xi32>
    %reduce_sum3A_160 = arith.constant dense<0> : vector<16x128xi32>
    %reduce_sum3A_161 = vector.multi_reduction <add>, %add3A_159, %reduce_sum3A_160 [1] : vector<16x768x128xi32> to vector<16x128xi32>
    %iota3A_162 = tpu.iota {dimensions = array<i32: 2>} : vector<1x1x192xi32>
    %broadcast_in_dim3A_163 = vector.shape_cast %reduce_sum3A_161 : vector<16x128xi32> to vector<16x128x1xi32>
    %eq3A_164 = vector.broadcast %broadcast_in_dim3A_163 : vector<16x128x1xi32> to vector<16x128x192xi32>
    %eq3A_165 = vector.broadcast %iota3A_162 : vector<1x1x192xi32> to vector<16x128x192xi32>
    %eq3A_166 = arith.cmpi eq, %eq3A_164, %eq3A_165 : vector<16x128x192xi32>
    %convert_element_type3A_167 = arith.extui %eq3A_166 : vector<16x128x192xi1> to vector<16x128x192xi32>
    %iota3A_168 = tpu.iota {dimensions = array<i32: 1>} : vector<1x128x1xi32>
    %add3A_169 = arith.constant 384 : i32
    %add3A_170 = vector.broadcast %add3A_169 : i32 to vector<1x128x1xi32>
    %add3A_171 = arith.addi %add3A_170, %iota3A_168 : vector<1x128x1xi32>
    %mul3A_172 = vector.broadcast %add3A_171 : vector<1x128x1xi32> to vector<16x128x192xi32>
    %mul3A_173 = arith.muli %convert_element_type3A_167, %mul3A_172 : vector<16x128x192xi32>
    %reduce_sum3A_174 = arith.constant dense<0> : vector<16x192xi32>
    %reduce_sum3A_175 = vector.multi_reduction <add>, %mul3A_173, %reduce_sum3A_174 [1] : vector<16x128x192xi32> to vector<16x192xi32>
    %get3A_176 = arith.constant 0 : index
    %get3A_177 = arith.constant 0 : index
    %get3A_178 = vector.load %arg1[%get3A_176, %get3A_177] : memref<16x768xi32, #tpu.memory_space<vmem>>, vector<16x192xi32>
    %add3A_179 = arith.addi %get3A_178, %reduce_sum3A_175 : vector<16x192xi32>
    %swap3A_180 = arith.constant 0 : index
    %swap3A_181 = arith.constant 0 : index
    %swap3A_182 = vector.load %arg1[%swap3A_180, %swap3A_181] : memref<16x768xi32, #tpu.memory_space<vmem>>, vector<16x192xi32>
    tpu.vector_store %arg1[%swap3A_180, %swap3A_181], %add3A_179 {strides = array<i32>} : memref<16x768xi32, #tpu.memory_space<vmem>>, vector<16x192xi32>,
    %get3A_183 = arith.constant 0 : index
    %get3A_184 = arith.constant 512 : index
    %get3A_185 = vector.load %arg0[%get3A_183, %get3A_184] : memref<16x3072xf32, #tpu.memory_space<vmem>>, vector<16x128xf32>
    %broadcast_in_dim3A_186 = vector.shape_cast %get3A_1 : vector<16x768xf32> to vector<16x768x1xf32>
    %broadcast_in_dim3A_187 = vector.shape_cast %get3A_185 : vector<16x128xf32> to vector<16x1x128xf32>
    %gt3A_188 = vector.broadcast %broadcast_in_dim3A_186 : vector<16x768x1xf32> to vector<16x768x128xf32>
    %gt3A_189 = vector.broadcast %broadcast_in_dim3A_187 : vector<16x1x128xf32> to vector<16x768x128xf32>
    %gt3A_190 = arith.cmpf ogt, %gt3A_188, %gt3A_189 : vector<16x768x128xf32>
    %convert_element_type3A_191 = arith.extui %gt3A_190 : vector<16x768x128xi1> to vector<16x768x128xi32>
    %iota3A_192 = tpu.iota {dimensions = array<i32: 1>} : vector<1x768x1xi32>
    %iota3A_193 = tpu.iota {dimensions = array<i32: 2>} : vector<1x1x128xi32>
    %add3A_194 = arith.constant 512 : i32
    %add3A_195 = vector.broadcast %add3A_194 : i32 to vector<1x1x128xi32>
    %add3A_196 = arith.addi %add3A_195, %iota3A_193 : vector<1x1x128xi32>
    %lt3A_197 = vector.broadcast %iota3A_192 : vector<1x768x1xi32> to vector<1x768x128xi32>
    %lt3A_198 = vector.broadcast %add3A_196 : vector<1x1x128xi32> to vector<1x768x128xi32>
    %lt3A_199 = arith.cmpi slt, %lt3A_197, %lt3A_198 : vector<1x768x128xi32>
    %broadcast_in_dim3A_200 = vector.shape_cast %get3A_1 : vector<16x768xf32> to vector<16x768x1xf32>
    %broadcast_in_dim3A_201 = vector.shape_cast %get3A_185 : vector<16x128xf32> to vector<16x1x128xf32>
    %eq3A_202 = vector.broadcast %broadcast_in_dim3A_200 : vector<16x768x1xf32> to vector<16x768x128xf32>
    %eq3A_203 = vector.broadcast %broadcast_in_dim3A_201 : vector<16x1x128xf32> to vector<16x768x128xf32>
    %eq3A_204 = arith.cmpf oeq, %eq3A_202, %eq3A_203 : vector<16x768x128xf32>
    %and3A_205 = vector.broadcast %lt3A_199 : vector<1x768x128xi1> to vector<16x768x128xi1>
    %and3A_206 = arith.andi %eq3A_204, %and3A_205 : vector<16x768x128xi1>
    %convert_element_type3A_207 = arith.extui %and3A_206 : vector<16x768x128xi1> to vector<16x768x128xi32>
    %add3A_208 = arith.addi %convert_element_type3A_191, %convert_element_type3A_207 : vector<16x768x128xi32>
    %reduce_sum3A_209 = arith.constant dense<0> : vector<16x128xi32>
    %reduce_sum3A_210 = vector.multi_reduction <add>, %add3A_208, %reduce_sum3A_209 [1] : vector<16x768x128xi32> to vector<16x128xi32>
    %iota3A_211 = tpu.iota {dimensions = array<i32: 2>} : vector<1x1x192xi32>
    %broadcast_in_dim3A_212 = vector.shape_cast %reduce_sum3A_210 : vector<16x128xi32> to vector<16x128x1xi32>
    %eq3A_213 = vector.broadcast %broadcast_in_dim3A_212 : vector<16x128x1xi32> to vector<16x128x192xi32>
    %eq3A_214 = vector.broadcast %iota3A_211 : vector<1x1x192xi32> to vector<16x128x192xi32>
    %eq3A_215 = arith.cmpi eq, %eq3A_213, %eq3A_214 : vector<16x128x192xi32>
    %convert_element_type3A_216 = arith.extui %eq3A_215 : vector<16x128x192xi1> to vector<16x128x192xi32>
    %iota3A_217 = tpu.iota {dimensions = array<i32: 1>} : vector<1x128x1xi32>
    %add3A_218 = arith.constant 512 : i32
    %add3A_219 = vector.broadcast %add3A_218 : i32 to vector<1x128x1xi32>
    %add3A_220 = arith.addi %add3A_219, %iota3A_217 : vector<1x128x1xi32>
    %mul3A_221 = vector.broadcast %add3A_220 : vector<1x128x1xi32> to vector<16x128x192xi32>
    %mul3A_222 = arith.muli %convert_element_type3A_216, %mul3A_221 : vector<16x128x192xi32>
    %reduce_sum3A_223 = arith.constant dense<0> : vector<16x192xi32>
    %reduce_sum3A_224 = vector.multi_reduction <add>, %mul3A_222, %reduce_sum3A_223 [1] : vector<16x128x192xi32> to vector<16x192xi32>
    %get3A_225 = arith.constant 0 : index
    %get3A_226 = arith.constant 0 : index
    %get3A_227 = vector.load %arg1[%get3A_225, %get3A_226] : memref<16x768xi32, #tpu.memory_space<vmem>>, vector<16x192xi32>
    %add3A_228 = arith.addi %get3A_227, %reduce_sum3A_224 : vector<16x192xi32>
    %swap3A_229 = arith.constant 0 : index
    %swap3A_230 = arith.constant 0 : index
    %swap3A_231 = vector.load %arg1[%swap3A_229, %swap3A_230] : memref<16x768xi32, #tpu.memory_space<vmem>>, vector<16x192xi32>
    tpu.vector_store %arg1[%swap3A_229, %swap3A_230], %add3A_228 {strides = array<i32>} : memref<16x768xi32, #tpu.memory_space<vmem>>, vector<16x192xi32>,
    %get3A_232 = arith.constant 0 : index
    %get3A_233 = arith.constant 640 : index
    %get3A_234 = vector.load %arg0[%get3A_232, %get3A_233] : memref<16x3072xf32, #tpu.memory_space<vmem>>, vector<16x128xf32>
    %broadcast_in_dim3A_235 = vector.shape_cast %get3A_1 : vector<16x768xf32> to vector<16x768x1xf32>
    %broadcast_in_dim3A_236 = vector.shape_cast %get3A_234 : vector<16x128xf32> to vector<16x1x128xf32>
    %gt3A_237 = vector.broadcast %broadcast_in_dim3A_235 : vector<16x768x1xf32> to vector<16x768x128xf32>
    %gt3A_238 = vector.broadcast %broadcast_in_dim3A_236 : vector<16x1x128xf32> to vector<16x768x128xf32>
    %gt3A_239 = arith.cmpf ogt, %gt3A_237, %gt3A_238 : vector<16x768x128xf32>
    %convert_element_type3A_240 = arith.extui %gt3A_239 : vector<16x768x128xi1> to vector<16x768x128xi32>
    %iota3A_241 = tpu.iota {dimensions = array<i32: 1>} : vector<1x768x1xi32>
    %iota3A_242 = tpu.iota {dimensions = array<i32: 2>} : vector<1x1x128xi32>
    %add3A_243 = arith.constant 640 : i32
    %add3A_244 = vector.broadcast %add3A_243 : i32 to vector<1x1x128xi32>
    %add3A_245 = arith.addi %add3A_244, %iota3A_242 : vector<1x1x128xi32>
    %lt3A_246 = vector.broadcast %iota3A_241 : vector<1x768x1xi32> to vector<1x768x128xi32>
    %lt3A_247 = vector.broadcast %add3A_245 : vector<1x1x128xi32> to vector<1x768x128xi32>
    %lt3A_248 = arith.cmpi slt, %lt3A_246, %lt3A_247 : vector<1x768x128xi32>
    %broadcast_in_dim3A_249 = vector.shape_cast %get3A_1 : vector<16x768xf32> to vector<16x768x1xf32>
    %broadcast_in_dim3A_250 = vector.shape_cast %get3A_234 : vector<16x128xf32> to vector<16x1x128xf32>
    %eq3A_251 = vector.broadcast %broadcast_in_dim3A_249 : vector<16x768x1xf32> to vector<16x768x128xf32>
    %eq3A_252 = vector.broadcast %broadcast_in_dim3A_250 : vector<16x1x128xf32> to vector<16x768x128xf32>
    %eq3A_253 = arith.cmpf oeq, %eq3A_251, %eq3A_252 : vector<16x768x128xf32>
    %and3A_254 = vector.broadcast %lt3A_248 : vector<1x768x128xi1> to vector<16x768x128xi1>
    %and3A_255 = arith.andi %eq3A_253, %and3A_254 : vector<16x768x128xi1>
    %convert_element_type3A_256 = arith.extui %and3A_255 : vector<16x768x128xi1> to vector<16x768x128xi32>
    %add3A_257 = arith.addi %convert_element_type3A_240, %convert_element_type3A_256 : vector<16x768x128xi32>
    %reduce_sum3A_258 = arith.constant dense<0> : vector<16x128xi32>
    %reduce_sum3A_259 = vector.multi_reduction <add>, %add3A_257, %reduce_sum3A_258 [1] : vector<16x768x128xi32> to vector<16x128xi32>
    %iota3A_260 = tpu.iota {dimensions = array<i32: 2>} : vector<1x1x192xi32>
    %broadcast_in_dim3A_261 = vector.shape_cast %reduce_sum3A_259 : vector<16x128xi32> to vector<16x128x1xi32>
    %eq3A_262 = vector.broadcast %broadcast_in_dim3A_261 : vector<16x128x1xi32> to vector<16x128x192xi32>
    %eq3A_263 = vector.broadcast %iota3A_260 : vector<1x1x192xi32> to vector<16x128x192xi32>
    %eq3A_264 = arith.cmpi eq, %eq3A_262, %eq3A_263 : vector<16x128x192xi32>
    %convert_element_type3A_265 = arith.extui %eq3A_264 : vector<16x128x192xi1> to vector<16x128x192xi32>
    %iota3A_266 = tpu.iota {dimensions = array<i32: 1>} : vector<1x128x1xi32>
    %add3A_267 = arith.constant 640 : i32
    %add3A_268 = vector.broadcast %add3A_267 : i32 to vector<1x128x1xi32>
    %add3A_269 = arith.addi %add3A_268, %iota3A_266 : vector<1x128x1xi32>
    %mul3A_270 = vector.broadcast %add3A_269 : vector<1x128x1xi32> to vector<16x128x192xi32>
    %mul3A_271 = arith.muli %convert_element_type3A_265, %mul3A_270 : vector<16x128x192xi32>
    %reduce_sum3A_272 = arith.constant dense<0> : vector<16x192xi32>
    %reduce_sum3A_273 = vector.multi_reduction <add>, %mul3A_271, %reduce_sum3A_272 [1] : vector<16x128x192xi32> to vector<16x192xi32>
    %get3A_274 = arith.constant 0 : index
    %get3A_275 = arith.constant 0 : index
    %get3A_276 = vector.load %arg1[%get3A_274, %get3A_275] : memref<16x768xi32, #tpu.memory_space<vmem>>, vector<16x192xi32>
    %add3A_277 = arith.addi %get3A_276, %reduce_sum3A_273 : vector<16x192xi32>
    %swap3A_278 = arith.constant 0 : index
    %swap3A_279 = arith.constant 0 : index
    %swap3A_280 = vector.load %arg1[%swap3A_278, %swap3A_279] : memref<16x768xi32, #tpu.memory_space<vmem>>, vector<16x192xi32>
    tpu.vector_store %arg1[%swap3A_278, %swap3A_279], %add3A_277 {strides = array<i32>} : memref<16x768xi32, #tpu.memory_space<vmem>>, vector<16x192xi32>,
    %get3A_281 = arith.constant 0 : index
    %get3A_282 = arith.constant 768 : index
    %get3A_283 = vector.load %arg0[%get3A_281, %get3A_282] : memref<16x3072xf32, #tpu.memory_space<vmem>>, vector<16x768xf32>
    %get3A_284 = arith.constant 0 : index
    %get3A_285 = arith.constant 768 : index
    %get3A_286 = vector.load %arg0[%get3A_284, %get3A_285] : memref<16x3072xf32, #tpu.memory_space<vmem>>, vector<16x128xf32>
    %broadcast_in_dim3A_287 = vector.shape_cast %get3A_283 : vector<16x768xf32> to vector<16x768x1xf32>
    %broadcast_in_dim3A_288 = vector.shape_cast %get3A_286 : vector<16x128xf32> to vector<16x1x128xf32>
    %gt3A_289 = vector.broadcast %broadcast_in_dim3A_287 : vector<16x768x1xf32> to vector<16x768x128xf32>
    %gt3A_290 = vector.broadcast %broadcast_in_dim3A_288 : vector<16x1x128xf32> to vector<16x768x128xf32>
    %gt3A_291 = arith.cmpf ogt, %gt3A_289, %gt3A_290 : vector<16x768x128xf32>
    %convert_element_type3A_292 = arith.extui %gt3A_291 : vector<16x768x128xi1> to vector<16x768x128xi32>
    %iota3A_293 = tpu.iota {dimensions = array<i32: 1>} : vector<1x768x1xi32>
    %iota3A_294 = tpu.iota {dimensions = array<i32: 2>} : vector<1x1x128xi32>
    %add3A_295 = arith.constant 0 : i32
    %add3A_296 = vector.broadcast %add3A_295 : i32 to vector<1x1x128xi32>
    %add3A_297 = arith.addi %add3A_296, %iota3A_294 : vector<1x1x128xi32>
    %lt3A_298 = vector.broadcast %iota3A_293 : vector<1x768x1xi32> to vector<1x768x128xi32>
    %lt3A_299 = vector.broadcast %add3A_297 : vector<1x1x128xi32> to vector<1x768x128xi32>
    %lt3A_300 = arith.cmpi slt, %lt3A_298, %lt3A_299 : vector<1x768x128xi32>
    %broadcast_in_dim3A_301 = vector.shape_cast %get3A_283 : vector<16x768xf32> to vector<16x768x1xf32>
    %broadcast_in_dim3A_302 = vector.shape_cast %get3A_286 : vector<16x128xf32> to vector<16x1x128xf32>
    %eq3A_303 = vector.broadcast %broadcast_in_dim3A_301 : vector<16x768x1xf32> to vector<16x768x128xf32>
    %eq3A_304 = vector.broadcast %broadcast_in_dim3A_302 : vector<16x1x128xf32> to vector<16x768x128xf32>
    %eq3A_305 = arith.cmpf oeq, %eq3A_303, %eq3A_304 : vector<16x768x128xf32>
    %and3A_306 = vector.broadcast %lt3A_300 : vector<1x768x128xi1> to vector<16x768x128xi1>
    %and3A_307 = arith.andi %eq3A_305, %and3A_306 : vector<16x768x128xi1>
    %convert_element_type3A_308 = arith.extui %and3A_307 : vector<16x768x128xi1> to vector<16x768x128xi32>
    %add3A_309 = arith.addi %convert_element_type3A_292, %convert_element_type3A_308 : vector<16x768x128xi32>
    %reduce_sum3A_310 = arith.constant dense<0> : vector<16x128xi32>
    %reduce_sum3A_311 = vector.multi_reduction <add>, %add3A_309, %reduce_sum3A_310 [1] : vector<16x768x128xi32> to vector<16x128xi32>
    %iota3A_312 = tpu.iota {dimensions = array<i32: 2>} : vector<1x1x192xi32>
    %broadcast_in_dim3A_313 = vector.shape_cast %reduce_sum3A_311 : vector<16x128xi32> to vector<16x128x1xi32>
    %eq3A_314 = vector.broadcast %broadcast_in_dim3A_313 : vector<16x128x1xi32> to vector<16x128x192xi32>
    %eq3A_315 = vector.broadcast %iota3A_312 : vector<1x1x192xi32> to vector<16x128x192xi32>
    %eq3A_316 = arith.cmpi eq, %eq3A_314, %eq3A_315 : vector<16x128x192xi32>
    %convert_element_type3A_317 = arith.extui %eq3A_316 : vector<16x128x192xi1> to vector<16x128x192xi32>
    %iota3A_318 = tpu.iota {dimensions = array<i32: 1>} : vector<1x128x1xi32>
    %add3A_319 = arith.constant 0 : i32
    %add3A_320 = vector.broadcast %add3A_319 : i32 to vector<1x128x1xi32>
    %add3A_321 = arith.addi %add3A_320, %iota3A_318 : vector<1x128x1xi32>
    %mul3A_322 = vector.broadcast %add3A_321 : vector<1x128x1xi32> to vector<16x128x192xi32>
    %mul3A_323 = arith.muli %convert_element_type3A_317, %mul3A_322 : vector<16x128x192xi32>
    %reduce_sum3A_324 = arith.constant dense<0> : vector<16x192xi32>
    %reduce_sum3A_325 = vector.multi_reduction <add>, %mul3A_323, %reduce_sum3A_324 [1] : vector<16x128x192xi32> to vector<16x192xi32>
    %swap3A_326 = arith.constant 0 : index
    %swap3A_327 = arith.constant 192 : index
    %swap3A_328 = vector.load %arg1[%swap3A_326, %swap3A_327] : memref<16x768xi32, #tpu.memory_space<vmem>>, vector<16x192xi32>
    tpu.vector_store %arg1[%swap3A_326, %swap3A_327], %reduce_sum3A_325 {strides = array<i32>} : memref<16x768xi32, #tpu.memory_space<vmem>>, vector<16x192xi32>,
    %get3A_329 = arith.constant 0 : index
    %get3A_330 = arith.constant 896 : index
    %get3A_331 = vector.load %arg0[%get3A_329, %get3A_330] : memref<16x3072xf32, #tpu.memory_space<vmem>>, vector<16x128xf32>
    %broadcast_in_dim3A_332 = vector.shape_cast %get3A_283 : vector<16x768xf32> to vector<16x768x1xf32>
    %broadcast_in_dim3A_333 = vector.shape_cast %get3A_331 : vector<16x128xf32> to vector<16x1x128xf32>
    %gt3A_334 = vector.broadcast %broadcast_in_dim3A_332 : vector<16x768x1xf32> to vector<16x768x128xf32>
    %gt3A_335 = vector.broadcast %broadcast_in_dim3A_333 : vector<16x1x128xf32> to vector<16x768x128xf32>
    %gt3A_336 = arith.cmpf ogt, %gt3A_334, %gt3A_335 : vector<16x768x128xf32>
    %convert_element_type3A_337 = arith.extui %gt3A_336 : vector<16x768x128xi1> to vector<16x768x128xi32>
    %iota3A_338 = tpu.iota {dimensions = array<i32: 1>} : vector<1x768x1xi32>
    %iota3A_339 = tpu.iota {dimensions = array<i32: 2>} : vector<1x1x128xi32>
    %add3A_340 = arith.constant 128 : i32
    %add3A_341 = vector.broadcast %add3A_340 : i32 to vector<1x1x128xi32>
    %add3A_342 = arith.addi %add3A_341, %iota3A_339 : vector<1x1x128xi32>
    %lt3A_343 = vector.broadcast %iota3A_338 : vector<1x768x1xi32> to vector<1x768x128xi32>
    %lt3A_344 = vector.broadcast %add3A_342 : vector<1x1x128xi32> to vector<1x768x128xi32>
    %lt3A_345 = arith.cmpi slt, %lt3A_343, %lt3A_344 : vector<1x768x128xi32>
    %broadcast_in_dim3A_346 = vector.shape_cast %get3A_283 : vector<16x768xf32> to vector<16x768x1xf32>
    %broadcast_in_dim3A_347 = vector.shape_cast %get3A_331 : vector<16x128xf32> to vector<16x1x128xf32>
    %eq3A_348 = vector.broadcast %broadcast_in_dim3A_346 : vector<16x768x1xf32> to vector<16x768x128xf32>
    %eq3A_349 = vector.broadcast %broadcast_in_dim3A_347 : vector<16x1x128xf32> to vector<16x768x128xf32>
    %eq3A_350 = arith.cmpf oeq, %eq3A_348, %eq3A_349 : vector<16x768x128xf32>
    %and3A_351 = vector.broadcast %lt3A_345 : vector<1x768x128xi1> to vector<16x768x128xi1>
    %and3A_352 = arith.andi %eq3A_350, %and3A_351 : vector<16x768x128xi1>
    %convert_element_type3A_353 = arith.extui %and3A_352 : vector<16x768x128xi1> to vector<16x768x128xi32>
    %add3A_354 = arith.addi %convert_element_type3A_337, %convert_element_type3A_353 : vector<16x768x128xi32>
    %reduce_sum3A_355 = arith.constant dense<0> : vector<16x128xi32>
    %reduce_sum3A_356 = vector.multi_reduction <add>, %add3A_354, %reduce_sum3A_355 [1] : vector<16x768x128xi32> to vector<16x128xi32>
    %iota3A_357 = tpu.iota {dimensions = array<i32: 2>} : vector<1x1x192xi32>
    %broadcast_in_dim3A_358 = vector.shape_cast %reduce_sum3A_356 : vector<16x128xi32> to vector<16x128x1xi32>
    %eq3A_359 = vector.broadcast %broadcast_in_dim3A_358 : vector<16x128x1xi32> to vector<16x128x192xi32>
    %eq3A_360 = vector.broadcast %iota3A_357 : vector<1x1x192xi32> to vector<16x128x192xi32>
    %eq3A_361 = arith.cmpi eq, %eq3A_359, %eq3A_360 : vector<16x128x192xi32>
    %convert_element_type3A_362 = arith.extui %eq3A_361 : vector<16x128x192xi1> to vector<16x128x192xi32>
    %iota3A_363 = tpu.iota {dimensions = array<i32: 1>} : vector<1x128x1xi32>
    %add3A_364 = arith.constant 128 : i32
    %add3A_365 = vector.broadcast %add3A_364 : i32 to vector<1x128x1xi32>
    %add3A_366 = arith.addi %add3A_365, %iota3A_363 : vector<1x128x1xi32>
    %mul3A_367 = vector.broadcast %add3A_366 : vector<1x128x1xi32> to vector<16x128x192xi32>
    %mul3A_368 = arith.muli %convert_element_type3A_362, %mul3A_367 : vector<16x128x192xi32>
    %reduce_sum3A_369 = arith.constant dense<0> : vector<16x192xi32>
    %reduce_sum3A_370 = vector.multi_reduction <add>, %mul3A_368, %reduce_sum3A_369 [1] : vector<16x128x192xi32> to vector<16x192xi32>
    %get3A_371 = arith.constant 0 : index
    %get3A_372 = arith.constant 192 : index
    %get3A_373 = vector.load %arg1[%get3A_371, %get3A_372] : memref<16x768xi32, #tpu.memory_space<vmem>>, vector<16x192xi32>
    %add3A_374 = arith.addi %get3A_373, %reduce_sum3A_370 : vector<16x192xi32>
    %swap3A_375 = arith.constant 0 : index
    %swap3A_376 = arith.constant 192 : index
    %swap3A_377 = vector.load %arg1[%swap3A_375, %swap3A_376] : memref<16x768xi32, #tpu.memory_space<vmem>>, vector<16x192xi32>
    tpu.vector_store %arg1[%swap3A_375, %swap3A_376], %add3A_374 {strides = array<i32>} : memref<16x768xi32, #tpu.memory_space<vmem>>, vector<16x192xi32>,
    %get3A_378 = arith.constant 0 : index
    %get3A_379 = arith.constant 1024 : index
    %get3A_380 = vector.load %arg0[%get3A_378, %get3A_379] : memref<16x3072xf32, #tpu.memory_space<vmem>>, vector<16x128xf32>
    %broadcast_in_dim3A_381 = vector.shape_cast %get3A_283 : vector<16x768xf32> to vector<16x768x1xf32>
    %broadcast_in_dim3A_382 = vector.shape_cast %get3A_380 : vector<16x128xf32> to vector<16x1x128xf32>
    %gt3A_383 = vector.broadcast %broadcast_in_dim3A_381 : vector<16x768x1xf32> to vector<16x768x128xf32>
    %gt3A_384 = vector.broadcast %broadcast_in_dim3A_382 : vector<16x1x128xf32> to vector<16x768x128xf32>
    %gt3A_385 = arith.cmpf ogt, %gt3A_383, %gt3A_384 : vector<16x768x128xf32>
    %convert_element_type3A_386 = arith.extui %gt3A_385 : vector<16x768x128xi1> to vector<16x768x128xi32>
    %iota3A_387 = tpu.iota {dimensions = array<i32: 1>} : vector<1x768x1xi32>
    %iota3A_388 = tpu.iota {dimensions = array<i32: 2>} : vector<1x1x128xi32>
    %add3A_389 = arith.constant 256 : i32
    %add3A_390 = vector.broadcast %add3A_389 : i32 to vector<1x1x128xi32>
    %add3A_391 = arith.addi %add3A_390, %iota3A_388 : vector<1x1x128xi32>
    %lt3A_392 = vector.broadcast %iota3A_387 : vector<1x768x1xi32> to vector<1x768x128xi32>
    %lt3A_393 = vector.broadcast %add3A_391 : vector<1x1x128xi32> to vector<1x768x128xi32>
    %lt3A_394 = arith.cmpi slt, %lt3A_392, %lt3A_393 : vector<1x768x128xi32>
    %broadcast_in_dim3A_395 = vector.shape_cast %get3A_283 : vector<16x768xf32> to vector<16x768x1xf32>
    %broadcast_in_dim3A_396 = vector.shape_cast %get3A_380 : vector<16x128xf32> to vector<16x1x128xf32>
    %eq3A_397 = vector.broadcast %broadcast_in_dim3A_395 : vector<16x768x1xf32> to vector<16x768x128xf32>
    %eq3A_398 = vector.broadcast %broadcast_in_dim3A_396 : vector<16x1x128xf32> to vector<16x768x128xf32>
    %eq3A_399 = arith.cmpf oeq, %eq3A_397, %eq3A_398 : vector<16x768x128xf32>
    %and3A_400 = vector.broadcast %lt3A_394 : vector<1x768x128xi1> to vector<16x768x128xi1>
    %and3A_401 = arith.andi %eq3A_399, %and3A_400 : vector<16x768x128xi1>
    %convert_element_type3A_402 = arith.extui %and3A_401 : vector<16x768x128xi1> to vector<16x768x128xi32>
    %add3A_403 = arith.addi %convert_element_type3A_386, %convert_element_type3A_402 : vector<16x768x128xi32>
    %reduce_sum3A_404 = arith.constant dense<0> : vector<16x128xi32>
    %reduce_sum3A_405 = vector.multi_reduction <add>, %add3A_403, %reduce_sum3A_404 [1] : vector<16x768x128xi32> to vector<16x128xi32>
    %iota3A_406 = tpu.iota {dimensions = array<i32: 2>} : vector<1x1x192xi32>
    %broadcast_in_dim3A_407 = vector.shape_cast %reduce_sum3A_405 : vector<16x128xi32> to vector<16x128x1xi32>
    %eq3A_408 = vector.broadcast %broadcast_in_dim3A_407 : vector<16x128x1xi32> to vector<16x128x192xi32>
    %eq3A_409 = vector.broadcast %iota3A_406 : vector<1x1x192xi32> to vector<16x128x192xi32>
    %eq3A_410 = arith.cmpi eq, %eq3A_408, %eq3A_409 : vector<16x128x192xi32>
    %convert_element_type3A_411 = arith.extui %eq3A_410 : vector<16x128x192xi1> to vector<16x128x192xi32>
    %iota3A_412 = tpu.iota {dimensions = array<i32: 1>} : vector<1x128x1xi32>
    %add3A_413 = arith.constant 256 : i32
    %add3A_414 = vector.broadcast %add3A_413 : i32 to vector<1x128x1xi32>
    %add3A_415 = arith.addi %add3A_414, %iota3A_412 : vector<1x128x1xi32>
    %mul3A_416 = vector.broadcast %add3A_415 : vector<1x128x1xi32> to vector<16x128x192xi32>
    %mul3A_417 = arith.muli %convert_element_type3A_411, %mul3A_416 : vector<16x128x192xi32>
    %reduce_sum3A_418 = arith.constant dense<0> : vector<16x192xi32>
    %reduce_sum3A_419 = vector.multi_reduction <add>, %mul3A_417, %reduce_sum3A_418 [1] : vector<16x128x192xi32> to vector<16x192xi32>
    %get3A_420 = arith.constant 0 : index
    %get3A_421 = arith.constant 192 : index
    %get3A_422 = vector.load %arg1[%get3A_420, %get3A_421] : memref<16x768xi32, #tpu.memory_space<vmem>>, vector<16x192xi32>
    %add3A_423 = arith.addi %get3A_422, %reduce_sum3A_419 : vector<16x192xi32>
    %swap3A_424 = arith.constant 0 : index
    %swap3A_425 = arith.constant 192 : index
    %swap3A_426 = vector.load %arg1[%swap3A_424, %swap3A_425] : memref<16x768xi32, #tpu.memory_space<vmem>>, vector<16x192xi32>
    tpu.vector_store %arg1[%swap3A_424, %swap3A_425], %add3A_423 {strides = array<i32>} : memref<16x768xi32, #tpu.memory_space<vmem>>, vector<16x192xi32>,
    %get3A_427 = arith.constant 0 : index
    %get3A_428 = arith.constant 1152 : index
    %get3A_429 = vector.load %arg0[%get3A_427, %get3A_428] : memref<16x3072xf32, #tpu.memory_space<vmem>>, vector<16x128xf32>
    %broadcast_in_dim3A_430 = vector.shape_cast %get3A_283 : vector<16x768xf32> to vector<16x768x1xf32>
    %broadcast_in_dim3A_431 = vector.shape_cast %get3A_429 : vector<16x128xf32> to vector<16x1x128xf32>
    %gt3A_432 = vector.broadcast %broadcast_in_dim3A_430 : vector<16x768x1xf32> to vector<16x768x128xf32>
    %gt3A_433 = vector.broadcast %broadcast_in_dim3A_431 : vector<16x1x128xf32> to vector<16x768x128xf32>
    %gt3A_434 = arith.cmpf ogt, %gt3A_432, %gt3A_433 : vector<16x768x128xf32>
    %convert_element_type3A_435 = arith.extui %gt3A_434 : vector<16x768x128xi1> to vector<16x768x128xi32>
    %iota3A_436 = tpu.iota {dimensions = array<i32: 1>} : vector<1x768x1xi32>
    %iota3A_437 = tpu.iota {dimensions = array<i32: 2>} : vector<1x1x128xi32>
    %add3A_438 = arith.constant 384 : i32
    %add3A_439 = vector.broadcast %add3A_438 : i32 to vector<1x1x128xi32>
    %add3A_440 = arith.addi %add3A_439, %iota3A_437 : vector<1x1x128xi32>
    %lt3A_441 = vector.broadcast %iota3A_436 : vector<1x768x1xi32> to vector<1x768x128xi32>
    %lt3A_442 = vector.broadcast %add3A_440 : vector<1x1x128xi32> to vector<1x768x128xi32>
    %lt3A_443 = arith.cmpi slt, %lt3A_441, %lt3A_442 : vector<1x768x128xi32>
    %broadcast_in_dim3A_444 = vector.shape_cast %get3A_283 : vector<16x768xf32> to vector<16x768x1xf32>
    %broadcast_in_dim3A_445 = vector.shape_cast %get3A_429 : vector<16x128xf32> to vector<16x1x128xf32>
    %eq3A_446 = vector.broadcast %broadcast_in_dim3A_444 : vector<16x768x1xf32> to vector<16x768x128xf32>
    %eq3A_447 = vector.broadcast %broadcast_in_dim3A_445 : vector<16x1x128xf32> to vector<16x768x128xf32>
    %eq3A_448 = arith.cmpf oeq, %eq3A_446, %eq3A_447 : vector<16x768x128xf32>
    %and3A_449 = vector.broadcast %lt3A_443 : vector<1x768x128xi1> to vector<16x768x128xi1>
    %and3A_450 = arith.andi %eq3A_448, %and3A_449 : vector<16x768x128xi1>
    %convert_element_type3A_451 = arith.extui %and3A_450 : vector<16x768x128xi1> to vector<16x768x128xi32>
    %add3A_452 = arith.addi %convert_element_type3A_435, %convert_element_type3A_451 : vector<16x768x128xi32>
    %reduce_sum3A_453 = arith.constant dense<0> : vector<16x128xi32>
    %reduce_sum3A_454 = vector.multi_reduction <add>, %add3A_452, %reduce_sum3A_453 [1] : vector<16x768x128xi32> to vector<16x128xi32>
    %iota3A_455 = tpu.iota {dimensions = array<i32: 2>} : vector<1x1x192xi32>
    %broadcast_in_dim3A_456 = vector.shape_cast %reduce_sum3A_454 : vector<16x128xi32> to vector<16x128x1xi32>
    %eq3A_457 = vector.broadcast %broadcast_in_dim3A_456 : vector<16x128x1xi32> to vector<16x128x192xi32>
    %eq3A_458 = vector.broadcast %iota3A_455 : vector<1x1x192xi32> to vector<16x128x192xi32>
    %eq3A_459 = arith.cmpi eq, %eq3A_457, %eq3A_458 : vector<16x128x192xi32>
    %convert_element_type3A_460 = arith.extui %eq3A_459 : vector<16x128x192xi1> to vector<16x128x192xi32>
    %iota3A_461 = tpu.iota {dimensions = array<i32: 1>} : vector<1x128x1xi32>
    %add3A_462 = arith.constant 384 : i32
    %add3A_463 = vector.broadcast %add3A_462 : i32 to vector<1x128x1xi32>
    %add3A_464 = arith.addi %add3A_463, %iota3A_461 : vector<1x128x1xi32>
    %mul3A_465 = vector.broadcast %add3A_464 : vector<1x128x1xi32> to vector<16x128x192xi32>
    %mul3A_466 = arith.muli %convert_element_type3A_460, %mul3A_465 : vector<16x128x192xi32>
    %reduce_sum3A_467 = arith.constant dense<0> : vector<16x192xi32>
    %reduce_sum3A_468 = vector.multi_reduction <add>, %mul3A_466, %reduce_sum3A_467 [1] : vector<16x128x192xi32> to vector<16x192xi32>
    %get3A_469 = arith.constant 0 : index
    %get3A_470 = arith.constant 192 : index
    %get3A_471 = vector.load %arg1[%get3A_469, %get3A_470] : memref<16x768xi32, #tpu.memory_space<vmem>>, vector<16x192xi32>
    %add3A_472 = arith.addi %get3A_471, %reduce_sum3A_468 : vector<16x192xi32>
    %swap3A_473 = arith.constant 0 : index
    %swap3A_474 = arith.constant 192 : index
    %swap3A_475 = vector.load %arg1[%swap3A_473, %swap3A_474] : memref<16x768xi32, #tpu.memory_space<vmem>>, vector<16x192xi32>
    tpu.vector_store %arg1[%swap3A_473, %swap3A_474], %add3A_472 {strides = array<i32>} : memref<16x768xi32, #tpu.memory_space<vmem>>, vector<16x192xi32>,
    %get3A_476 = arith.constant 0 : index
    %get3A_477 = arith.constant 1280 : index
    %get3A_478 = vector.load %arg0[%get3A_476, %get3A_477] : memref<16x3072xf32, #tpu.memory_space<vmem>>, vector<16x128xf32>
    %broadcast_in_dim3A_479 = vector.shape_cast %get3A_283 : vector<16x768xf32> to vector<16x768x1xf32>
    %broadcast_in_dim3A_480 = vector.shape_cast %get3A_478 : vector<16x128xf32> to vector<16x1x128xf32>
    %gt3A_481 = vector.broadcast %broadcast_in_dim3A_479 : vector<16x768x1xf32> to vector<16x768x128xf32>
    %gt3A_482 = vector.broadcast %broadcast_in_dim3A_480 : vector<16x1x128xf32> to vector<16x768x128xf32>
    %gt3A_483 = arith.cmpf ogt, %gt3A_481, %gt3A_482 : vector<16x768x128xf32>
    %convert_element_type3A_484 = arith.extui %gt3A_483 : vector<16x768x128xi1> to vector<16x768x128xi32>
    %iota3A_485 = tpu.iota {dimensions = array<i32: 1>} : vector<1x768x1xi32>
    %iota3A_486 = tpu.iota {dimensions = array<i32: 2>} : vector<1x1x128xi32>
    %add3A_487 = arith.constant 512 : i32
    %add3A_488 = vector.broadcast %add3A_487 : i32 to vector<1x1x128xi32>
    %add3A_489 = arith.addi %add3A_488, %iota3A_486 : vector<1x1x128xi32>
    %lt3A_490 = vector.broadcast %iota3A_485 : vector<1x768x1xi32> to vector<1x768x128xi32>
    %lt3A_491 = vector.broadcast %add3A_489 : vector<1x1x128xi32> to vector<1x768x128xi32>
    %lt3A_492 = arith.cmpi slt, %lt3A_490, %lt3A_491 : vector<1x768x128xi32>
    %broadcast_in_dim3A_493 = vector.shape_cast %get3A_283 : vector<16x768xf32> to vector<16x768x1xf32>
    %broadcast_in_dim3A_494 = vector.shape_cast %get3A_478 : vector<16x128xf32> to vector<16x1x128xf32>
    %eq3A_495 = vector.broadcast %broadcast_in_dim3A_493 : vector<16x768x1xf32> to vector<16x768x128xf32>
    %eq3A_496 = vector.broadcast %broadcast_in_dim3A_494 : vector<16x1x128xf32> to vector<16x768x128xf32>
    %eq3A_497 = arith.cmpf oeq, %eq3A_495, %eq3A_496 : vector<16x768x128xf32>
    %and3A_498 = vector.broadcast %lt3A_492 : vector<1x768x128xi1> to vector<16x768x128xi1>
    %and3A_499 = arith.andi %eq3A_497, %and3A_498 : vector<16x768x128xi1>
    %convert_element_type3A_500 = arith.extui %and3A_499 : vector<16x768x128xi1> to vector<16x768x128xi32>
    %add3A_501 = arith.addi %convert_element_type3A_484, %convert_element_type3A_500 : vector<16x768x128xi32>
    %reduce_sum3A_502 = arith.constant dense<0> : vector<16x128xi32>
    %reduce_sum3A_503 = vector.multi_reduction <add>, %add3A_501, %reduce_sum3A_502 [1] : vector<16x768x128xi32> to vector<16x128xi32>
    %iota3A_504 = tpu.iota {dimensions = array<i32: 2>} : vector<1x1x192xi32>
    %broadcast_in_dim3A_505 = vector.shape_cast %reduce_sum3A_503 : vector<16x128xi32> to vector<16x128x1xi32>
    %eq3A_506 = vector.broadcast %broadcast_in_dim3A_505 : vector<16x128x1xi32> to vector<16x128x192xi32>
    %eq3A_507 = vector.broadcast %iota3A_504 : vector<1x1x192xi32> to vector<16x128x192xi32>
    %eq3A_508 = arith.cmpi eq, %eq3A_506, %eq3A_507 : vector<16x128x192xi32>
    %convert_element_type3A_509 = arith.extui %eq3A_508 : vector<16x128x192xi1> to vector<16x128x192xi32>
    %iota3A_510 = tpu.iota {dimensions = array<i32: 1>} : vector<1x128x1xi32>
    %add3A_511 = arith.constant 512 : i32
    %add3A_512 = vector.broadcast %add3A_511 : i32 to vector<1x128x1xi32>
    %add3A_513 = arith.addi %add3A_512, %iota3A_510 : vector<1x128x1xi32>
    %mul3A_514 = vector.broadcast %add3A_513 : vector<1x128x1xi32> to vector<16x128x192xi32>
    %mul3A_515 = arith.muli %convert_element_type3A_509, %mul3A_514 : vector<16x128x192xi32>
    %reduce_sum3A_516 = arith.constant dense<0> : vector<16x192xi32>
    %reduce_sum3A_517 = vector.multi_reduction <add>, %mul3A_515, %reduce_sum3A_516 [1] : vector<16x128x192xi32> to vector<16x192xi32>
    %get3A_518 = arith.constant 0 : index
    %get3A_519 = arith.constant 192 : index
    %get3A_520 = vector.load %arg1[%get3A_518, %get3A_519] : memref<16x768xi32, #tpu.memory_space<vmem>>, vector<16x192xi32>
    %add3A_521 = arith.addi %get3A_520, %reduce_sum3A_517 : vector<16x192xi32>
    %swap3A_522 = arith.constant 0 : index
    %swap3A_523 = arith.constant 192 : index
    %swap3A_524 = vector.load %arg1[%swap3A_522, %swap3A_523] : memref<16x768xi32, #tpu.memory_space<vmem>>, vector<16x192xi32>
    tpu.vector_store %arg1[%swap3A_522, %swap3A_523], %add3A_521 {strides = array<i32>} : memref<16x768xi32, #tpu.memory_space<vmem>>, vector<16x192xi32>,
    %get3A_525 = arith.constant 0 : index
    %get3A_526 = arith.constant 1408 : index
    %get3A_527 = vector.load %arg0[%get3A_525, %get3A_526] : memref<16x3072xf32, #tpu.memory_space<vmem>>, vector<16x128xf32>
    %broadcast_in_dim3A_528 = vector.shape_cast %get3A_283 : vector<16x768xf32> to vector<16x768x1xf32>
    %broadcast_in_dim3A_529 = vector.shape_cast %get3A_527 : vector<16x128xf32> to vector<16x1x128xf32>
    %gt3A_530 = vector.broadcast %broadcast_in_dim3A_528 : vector<16x768x1xf32> to vector<16x768x128xf32>
    %gt3A_531 = vector.broadcast %broadcast_in_dim3A_529 : vector<16x1x128xf32> to vector<16x768x128xf32>
    %gt3A_532 = arith.cmpf ogt, %gt3A_530, %gt3A_531 : vector<16x768x128xf32>
    %convert_element_type3A_533 = arith.extui %gt3A_532 : vector<16x768x128xi1> to vector<16x768x128xi32>
    %iota3A_534 = tpu.iota {dimensions = array<i32: 1>} : vector<1x768x1xi32>
    %iota3A_535 = tpu.iota {dimensions = array<i32: 2>} : vector<1x1x128xi32>
    %add3A_536 = arith.constant 640 : i32
    %add3A_537 = vector.broadcast %add3A_536 : i32 to vector<1x1x128xi32>
    %add3A_538 = arith.addi %add3A_537, %iota3A_535 : vector<1x1x128xi32>
    %lt3A_539 = vector.broadcast %iota3A_534 : vector<1x768x1xi32> to vector<1x768x128xi32>
    %lt3A_540 = vector.broadcast %add3A_538 : vector<1x1x128xi32> to vector<1x768x128xi32>
    %lt3A_541 = arith.cmpi slt, %lt3A_539, %lt3A_540 : vector<1x768x128xi32>
    %broadcast_in_dim3A_542 = vector.shape_cast %get3A_283 : vector<16x768xf32> to vector<16x768x1xf32>
    %broadcast_in_dim3A_543 = vector.shape_cast %get3A_527 : vector<16x128xf32> to vector<16x1x128xf32>
    %eq3A_544 = vector.broadcast %broadcast_in_dim3A_542 : vector<16x768x1xf32> to vector<16x768x128xf32>
    %eq3A_545 = vector.broadcast %broadcast_in_dim3A_543 : vector<16x1x128xf32> to vector<16x768x128xf32>
    %eq3A_546 = arith.cmpf oeq, %eq3A_544, %eq3A_545 : vector<16x768x128xf32>
    %and3A_547 = vector.broadcast %lt3A_541 : vector<1x768x128xi1> to vector<16x768x128xi1>
    %and3A_548 = arith.andi %eq3A_546, %and3A_547 : vector<16x768x128xi1>
    %convert_element_type3A_549 = arith.extui %and3A_548 : vector<16x768x128xi1> to vector<16x768x128xi32>
    %add3A_550 = arith.addi %convert_element_type3A_533, %convert_element_type3A_549 : vector<16x768x128xi32>
    %reduce_sum3A_551 = arith.constant dense<0> : vector<16x128xi32>
    %reduce_sum3A_552 = vector.multi_reduction <add>, %add3A_550, %reduce_sum3A_551 [1] : vector<16x768x128xi32> to vector<16x128xi32>
    %iota3A_553 = tpu.iota {dimensions = array<i32: 2>} : vector<1x1x192xi32>
    %broadcast_in_dim3A_554 = vector.shape_cast %reduce_sum3A_552 : vector<16x128xi32> to vector<16x128x1xi32>
    %eq3A_555 = vector.broadcast %broadcast_in_dim3A_554 : vector<16x128x1xi32> to vector<16x128x192xi32>
    %eq3A_556 = vector.broadcast %iota3A_553 : vector<1x1x192xi32> to vector<16x128x192xi32>
    %eq3A_557 = arith.cmpi eq, %eq3A_555, %eq3A_556 : vector<16x128x192xi32>
    %convert_element_type3A_558 = arith.extui %eq3A_557 : vector<16x128x192xi1> to vector<16x128x192xi32>
    %iota3A_559 = tpu.iota {dimensions = array<i32: 1>} : vector<1x128x1xi32>
    %add3A_560 = arith.constant 640 : i32
    %add3A_561 = vector.broadcast %add3A_560 : i32 to vector<1x128x1xi32>
    %add3A_562 = arith.addi %add3A_561, %iota3A_559 : vector<1x128x1xi32>
    %mul3A_563 = vector.broadcast %add3A_562 : vector<1x128x1xi32> to vector<16x128x192xi32>
    %mul3A_564 = arith.muli %convert_element_type3A_558, %mul3A_563 : vector<16x128x192xi32>
    %reduce_sum3A_565 = arith.constant dense<0> : vector<16x192xi32>
    %reduce_sum3A_566 = vector.multi_reduction <add>, %mul3A_564, %reduce_sum3A_565 [1] : vector<16x128x192xi32> to vector<16x192xi32>
    %get3A_567 = arith.constant 0 : index
    %get3A_568 = arith.constant 192 : index
    %get3A_569 = vector.load %arg1[%get3A_567, %get3A_568] : memref<16x768xi32, #tpu.memory_space<vmem>>, vector<16x192xi32>
    %add3A_570 = arith.addi %get3A_569, %reduce_sum3A_566 : vector<16x192xi32>
    %swap3A_571 = arith.constant 0 : index
    %swap3A_572 = arith.constant 192 : index
    %swap3A_573 = vector.load %arg1[%swap3A_571, %swap3A_572] : memref<16x768xi32, #tpu.memory_space<vmem>>, vector<16x192xi32>
    tpu.vector_store %arg1[%swap3A_571, %swap3A_572], %add3A_570 {strides = array<i32>} : memref<16x768xi32, #tpu.memory_space<vmem>>, vector<16x192xi32>,
    %get3A_574 = arith.constant 0 : index
    %get3A_575 = arith.constant 1536 : index
    %get3A_576 = vector.load %arg0[%get3A_574, %get3A_575] : memref<16x3072xf32, #tpu.memory_space<vmem>>, vector<16x768xf32>
    %get3A_577 = arith.constant 0 : index
    %get3A_578 = arith.constant 1536 : index
    %get3A_579 = vector.load %arg0[%get3A_577, %get3A_578] : memref<16x3072xf32, #tpu.memory_space<vmem>>, vector<16x128xf32>
    %broadcast_in_dim3A_580 = vector.shape_cast %get3A_576 : vector<16x768xf32> to vector<16x768x1xf32>
    %broadcast_in_dim3A_581 = vector.shape_cast %get3A_579 : vector<16x128xf32> to vector<16x1x128xf32>
    %gt3A_582 = vector.broadcast %broadcast_in_dim3A_580 : vector<16x768x1xf32> to vector<16x768x128xf32>
    %gt3A_583 = vector.broadcast %broadcast_in_dim3A_581 : vector<16x1x128xf32> to vector<16x768x128xf32>
    %gt3A_584 = arith.cmpf ogt, %gt3A_582, %gt3A_583 : vector<16x768x128xf32>
    %convert_element_type3A_585 = arith.extui %gt3A_584 : vector<16x768x128xi1> to vector<16x768x128xi32>
    %iota3A_586 = tpu.iota {dimensions = array<i32: 1>} : vector<1x768x1xi32>
    %iota3A_587 = tpu.iota {dimensions = array<i32: 2>} : vector<1x1x128xi32>
    %add3A_588 = arith.constant 0 : i32
    %add3A_589 = vector.broadcast %add3A_588 : i32 to vector<1x1x128xi32>
    %add3A_590 = arith.addi %add3A_589, %iota3A_587 : vector<1x1x128xi32>
    %lt3A_591 = vector.broadcast %iota3A_586 : vector<1x768x1xi32> to vector<1x768x128xi32>
    %lt3A_592 = vector.broadcast %add3A_590 : vector<1x1x128xi32> to vector<1x768x128xi32>
    %lt3A_593 = arith.cmpi slt, %lt3A_591, %lt3A_592 : vector<1x768x128xi32>
    %broadcast_in_dim3A_594 = vector.shape_cast %get3A_576 : vector<16x768xf32> to vector<16x768x1xf32>
    %broadcast_in_dim3A_595 = vector.shape_cast %get3A_579 : vector<16x128xf32> to vector<16x1x128xf32>
    %eq3A_596 = vector.broadcast %broadcast_in_dim3A_594 : vector<16x768x1xf32> to vector<16x768x128xf32>
    %eq3A_597 = vector.broadcast %broadcast_in_dim3A_595 : vector<16x1x128xf32> to vector<16x768x128xf32>
    %eq3A_598 = arith.cmpf oeq, %eq3A_596, %eq3A_597 : vector<16x768x128xf32>
    %and3A_599 = vector.broadcast %lt3A_593 : vector<1x768x128xi1> to vector<16x768x128xi1>
    %and3A_600 = arith.andi %eq3A_598, %and3A_599 : vector<16x768x128xi1>
    %convert_element_type3A_601 = arith.extui %and3A_600 : vector<16x768x128xi1> to vector<16x768x128xi32>
    %add3A_602 = arith.addi %convert_element_type3A_585, %convert_element_type3A_601 : vector<16x768x128xi32>
    %reduce_sum3A_603 = arith.constant dense<0> : vector<16x128xi32>
    %reduce_sum3A_604 = vector.multi_reduction <add>, %add3A_602, %reduce_sum3A_603 [1] : vector<16x768x128xi32> to vector<16x128xi32>
    %iota3A_605 = tpu.iota {dimensions = array<i32: 2>} : vector<1x1x192xi32>
    %broadcast_in_dim3A_606 = vector.shape_cast %reduce_sum3A_604 : vector<16x128xi32> to vector<16x128x1xi32>
    %eq3A_607 = vector.broadcast %broadcast_in_dim3A_606 : vector<16x128x1xi32> to vector<16x128x192xi32>
    %eq3A_608 = vector.broadcast %iota3A_605 : vector<1x1x192xi32> to vector<16x128x192xi32>
    %eq3A_609 = arith.cmpi eq, %eq3A_607, %eq3A_608 : vector<16x128x192xi32>
    %convert_element_type3A_610 = arith.extui %eq3A_609 : vector<16x128x192xi1> to vector<16x128x192xi32>
    %iota3A_611 = tpu.iota {dimensions = array<i32: 1>} : vector<1x128x1xi32>
    %add3A_612 = arith.constant 0 : i32
    %add3A_613 = vector.broadcast %add3A_612 : i32 to vector<1x128x1xi32>
    %add3A_614 = arith.addi %add3A_613, %iota3A_611 : vector<1x128x1xi32>
    %mul3A_615 = vector.broadcast %add3A_614 : vector<1x128x1xi32> to vector<16x128x192xi32>
    %mul3A_616 = arith.muli %convert_element_type3A_610, %mul3A_615 : vector<16x128x192xi32>
    %reduce_sum3A_617 = arith.constant dense<0> : vector<16x192xi32>
    %reduce_sum3A_618 = vector.multi_reduction <add>, %mul3A_616, %reduce_sum3A_617 [1] : vector<16x128x192xi32> to vector<16x192xi32>
    %swap3A_619 = arith.constant 0 : index
    %swap3A_620 = arith.constant 384 : index
    %swap3A_621 = vector.load %arg1[%swap3A_619, %swap3A_620] : memref<16x768xi32, #tpu.memory_space<vmem>>, vector<16x192xi32>
    tpu.vector_store %arg1[%swap3A_619, %swap3A_620], %reduce_sum3A_618 {strides = array<i32>} : memref<16x768xi32, #tpu.memory_space<vmem>>, vector<16x192xi32>,
    %get3A_622 = arith.constant 0 : index
    %get3A_623 = arith.constant 1664 : index
    %get3A_624 = vector.load %arg0[%get3A_622, %get3A_623] : memref<16x3072xf32, #tpu.memory_space<vmem>>, vector<16x128xf32>
    %broadcast_in_dim3A_625 = vector.shape_cast %get3A_576 : vector<16x768xf32> to vector<16x768x1xf32>
    %broadcast_in_dim3A_626 = vector.shape_cast %get3A_624 : vector<16x128xf32> to vector<16x1x128xf32>
    %gt3A_627 = vector.broadcast %broadcast_in_dim3A_625 : vector<16x768x1xf32> to vector<16x768x128xf32>
    %gt3A_628 = vector.broadcast %broadcast_in_dim3A_626 : vector<16x1x128xf32> to vector<16x768x128xf32>
    %gt3A_629 = arith.cmpf ogt, %gt3A_627, %gt3A_628 : vector<16x768x128xf32>
    %convert_element_type3A_630 = arith.extui %gt3A_629 : vector<16x768x128xi1> to vector<16x768x128xi32>
    %iota3A_631 = tpu.iota {dimensions = array<i32: 1>} : vector<1x768x1xi32>
    %iota3A_632 = tpu.iota {dimensions = array<i32: 2>} : vector<1x1x128xi32>
    %add3A_633 = arith.constant 128 : i32
    %add3A_634 = vector.broadcast %add3A_633 : i32 to vector<1x1x128xi32>
    %add3A_635 = arith.addi %add3A_634, %iota3A_632 : vector<1x1x128xi32>
    %lt3A_636 = vector.broadcast %iota3A_631 : vector<1x768x1xi32> to vector<1x768x128xi32>
    %lt3A_637 = vector.broadcast %add3A_635 : vector<1x1x128xi32> to vector<1x768x128xi32>
    %lt3A_638 = arith.cmpi slt, %lt3A_636, %lt3A_637 : vector<1x768x128xi32>
    %broadcast_in_dim3A_639 = vector.shape_cast %get3A_576 : vector<16x768xf32> to vector<16x768x1xf32>
    %broadcast_in_dim3A_640 = vector.shape_cast %get3A_624 : vector<16x128xf32> to vector<16x1x128xf32>
    %eq3A_641 = vector.broadcast %broadcast_in_dim3A_639 : vector<16x768x1xf32> to vector<16x768x128xf32>
    %eq3A_642 = vector.broadcast %broadcast_in_dim3A_640 : vector<16x1x128xf32> to vector<16x768x128xf32>
    %eq3A_643 = arith.cmpf oeq, %eq3A_641, %eq3A_642 : vector<16x768x128xf32>
    %and3A_644 = vector.broadcast %lt3A_638 : vector<1x768x128xi1> to vector<16x768x128xi1>
    %and3A_645 = arith.andi %eq3A_643, %and3A_644 : vector<16x768x128xi1>
    %convert_element_type3A_646 = arith.extui %and3A_645 : vector<16x768x128xi1> to vector<16x768x128xi32>
    %add3A_647 = arith.addi %convert_element_type3A_630, %convert_element_type3A_646 : vector<16x768x128xi32>
    %reduce_sum3A_648 = arith.constant dense<0> : vector<16x128xi32>
    %reduce_sum3A_649 = vector.multi_reduction <add>, %add3A_647, %reduce_sum3A_648 [1] : vector<16x768x128xi32> to vector<16x128xi32>
    %iota3A_650 = tpu.iota {dimensions = array<i32: 2>} : vector<1x1x192xi32>
    %broadcast_in_dim3A_651 = vector.shape_cast %reduce_sum3A_649 : vector<16x128xi32> to vector<16x128x1xi32>
    %eq3A_652 = vector.broadcast %broadcast_in_dim3A_651 : vector<16x128x1xi32> to vector<16x128x192xi32>
    %eq3A_653 = vector.broadcast %iota3A_650 : vector<1x1x192xi32> to vector<16x128x192xi32>
    %eq3A_654 = arith.cmpi eq, %eq3A_652, %eq3A_653 : vector<16x128x192xi32>
    %convert_element_type3A_655 = arith.extui %eq3A_654 : vector<16x128x192xi1> to vector<16x128x192xi32>
    %iota3A_656 = tpu.iota {dimensions = array<i32: 1>} : vector<1x128x1xi32>
    %add3A_657 = arith.constant 128 : i32
    %add3A_658 = vector.broadcast %add3A_657 : i32 to vector<1x128x1xi32>
    %add3A_659 = arith.addi %add3A_658, %iota3A_656 : vector<1x128x1xi32>
    %mul3A_660 = vector.broadcast %add3A_659 : vector<1x128x1xi32> to vector<16x128x192xi32>
    %mul3A_661 = arith.muli %convert_element_type3A_655, %mul3A_660 : vector<16x128x192xi32>
    %reduce_sum3A_662 = arith.constant dense<0> : vector<16x192xi32>
    %reduce_sum3A_663 = vector.multi_reduction <add>, %mul3A_661, %reduce_sum3A_662 [1] : vector<16x128x192xi32> to vector<16x192xi32>
    %get3A_664 = arith.constant 0 : index
    %get3A_665 = arith.constant 384 : index
    %get3A_666 = vector.load %arg1[%get3A_664, %get3A_665] : memref<16x768xi32, #tpu.memory_space<vmem>>, vector<16x192xi32>
    %add3A_667 = arith.addi %get3A_666, %reduce_sum3A_663 : vector<16x192xi32>
    %swap3A_668 = arith.constant 0 : index
    %swap3A_669 = arith.constant 384 : index
    %swap3A_670 = vector.load %arg1[%swap3A_668, %swap3A_669] : memref<16x768xi32, #tpu.memory_space<vmem>>, vector<16x192xi32>
    tpu.vector_store %arg1[%swap3A_668, %swap3A_669], %add3A_667 {strides = array<i32>} : memref<16x768xi32, #tpu.memory_space<vmem>>, vector<16x192xi32>,
    %get3A_671 = arith.constant 0 : index
    %get3A_672 = arith.constant 1792 : index
    %get3A_673 = vector.load %arg0[%get3A_671, %get3A_672] : memref<16x3072xf32, #tpu.memory_space<vmem>>, vector<16x128xf32>
    %broadcast_in_dim3A_674 = vector.shape_cast %get3A_576 : vector<16x768xf32> to vector<16x768x1xf32>
    %broadcast_in_dim3A_675 = vector.shape_cast %get3A_673 : vector<16x128xf32> to vector<16x1x128xf32>
    %gt3A_676 = vector.broadcast %broadcast_in_dim3A_674 : vector<16x768x1xf32> to vector<16x768x128xf32>
    %gt3A_677 = vector.broadcast %broadcast_in_dim3A_675 : vector<16x1x128xf32> to vector<16x768x128xf32>
    %gt3A_678 = arith.cmpf ogt, %gt3A_676, %gt3A_677 : vector<16x768x128xf32>
    %convert_element_type3A_679 = arith.extui %gt3A_678 : vector<16x768x128xi1> to vector<16x768x128xi32>
    %iota3A_680 = tpu.iota {dimensions = array<i32: 1>} : vector<1x768x1xi32>
    %iota3A_681 = tpu.iota {dimensions = array<i32: 2>} : vector<1x1x128xi32>
    %add3A_682 = arith.constant 256 : i32
    %add3A_683 = vector.broadcast %add3A_682 : i32 to vector<1x1x128xi32>
    %add3A_684 = arith.addi %add3A_683, %iota3A_681 : vector<1x1x128xi32>
    %lt3A_685 = vector.broadcast %iota3A_680 : vector<1x768x1xi32> to vector<1x768x128xi32>
    %lt3A_686 = vector.broadcast %add3A_684 : vector<1x1x128xi32> to vector<1x768x128xi32>
    %lt3A_687 = arith.cmpi slt, %lt3A_685, %lt3A_686 : vector<1x768x128xi32>
    %broadcast_in_dim3A_688 = vector.shape_cast %get3A_576 : vector<16x768xf32> to vector<16x768x1xf32>
    %broadcast_in_dim3A_689 = vector.shape_cast %get3A_673 : vector<16x128xf32> to vector<16x1x128xf32>
    %eq3A_690 = vector.broadcast %broadcast_in_dim3A_688 : vector<16x768x1xf32> to vector<16x768x128xf32>
    %eq3A_691 = vector.broadcast %broadcast_in_dim3A_689 : vector<16x1x128xf32> to vector<16x768x128xf32>
    %eq3A_692 = arith.cmpf oeq, %eq3A_690, %eq3A_691 : vector<16x768x128xf32>
    %and3A_693 = vector.broadcast %lt3A_687 : vector<1x768x128xi1> to vector<16x768x128xi1>
    %and3A_694 = arith.andi %eq3A_692, %and3A_693 : vector<16x768x128xi1>
    %convert_element_type3A_695 = arith.extui %and3A_694 : vector<16x768x128xi1> to vector<16x768x128xi32>
    %add3A_696 = arith.addi %convert_element_type3A_679, %convert_element_type3A_695 : vector<16x768x128xi32>
    %reduce_sum3A_697 = arith.constant dense<0> : vector<16x128xi32>
    %reduce_sum3A_698 = vector.multi_reduction <add>, %add3A_696, %reduce_sum3A_697 [1] : vector<16x768x128xi32> to vector<16x128xi32>
    %iota3A_699 = tpu.iota {dimensions = array<i32: 2>} : vector<1x1x192xi32>
    %broadcast_in_dim3A_700 = vector.shape_cast %reduce_sum3A_698 : vector<16x128xi32> to vector<16x128x1xi32>
    %eq3A_701 = vector.broadcast %broadcast_in_dim3A_700 : vector<16x128x1xi32> to vector<16x128x192xi32>
    %eq3A_702 = vector.broadcast %iota3A_699 : vector<1x1x192xi32> to vector<16x128x192xi32>
    %eq3A_703 = arith.cmpi eq, %eq3A_701, %eq3A_702 : vector<16x128x192xi32>
    %convert_element_type3A_704 = arith.extui %eq3A_703 : vector<16x128x192xi1> to vector<16x128x192xi32>
    %iota3A_705 = tpu.iota {dimensions = array<i32: 1>} : vector<1x128x1xi32>
    %add3A_706 = arith.constant 256 : i32
    %add3A_707 = vector.broadcast %add3A_706 : i32 to vector<1x128x1xi32>
    %add3A_708 = arith.addi %add3A_707, %iota3A_705 : vector<1x128x1xi32>
    %mul3A_709 = vector.broadcast %add3A_708 : vector<1x128x1xi32> to vector<16x128x192xi32>
    %mul3A_710 = arith.muli %convert_element_type3A_704, %mul3A_709 : vector<16x128x192xi32>
    %reduce_sum3A_711 = arith.constant dense<0> : vector<16x192xi32>
    %reduce_sum3A_712 = vector.multi_reduction <add>, %mul3A_710, %reduce_sum3A_711 [1] : vector<16x128x192xi32> to vector<16x192xi32>
    %get3A_713 = arith.constant 0 : index
    %get3A_714 = arith.constant 384 : index
    %get3A_715 = vector.load %arg1[%get3A_713, %get3A_714] : memref<16x768xi32, #tpu.memory_space<vmem>>, vector<16x192xi32>
    %add3A_716 = arith.addi %get3A_715, %reduce_sum3A_712 : vector<16x192xi32>
    %swap3A_717 = arith.constant 0 : index
    %swap3A_718 = arith.constant 384 : index
    %swap3A_719 = vector.load %arg1[%swap3A_717, %swap3A_718] : memref<16x768xi32, #tpu.memory_space<vmem>>, vector<16x192xi32>
    tpu.vector_store %arg1[%swap3A_717, %swap3A_718], %add3A_716 {strides = array<i32>} : memref<16x768xi32, #tpu.memory_space<vmem>>, vector<16x192xi32>,
    %get3A_720 = arith.constant 0 : index
    %get3A_721 = arith.constant 1920 : index
    %get3A_722 = vector.load %arg0[%get3A_720, %get3A_721] : memref<16x3072xf32, #tpu.memory_space<vmem>>, vector<16x128xf32>
    %broadcast_in_dim3A_723 = vector.shape_cast %get3A_576 : vector<16x768xf32> to vector<16x768x1xf32>
    %broadcast_in_dim3A_724 = vector.shape_cast %get3A_722 : vector<16x128xf32> to vector<16x1x128xf32>
    %gt3A_725 = vector.broadcast %broadcast_in_dim3A_723 : vector<16x768x1xf32> to vector<16x768x128xf32>
    %gt3A_726 = vector.broadcast %broadcast_in_dim3A_724 : vector<16x1x128xf32> to vector<16x768x128xf32>
    %gt3A_727 = arith.cmpf ogt, %gt3A_725, %gt3A_726 : vector<16x768x128xf32>
    %convert_element_type3A_728 = arith.extui %gt3A_727 : vector<16x768x128xi1> to vector<16x768x128xi32>
    %iota3A_729 = tpu.iota {dimensions = array<i32: 1>} : vector<1x768x1xi32>
    %iota3A_730 = tpu.iota {dimensions = array<i32: 2>} : vector<1x1x128xi32>
    %add3A_731 = arith.constant 384 : i32
    %add3A_732 = vector.broadcast %add3A_731 : i32 to vector<1x1x128xi32>
    %add3A_733 = arith.addi %add3A_732, %iota3A_730 : vector<1x1x128xi32>
    %lt3A_734 = vector.broadcast %iota3A_729 : vector<1x768x1xi32> to vector<1x768x128xi32>
    %lt3A_735 = vector.broadcast %add3A_733 : vector<1x1x128xi32> to vector<1x768x128xi32>
    %lt3A_736 = arith.cmpi slt, %lt3A_734, %lt3A_735 : vector<1x768x128xi32>
    %broadcast_in_dim3A_737 = vector.shape_cast %get3A_576 : vector<16x768xf32> to vector<16x768x1xf32>
    %broadcast_in_dim3A_738 = vector.shape_cast %get3A_722 : vector<16x128xf32> to vector<16x1x128xf32>
    %eq3A_739 = vector.broadcast %broadcast_in_dim3A_737 : vector<16x768x1xf32> to vector<16x768x128xf32>
    %eq3A_740 = vector.broadcast %broadcast_in_dim3A_738 : vector<16x1x128xf32> to vector<16x768x128xf32>
    %eq3A_741 = arith.cmpf oeq, %eq3A_739, %eq3A_740 : vector<16x768x128xf32>
    %and3A_742 = vector.broadcast %lt3A_736 : vector<1x768x128xi1> to vector<16x768x128xi1>
    %and3A_743 = arith.andi %eq3A_741, %and3A_742 : vector<16x768x128xi1>
    %convert_element_type3A_744 = arith.extui %and3A_743 : vector<16x768x128xi1> to vector<16x768x128xi32>
    %add3A_745 = arith.addi %convert_element_type3A_728, %convert_element_type3A_744 : vector<16x768x128xi32>
    %reduce_sum3A_746 = arith.constant dense<0> : vector<16x128xi32>
    %reduce_sum3A_747 = vector.multi_reduction <add>, %add3A_745, %reduce_sum3A_746 [1] : vector<16x768x128xi32> to vector<16x128xi32>
    %iota3A_748 = tpu.iota {dimensions = array<i32: 2>} : vector<1x1x192xi32>
    %broadcast_in_dim3A_749 = vector.shape_cast %reduce_sum3A_747 : vector<16x128xi32> to vector<16x128x1xi32>
    %eq3A_750 = vector.broadcast %broadcast_in_dim3A_749 : vector<16x128x1xi32> to vector<16x128x192xi32>
    %eq3A_751 = vector.broadcast %iota3A_748 : vector<1x1x192xi32> to vector<16x128x192xi32>
    %eq3A_752 = arith.cmpi eq, %eq3A_750, %eq3A_751 : vector<16x128x192xi32>
    %convert_element_type3A_753 = arith.extui %eq3A_752 : vector<16x128x192xi1> to vector<16x128x192xi32>
    %iota3A_754 = tpu.iota {dimensions = array<i32: 1>} : vector<1x128x1xi32>
    %add3A_755 = arith.constant 384 : i32
    %add3A_756 = vector.broadcast %add3A_755 : i32 to vector<1x128x1xi32>
    %add3A_757 = arith.addi %add3A_756, %iota3A_754 : vector<1x128x1xi32>
    %mul3A_758 = vector.broadcast %add3A_757 : vector<1x128x1xi32> to vector<16x128x192xi32>
    %mul3A_759 = arith.muli %convert_element_type3A_753, %mul3A_758 : vector<16x128x192xi32>
    %reduce_sum3A_760 = arith.constant dense<0> : vector<16x192xi32>
    %reduce_sum3A_761 = vector.multi_reduction <add>, %mul3A_759, %reduce_sum3A_760 [1] : vector<16x128x192xi32> to vector<16x192xi32>
    %get3A_762 = arith.constant 0 : index
    %get3A_763 = arith.constant 384 : index
    %get3A_764 = vector.load %arg1[%get3A_762, %get3A_763] : memref<16x768xi32, #tpu.memory_space<vmem>>, vector<16x192xi32>
    %add3A_765 = arith.addi %get3A_764, %reduce_sum3A_761 : vector<16x192xi32>
    %swap3A_766 = arith.constant 0 : index
    %swap3A_767 = arith.constant 384 : index
    %swap3A_768 = vector.load %arg1[%swap3A_766, %swap3A_767] : memref<16x768xi32, #tpu.memory_space<vmem>>, vector<16x192xi32>
    tpu.vector_store %arg1[%swap3A_766, %swap3A_767], %add3A_765 {strides = array<i32>} : memref<16x768xi32, #tpu.memory_space<vmem>>, vector<16x192xi32>,
    %get3A_769 = arith.constant 0 : index
    %get3A_770 = arith.constant 2048 : index
    %get3A_771 = vector.load %arg0[%get3A_769, %get3A_770] : memref<16x3072xf32, #tpu.memory_space<vmem>>, vector<16x128xf32>
    %broadcast_in_dim3A_772 = vector.shape_cast %get3A_576 : vector<16x768xf32> to vector<16x768x1xf32>
    %broadcast_in_dim3A_773 = vector.shape_cast %get3A_771 : vector<16x128xf32> to vector<16x1x128xf32>
    %gt3A_774 = vector.broadcast %broadcast_in_dim3A_772 : vector<16x768x1xf32> to vector<16x768x128xf32>
    %gt3A_775 = vector.broadcast %broadcast_in_dim3A_773 : vector<16x1x128xf32> to vector<16x768x128xf32>
    %gt3A_776 = arith.cmpf ogt, %gt3A_774, %gt3A_775 : vector<16x768x128xf32>
    %convert_element_type3A_777 = arith.extui %gt3A_776 : vector<16x768x128xi1> to vector<16x768x128xi32>
    %iota3A_778 = tpu.iota {dimensions = array<i32: 1>} : vector<1x768x1xi32>
    %iota3A_779 = tpu.iota {dimensions = array<i32: 2>} : vector<1x1x128xi32>
    %add3A_780 = arith.constant 512 : i32
    %add3A_781 = vector.broadcast %add3A_780 : i32 to vector<1x1x128xi32>
    %add3A_782 = arith.addi %add3A_781, %iota3A_779 : vector<1x1x128xi32>
    %lt3A_783 = vector.broadcast %iota3A_778 : vector<1x768x1xi32> to vector<1x768x128xi32>
    %lt3A_784 = vector.broadcast %add3A_782 : vector<1x1x128xi32> to vector<1x768x128xi32>
    %lt3A_785 = arith.cmpi slt, %lt3A_783, %lt3A_784 : vector<1x768x128xi32>
    %broadcast_in_dim3A_786 = vector.shape_cast %get3A_576 : vector<16x768xf32> to vector<16x768x1xf32>
    %broadcast_in_dim3A_787 = vector.shape_cast %get3A_771 : vector<16x128xf32> to vector<16x1x128xf32>
    %eq3A_788 = vector.broadcast %broadcast_in_dim3A_786 : vector<16x768x1xf32> to vector<16x768x128xf32>
    %eq3A_789 = vector.broadcast %broadcast_in_dim3A_787 : vector<16x1x128xf32> to vector<16x768x128xf32>
    %eq3A_790 = arith.cmpf oeq, %eq3A_788, %eq3A_789 : vector<16x768x128xf32>
    %and3A_791 = vector.broadcast %lt3A_785 : vector<1x768x128xi1> to vector<16x768x128xi1>
    %and3A_792 = arith.andi %eq3A_790, %and3A_791 : vector<16x768x128xi1>
    %convert_element_type3A_793 = arith.extui %and3A_792 : vector<16x768x128xi1> to vector<16x768x128xi32>
    %add3A_794 = arith.addi %convert_element_type3A_777, %convert_element_type3A_793 : vector<16x768x128xi32>
    %reduce_sum3A_795 = arith.constant dense<0> : vector<16x128xi32>
    %reduce_sum3A_796 = vector.multi_reduction <add>, %add3A_794, %reduce_sum3A_795 [1] : vector<16x768x128xi32> to vector<16x128xi32>
    %iota3A_797 = tpu.iota {dimensions = array<i32: 2>} : vector<1x1x192xi32>
    %broadcast_in_dim3A_798 = vector.shape_cast %reduce_sum3A_796 : vector<16x128xi32> to vector<16x128x1xi32>
    %eq3A_799 = vector.broadcast %broadcast_in_dim3A_798 : vector<16x128x1xi32> to vector<16x128x192xi32>
    %eq3A_800 = vector.broadcast %iota3A_797 : vector<1x1x192xi32> to vector<16x128x192xi32>
    %eq3A_801 = arith.cmpi eq, %eq3A_799, %eq3A_800 : vector<16x128x192xi32>
    %convert_element_type3A_802 = arith.extui %eq3A_801 : vector<16x128x192xi1> to vector<16x128x192xi32>
    %iota3A_803 = tpu.iota {dimensions = array<i32: 1>} : vector<1x128x1xi32>
    %add3A_804 = arith.constant 512 : i32
    %add3A_805 = vector.broadcast %add3A_804 : i32 to vector<1x128x1xi32>
    %add3A_806 = arith.addi %add3A_805, %iota3A_803 : vector<1x128x1xi32>
    %mul3A_807 = vector.broadcast %add3A_806 : vector<1x128x1xi32> to vector<16x128x192xi32>
    %mul3A_808 = arith.muli %convert_element_type3A_802, %mul3A_807 : vector<16x128x192xi32>
    %reduce_sum3A_809 = arith.constant dense<0> : vector<16x192xi32>
    %reduce_sum3A_810 = vector.multi_reduction <add>, %mul3A_808, %reduce_sum3A_809 [1] : vector<16x128x192xi32> to vector<16x192xi32>
    %get3A_811 = arith.constant 0 : index
    %get3A_812 = arith.constant 384 : index
    %get3A_813 = vector.load %arg1[%get3A_811, %get3A_812] : memref<16x768xi32, #tpu.memory_space<vmem>>, vector<16x192xi32>
    %add3A_814 = arith.addi %get3A_813, %reduce_sum3A_810 : vector<16x192xi32>
    %swap3A_815 = arith.constant 0 : index
    %swap3A_816 = arith.constant 384 : index
    %swap3A_817 = vector.load %arg1[%swap3A_815, %swap3A_816] : memref<16x768xi32, #tpu.memory_space<vmem>>, vector<16x192xi32>
    tpu.vector_store %arg1[%swap3A_815, %swap3A_816], %add3A_814 {strides = array<i32>} : memref<16x768xi32, #tpu.memory_space<vmem>>, vector<16x192xi32>,
    %get3A_818 = arith.constant 0 : index
    %get3A_819 = arith.constant 2176 : index
    %get3A_820 = vector.load %arg0[%get3A_818, %get3A_819] : memref<16x3072xf32, #tpu.memory_space<vmem>>, vector<16x128xf32>
    %broadcast_in_dim3A_821 = vector.shape_cast %get3A_576 : vector<16x768xf32> to vector<16x768x1xf32>
    %broadcast_in_dim3A_822 = vector.shape_cast %get3A_820 : vector<16x128xf32> to vector<16x1x128xf32>
    %gt3A_823 = vector.broadcast %broadcast_in_dim3A_821 : vector<16x768x1xf32> to vector<16x768x128xf32>
    %gt3A_824 = vector.broadcast %broadcast_in_dim3A_822 : vector<16x1x128xf32> to vector<16x768x128xf32>
    %gt3A_825 = arith.cmpf ogt, %gt3A_823, %gt3A_824 : vector<16x768x128xf32>
    %convert_element_type3A_826 = arith.extui %gt3A_825 : vector<16x768x128xi1> to vector<16x768x128xi32>
    %iota3A_827 = tpu.iota {dimensions = array<i32: 1>} : vector<1x768x1xi32>
    %iota3A_828 = tpu.iota {dimensions = array<i32: 2>} : vector<1x1x128xi32>
    %add3A_829 = arith.constant 640 : i32
    %add3A_830 = vector.broadcast %add3A_829 : i32 to vector<1x1x128xi32>
    %add3A_831 = arith.addi %add3A_830, %iota3A_828 : vector<1x1x128xi32>
    %lt3A_832 = vector.broadcast %iota3A_827 : vector<1x768x1xi32> to vector<1x768x128xi32>
    %lt3A_833 = vector.broadcast %add3A_831 : vector<1x1x128xi32> to vector<1x768x128xi32>
    %lt3A_834 = arith.cmpi slt, %lt3A_832, %lt3A_833 : vector<1x768x128xi32>
    %broadcast_in_dim3A_835 = vector.shape_cast %get3A_576 : vector<16x768xf32> to vector<16x768x1xf32>
    %broadcast_in_dim3A_836 = vector.shape_cast %get3A_820 : vector<16x128xf32> to vector<16x1x128xf32>
    %eq3A_837 = vector.broadcast %broadcast_in_dim3A_835 : vector<16x768x1xf32> to vector<16x768x128xf32>
    %eq3A_838 = vector.broadcast %broadcast_in_dim3A_836 : vector<16x1x128xf32> to vector<16x768x128xf32>
    %eq3A_839 = arith.cmpf oeq, %eq3A_837, %eq3A_838 : vector<16x768x128xf32>
    %and3A_840 = vector.broadcast %lt3A_834 : vector<1x768x128xi1> to vector<16x768x128xi1>
    %and3A_841 = arith.andi %eq3A_839, %and3A_840 : vector<16x768x128xi1>
    %convert_element_type3A_842 = arith.extui %and3A_841 : vector<16x768x128xi1> to vector<16x768x128xi32>
    %add3A_843 = arith.addi %convert_element_type3A_826, %convert_element_type3A_842 : vector<16x768x128xi32>
    %reduce_sum3A_844 = arith.constant dense<0> : vector<16x128xi32>
    %reduce_sum3A_845 = vector.multi_reduction <add>, %add3A_843, %reduce_sum3A_844 [1] : vector<16x768x128xi32> to vector<16x128xi32>
    %iota3A_846 = tpu.iota {dimensions = array<i32: 2>} : vector<1x1x192xi32>
    %broadcast_in_dim3A_847 = vector.shape_cast %reduce_sum3A_845 : vector<16x128xi32> to vector<16x128x1xi32>
    %eq3A_848 = vector.broadcast %broadcast_in_dim3A_847 : vector<16x128x1xi32> to vector<16x128x192xi32>
    %eq3A_849 = vector.broadcast %iota3A_846 : vector<1x1x192xi32> to vector<16x128x192xi32>
    %eq3A_850 = arith.cmpi eq, %eq3A_848, %eq3A_849 : vector<16x128x192xi32>
    %convert_element_type3A_851 = arith.extui %eq3A_850 : vector<16x128x192xi1> to vector<16x128x192xi32>
    %iota3A_852 = tpu.iota {dimensions = array<i32: 1>} : vector<1x128x1xi32>
    %add3A_853 = arith.constant 640 : i32
    %add3A_854 = vector.broadcast %add3A_853 : i32 to vector<1x128x1xi32>
    %add3A_855 = arith.addi %add3A_854, %iota3A_852 : vector<1x128x1xi32>
    %mul3A_856 = vector.broadcast %add3A_855 : vector<1x128x1xi32> to vector<16x128x192xi32>
    %mul3A_857 = arith.muli %convert_element_type3A_851, %mul3A_856 : vector<16x128x192xi32>
    %reduce_sum3A_858 = arith.constant dense<0> : vector<16x192xi32>
    %reduce_sum3A_859 = vector.multi_reduction <add>, %mul3A_857, %reduce_sum3A_858 [1] : vector<16x128x192xi32> to vector<16x192xi32>
    %get3A_860 = arith.constant 0 : index
    %get3A_861 = arith.constant 384 : index
    %get3A_862 = vector.load %arg1[%get3A_860, %get3A_861] : memref<16x768xi32, #tpu.memory_space<vmem>>, vector<16x192xi32>
    %add3A_863 = arith.addi %get3A_862, %reduce_sum3A_859 : vector<16x192xi32>
    %swap3A_864 = arith.constant 0 : index
    %swap3A_865 = arith.constant 384 : index
    %swap3A_866 = vector.load %arg1[%swap3A_864, %swap3A_865] : memref<16x768xi32, #tpu.memory_space<vmem>>, vector<16x192xi32>
    tpu.vector_store %arg1[%swap3A_864, %swap3A_865], %add3A_863 {strides = array<i32>} : memref<16x768xi32, #tpu.memory_space<vmem>>, vector<16x192xi32>,
    %get3A_867 = arith.constant 0 : index
    %get3A_868 = arith.constant 2304 : index
    %get3A_869 = vector.load %arg0[%get3A_867, %get3A_868] : memref<16x3072xf32, #tpu.memory_space<vmem>>, vector<16x768xf32>
    %get3A_870 = arith.constant 0 : index
    %get3A_871 = arith.constant 2304 : index
    %get3A_872 = vector.load %arg0[%get3A_870, %get3A_871] : memref<16x3072xf32, #tpu.memory_space<vmem>>, vector<16x128xf32>
    %broadcast_in_dim3A_873 = vector.shape_cast %get3A_869 : vector<16x768xf32> to vector<16x768x1xf32>
    %broadcast_in_dim3A_874 = vector.shape_cast %get3A_872 : vector<16x128xf32> to vector<16x1x128xf32>
    %gt3A_875 = vector.broadcast %broadcast_in_dim3A_873 : vector<16x768x1xf32> to vector<16x768x128xf32>
    %gt3A_876 = vector.broadcast %broadcast_in_dim3A_874 : vector<16x1x128xf32> to vector<16x768x128xf32>
    %gt3A_877 = arith.cmpf ogt, %gt3A_875, %gt3A_876 : vector<16x768x128xf32>
    %convert_element_type3A_878 = arith.extui %gt3A_877 : vector<16x768x128xi1> to vector<16x768x128xi32>
    %iota3A_879 = tpu.iota {dimensions = array<i32: 1>} : vector<1x768x1xi32>
    %iota3A_880 = tpu.iota {dimensions = array<i32: 2>} : vector<1x1x128xi32>
    %add3A_881 = arith.constant 0 : i32
    %add3A_882 = vector.broadcast %add3A_881 : i32 to vector<1x1x128xi32>
    %add3A_883 = arith.addi %add3A_882, %iota3A_880 : vector<1x1x128xi32>
    %lt3A_884 = vector.broadcast %iota3A_879 : vector<1x768x1xi32> to vector<1x768x128xi32>
    %lt3A_885 = vector.broadcast %add3A_883 : vector<1x1x128xi32> to vector<1x768x128xi32>
    %lt3A_886 = arith.cmpi slt, %lt3A_884, %lt3A_885 : vector<1x768x128xi32>
    %broadcast_in_dim3A_887 = vector.shape_cast %get3A_869 : vector<16x768xf32> to vector<16x768x1xf32>
    %broadcast_in_dim3A_888 = vector.shape_cast %get3A_872 : vector<16x128xf32> to vector<16x1x128xf32>
    %eq3A_889 = vector.broadcast %broadcast_in_dim3A_887 : vector<16x768x1xf32> to vector<16x768x128xf32>
    %eq3A_890 = vector.broadcast %broadcast_in_dim3A_888 : vector<16x1x128xf32> to vector<16x768x128xf32>
    %eq3A_891 = arith.cmpf oeq, %eq3A_889, %eq3A_890 : vector<16x768x128xf32>
    %and3A_892 = vector.broadcast %lt3A_886 : vector<1x768x128xi1> to vector<16x768x128xi1>
    %and3A_893 = arith.andi %eq3A_891, %and3A_892 : vector<16x768x128xi1>
    %convert_element_type3A_894 = arith.extui %and3A_893 : vector<16x768x128xi1> to vector<16x768x128xi32>
    %add3A_895 = arith.addi %convert_element_type3A_878, %convert_element_type3A_894 : vector<16x768x128xi32>
    %reduce_sum3A_896 = arith.constant dense<0> : vector<16x128xi32>
    %reduce_sum3A_897 = vector.multi_reduction <add>, %add3A_895, %reduce_sum3A_896 [1] : vector<16x768x128xi32> to vector<16x128xi32>
    %iota3A_898 = tpu.iota {dimensions = array<i32: 2>} : vector<1x1x192xi32>
    %broadcast_in_dim3A_899 = vector.shape_cast %reduce_sum3A_897 : vector<16x128xi32> to vector<16x128x1xi32>
    %eq3A_900 = vector.broadcast %broadcast_in_dim3A_899 : vector<16x128x1xi32> to vector<16x128x192xi32>
    %eq3A_901 = vector.broadcast %iota3A_898 : vector<1x1x192xi32> to vector<16x128x192xi32>
    %eq3A_902 = arith.cmpi eq, %eq3A_900, %eq3A_901 : vector<16x128x192xi32>
    %convert_element_type3A_903 = arith.extui %eq3A_902 : vector<16x128x192xi1> to vector<16x128x192xi32>
    %iota3A_904 = tpu.iota {dimensions = array<i32: 1>} : vector<1x128x1xi32>
    %add3A_905 = arith.constant 0 : i32
    %add3A_906 = vector.broadcast %add3A_905 : i32 to vector<1x128x1xi32>
    %add3A_907 = arith.addi %add3A_906, %iota3A_904 : vector<1x128x1xi32>
    %mul3A_908 = vector.broadcast %add3A_907 : vector<1x128x1xi32> to vector<16x128x192xi32>
    %mul3A_909 = arith.muli %convert_element_type3A_903, %mul3A_908 : vector<16x128x192xi32>
    %reduce_sum3A_910 = arith.constant dense<0> : vector<16x192xi32>
    %reduce_sum3A_911 = vector.multi_reduction <add>, %mul3A_909, %reduce_sum3A_910 [1] : vector<16x128x192xi32> to vector<16x192xi32>
    %swap3A_912 = arith.constant 0 : index
    %swap3A_913 = arith.constant 576 : index
    %swap3A_914 = vector.load %arg1[%swap3A_912, %swap3A_913] : memref<16x768xi32, #tpu.memory_space<vmem>>, vector<16x192xi32>
    tpu.vector_store %arg1[%swap3A_912, %swap3A_913], %reduce_sum3A_911 {strides = array<i32>} : memref<16x768xi32, #tpu.memory_space<vmem>>, vector<16x192xi32>,
    %get3A_915 = arith.constant 0 : index
    %get3A_916 = arith.constant 2432 : index
    %get3A_917 = vector.load %arg0[%get3A_915, %get3A_916] : memref<16x3072xf32, #tpu.memory_space<vmem>>, vector<16x128xf32>
    %broadcast_in_dim3A_918 = vector.shape_cast %get3A_869 : vector<16x768xf32> to vector<16x768x1xf32>
    %broadcast_in_dim3A_919 = vector.shape_cast %get3A_917 : vector<16x128xf32> to vector<16x1x128xf32>
    %gt3A_920 = vector.broadcast %broadcast_in_dim3A_918 : vector<16x768x1xf32> to vector<16x768x128xf32>
    %gt3A_921 = vector.broadcast %broadcast_in_dim3A_919 : vector<16x1x128xf32> to vector<16x768x128xf32>
    %gt3A_922 = arith.cmpf ogt, %gt3A_920, %gt3A_921 : vector<16x768x128xf32>
    %convert_element_type3A_923 = arith.extui %gt3A_922 : vector<16x768x128xi1> to vector<16x768x128xi32>
    %iota3A_924 = tpu.iota {dimensions = array<i32: 1>} : vector<1x768x1xi32>
    %iota3A_925 = tpu.iota {dimensions = array<i32: 2>} : vector<1x1x128xi32>
    %add3A_926 = arith.constant 128 : i32
    %add3A_927 = vector.broadcast %add3A_926 : i32 to vector<1x1x128xi32>
    %add3A_928 = arith.addi %add3A_927, %iota3A_925 : vector<1x1x128xi32>
    %lt3A_929 = vector.broadcast %iota3A_924 : vector<1x768x1xi32> to vector<1x768x128xi32>
    %lt3A_930 = vector.broadcast %add3A_928 : vector<1x1x128xi32> to vector<1x768x128xi32>
    %lt3A_931 = arith.cmpi slt, %lt3A_929, %lt3A_930 : vector<1x768x128xi32>
    %broadcast_in_dim3A_932 = vector.shape_cast %get3A_869 : vector<16x768xf32> to vector<16x768x1xf32>
    %broadcast_in_dim3A_933 = vector.shape_cast %get3A_917 : vector<16x128xf32> to vector<16x1x128xf32>
    %eq3A_934 = vector.broadcast %broadcast_in_dim3A_932 : vector<16x768x1xf32> to vector<16x768x128xf32>
    %eq3A_935 = vector.broadcast %broadcast_in_dim3A_933 : vector<16x1x128xf32> to vector<16x768x128xf32>
    %eq3A_936 = arith.cmpf oeq, %eq3A_934, %eq3A_935 : vector<16x768x128xf32>
    %and3A_937 = vector.broadcast %lt3A_931 : vector<1x768x128xi1> to vector<16x768x128xi1>
    %and3A_938 = arith.andi %eq3A_936, %and3A_937 : vector<16x768x128xi1>
    %convert_element_type3A_939 = arith.extui %and3A_938 : vector<16x768x128xi1> to vector<16x768x128xi32>
    %add3A_940 = arith.addi %convert_element_type3A_923, %convert_element_type3A_939 : vector<16x768x128xi32>
    %reduce_sum3A_941 = arith.constant dense<0> : vector<16x128xi32>
    %reduce_sum3A_942 = vector.multi_reduction <add>, %add3A_940, %reduce_sum3A_941 [1] : vector<16x768x128xi32> to vector<16x128xi32>
    %iota3A_943 = tpu.iota {dimensions = array<i32: 2>} : vector<1x1x192xi32>
    %broadcast_in_dim3A_944 = vector.shape_cast %reduce_sum3A_942 : vector<16x128xi32> to vector<16x128x1xi32>
    %eq3A_945 = vector.broadcast %broadcast_in_dim3A_944 : vector<16x128x1xi32> to vector<16x128x192xi32>
    %eq3A_946 = vector.broadcast %iota3A_943 : vector<1x1x192xi32> to vector<16x128x192xi32>
    %eq3A_947 = arith.cmpi eq, %eq3A_945, %eq3A_946 : vector<16x128x192xi32>
    %convert_element_type3A_948 = arith.extui %eq3A_947 : vector<16x128x192xi1> to vector<16x128x192xi32>
    %iota3A_949 = tpu.iota {dimensions = array<i32: 1>} : vector<1x128x1xi32>
    %add3A_950 = arith.constant 128 : i32
    %add3A_951 = vector.broadcast %add3A_950 : i32 to vector<1x128x1xi32>
    %add3A_952 = arith.addi %add3A_951, %iota3A_949 : vector<1x128x1xi32>
    %mul3A_953 = vector.broadcast %add3A_952 : vector<1x128x1xi32> to vector<16x128x192xi32>
    %mul3A_954 = arith.muli %convert_element_type3A_948, %mul3A_953 : vector<16x128x192xi32>
    %reduce_sum3A_955 = arith.constant dense<0> : vector<16x192xi32>
    %reduce_sum3A_956 = vector.multi_reduction <add>, %mul3A_954, %reduce_sum3A_955 [1] : vector<16x128x192xi32> to vector<16x192xi32>
    %get3A_957 = arith.constant 0 : index
    %get3A_958 = arith.constant 576 : index
    %get3A_959 = vector.load %arg1[%get3A_957, %get3A_958] : memref<16x768xi32, #tpu.memory_space<vmem>>, vector<16x192xi32>
    %add3A_960 = arith.addi %get3A_959, %reduce_sum3A_956 : vector<16x192xi32>
    %swap3A_961 = arith.constant 0 : index
    %swap3A_962 = arith.constant 576 : index
    %swap3A_963 = vector.load %arg1[%swap3A_961, %swap3A_962] : memref<16x768xi32, #tpu.memory_space<vmem>>, vector<16x192xi32>
    tpu.vector_store %arg1[%swap3A_961, %swap3A_962], %add3A_960 {strides = array<i32>} : memref<16x768xi32, #tpu.memory_space<vmem>>, vector<16x192xi32>,
    %get3A_964 = arith.constant 0 : index
    %get3A_965 = arith.constant 2560 : index
    %get3A_966 = vector.load %arg0[%get3A_964, %get3A_965] : memref<16x3072xf32, #tpu.memory_space<vmem>>, vector<16x128xf32>
    %broadcast_in_dim3A_967 = vector.shape_cast %get3A_869 : vector<16x768xf32> to vector<16x768x1xf32>
    %broadcast_in_dim3A_968 = vector.shape_cast %get3A_966 : vector<16x128xf32> to vector<16x1x128xf32>
    %gt3A_969 = vector.broadcast %broadcast_in_dim3A_967 : vector<16x768x1xf32> to vector<16x768x128xf32>
    %gt3A_970 = vector.broadcast %broadcast_in_dim3A_968 : vector<16x1x128xf32> to vector<16x768x128xf32>
    %gt3A_971 = arith.cmpf ogt, %gt3A_969, %gt3A_970 : vector<16x768x128xf32>
    %convert_element_type3A_972 = arith.extui %gt3A_971 : vector<16x768x128xi1> to vector<16x768x128xi32>
    %iota3A_973 = tpu.iota {dimensions = array<i32: 1>} : vector<1x768x1xi32>
    %iota3A_974 = tpu.iota {dimensions = array<i32: 2>} : vector<1x1x128xi32>
    %add3A_975 = arith.constant 256 : i32
    %add3A_976 = vector.broadcast %add3A_975 : i32 to vector<1x1x128xi32>
    %add3A_977 = arith.addi %add3A_976, %iota3A_974 : vector<1x1x128xi32>
    %lt3A_978 = vector.broadcast %iota3A_973 : vector<1x768x1xi32> to vector<1x768x128xi32>
    %lt3A_979 = vector.broadcast %add3A_977 : vector<1x1x128xi32> to vector<1x768x128xi32>
    %lt3A_980 = arith.cmpi slt, %lt3A_978, %lt3A_979 : vector<1x768x128xi32>
    %broadcast_in_dim3A_981 = vector.shape_cast %get3A_869 : vector<16x768xf32> to vector<16x768x1xf32>
    %broadcast_in_dim3A_982 = vector.shape_cast %get3A_966 : vector<16x128xf32> to vector<16x1x128xf32>
    %eq3A_983 = vector.broadcast %broadcast_in_dim3A_981 : vector<16x768x1xf32> to vector<16x768x128xf32>
    %eq3A_984 = vector.broadcast %broadcast_in_dim3A_982 : vector<16x1x128xf32> to vector<16x768x128xf32>
    %eq3A_985 = arith.cmpf oeq, %eq3A_983, %eq3A_984 : vector<16x768x128xf32>
    %and3A_986 = vector.broadcast %lt3A_980 : vector<1x768x128xi1> to vector<16x768x128xi1>
    %and3A_987 = arith.andi %eq3A_985, %and3A_986 : vector<16x768x128xi1>
    %convert_element_type3A_988 = arith.extui %and3A_987 : vector<16x768x128xi1> to vector<16x768x128xi32>
    %add3A_989 = arith.addi %convert_element_type3A_972, %convert_element_type3A_988 : vector<16x768x128xi32>
    %reduce_sum3A_990 = arith.constant dense<0> : vector<16x128xi32>
    %reduce_sum3A_991 = vector.multi_reduction <add>, %add3A_989, %reduce_sum3A_990 [1] : vector<16x768x128xi32> to vector<16x128xi32>
    %iota3A_992 = tpu.iota {dimensions = array<i32: 2>} : vector<1x1x192xi32>
    %broadcast_in_dim3A_993 = vector.shape_cast %reduce_sum3A_991 : vector<16x128xi32> to vector<16x128x1xi32>
    %eq3A_994 = vector.broadcast %broadcast_in_dim3A_993 : vector<16x128x1xi32> to vector<16x128x192xi32>
    %eq3A_995 = vector.broadcast %iota3A_992 : vector<1x1x192xi32> to vector<16x128x192xi32>
    %eq3A_996 = arith.cmpi eq, %eq3A_994, %eq3A_995 : vector<16x128x192xi32>
    %convert_element_type3A_997 = arith.extui %eq3A_996 : vector<16x128x192xi1> to vector<16x128x192xi32>
    %iota3A_998 = tpu.iota {dimensions = array<i32: 1>} : vector<1x128x1xi32>
    %add3A_999 = arith.constant 256 : i32
    %add3A_1000 = vector.broadcast %add3A_999 : i32 to vector<1x128x1xi32>
    %add3A_1001 = arith.addi %add3A_1000, %iota3A_998 : vector<1x128x1xi32>
    %mul3A_1002 = vector.broadcast %add3A_1001 : vector<1x128x1xi32> to vector<16x128x192xi32>
    %mul3A_1003 = arith.muli %convert_element_type3A_997, %mul3A_1002 : vector<16x128x192xi32>
    %reduce_sum3A_1004 = arith.constant dense<0> : vector<16x192xi32>
    %reduce_sum3A_1005 = vector.multi_reduction <add>, %mul3A_1003, %reduce_sum3A_1004 [1] : vector<16x128x192xi32> to vector<16x192xi32>
    %get3A_1006 = arith.constant 0 : index
    %get3A_1007 = arith.constant 576 : index
    %get3A_1008 = vector.load %arg1[%get3A_1006, %get3A_1007] : memref<16x768xi32, #tpu.memory_space<vmem>>, vector<16x192xi32>
    %add3A_1009 = arith.addi %get3A_1008, %reduce_sum3A_1005 : vector<16x192xi32>
    %swap3A_1010 = arith.constant 0 : index
    %swap3A_1011 = arith.constant 576 : index
    %swap3A_1012 = vector.load %arg1[%swap3A_1010, %swap3A_1011] : memref<16x768xi32, #tpu.memory_space<vmem>>, vector<16x192xi32>
    tpu.vector_store %arg1[%swap3A_1010, %swap3A_1011], %add3A_1009 {strides = array<i32>} : memref<16x768xi32, #tpu.memory_space<vmem>>, vector<16x192xi32>,
    %get3A_1013 = arith.constant 0 : index
    %get3A_1014 = arith.constant 2688 : index
    %get3A_1015 = vector.load %arg0[%get3A_1013, %get3A_1014] : memref<16x3072xf32, #tpu.memory_space<vmem>>, vector<16x128xf32>
    %broadcast_in_dim3A_1016 = vector.shape_cast %get3A_869 : vector<16x768xf32> to vector<16x768x1xf32>
    %broadcast_in_dim3A_1017 = vector.shape_cast %get3A_1015 : vector<16x128xf32> to vector<16x1x128xf32>
    %gt3A_1018 = vector.broadcast %broadcast_in_dim3A_1016 : vector<16x768x1xf32> to vector<16x768x128xf32>
    %gt3A_1019 = vector.broadcast %broadcast_in_dim3A_1017 : vector<16x1x128xf32> to vector<16x768x128xf32>
    %gt3A_1020 = arith.cmpf ogt, %gt3A_1018, %gt3A_1019 : vector<16x768x128xf32>
    %convert_element_type3A_1021 = arith.extui %gt3A_1020 : vector<16x768x128xi1> to vector<16x768x128xi32>
    %iota3A_1022 = tpu.iota {dimensions = array<i32: 1>} : vector<1x768x1xi32>
    %iota3A_1023 = tpu.iota {dimensions = array<i32: 2>} : vector<1x1x128xi32>
    %add3A_1024 = arith.constant 384 : i32
    %add3A_1025 = vector.broadcast %add3A_1024 : i32 to vector<1x1x128xi32>
    %add3A_1026 = arith.addi %add3A_1025, %iota3A_1023 : vector<1x1x128xi32>
    %lt3A_1027 = vector.broadcast %iota3A_1022 : vector<1x768x1xi32> to vector<1x768x128xi32>
    %lt3A_1028 = vector.broadcast %add3A_1026 : vector<1x1x128xi32> to vector<1x768x128xi32>
    %lt3A_1029 = arith.cmpi slt, %lt3A_1027, %lt3A_1028 : vector<1x768x128xi32>
    %broadcast_in_dim3A_1030 = vector.shape_cast %get3A_869 : vector<16x768xf32> to vector<16x768x1xf32>
    %broadcast_in_dim3A_1031 = vector.shape_cast %get3A_1015 : vector<16x128xf32> to vector<16x1x128xf32>
    %eq3A_1032 = vector.broadcast %broadcast_in_dim3A_1030 : vector<16x768x1xf32> to vector<16x768x128xf32>
    %eq3A_1033 = vector.broadcast %broadcast_in_dim3A_1031 : vector<16x1x128xf32> to vector<16x768x128xf32>
    %eq3A_1034 = arith.cmpf oeq, %eq3A_1032, %eq3A_1033 : vector<16x768x128xf32>
    %and3A_1035 = vector.broadcast %lt3A_1029 : vector<1x768x128xi1> to vector<16x768x128xi1>
    %and3A_1036 = arith.andi %eq3A_1034, %and3A_1035 : vector<16x768x128xi1>
    %convert_element_type3A_1037 = arith.extui %and3A_1036 : vector<16x768x128xi1> to vector<16x768x128xi32>
    %add3A_1038 = arith.addi %convert_element_type3A_1021, %convert_element_type3A_1037 : vector<16x768x128xi32>
    %reduce_sum3A_1039 = arith.constant dense<0> : vector<16x128xi32>
    %reduce_sum3A_1040 = vector.multi_reduction <add>, %add3A_1038, %reduce_sum3A_1039 [1] : vector<16x768x128xi32> to vector<16x128xi32>
    %iota3A_1041 = tpu.iota {dimensions = array<i32: 2>} : vector<1x1x192xi32>
    %broadcast_in_dim3A_1042 = vector.shape_cast %reduce_sum3A_1040 : vector<16x128xi32> to vector<16x128x1xi32>
    %eq3A_1043 = vector.broadcast %broadcast_in_dim3A_1042 : vector<16x128x1xi32> to vector<16x128x192xi32>
    %eq3A_1044 = vector.broadcast %iota3A_1041 : vector<1x1x192xi32> to vector<16x128x192xi32>
    %eq3A_1045 = arith.cmpi eq, %eq3A_1043, %eq3A_1044 : vector<16x128x192xi32>
    %convert_element_type3A_1046 = arith.extui %eq3A_1045 : vector<16x128x192xi1> to vector<16x128x192xi32>
    %iota3A_1047 = tpu.iota {dimensions = array<i32: 1>} : vector<1x128x1xi32>
    %add3A_1048 = arith.constant 384 : i32
    %add3A_1049 = vector.broadcast %add3A_1048 : i32 to vector<1x128x1xi32>
    %add3A_1050 = arith.addi %add3A_1049, %iota3A_1047 : vector<1x128x1xi32>
    %mul3A_1051 = vector.broadcast %add3A_1050 : vector<1x128x1xi32> to vector<16x128x192xi32>
    %mul3A_1052 = arith.muli %convert_element_type3A_1046, %mul3A_1051 : vector<16x128x192xi32>
    %reduce_sum3A_1053 = arith.constant dense<0> : vector<16x192xi32>
    %reduce_sum3A_1054 = vector.multi_reduction <add>, %mul3A_1052, %reduce_sum3A_1053 [1] : vector<16x128x192xi32> to vector<16x192xi32>
    %get3A_1055 = arith.constant 0 : index
    %get3A_1056 = arith.constant 576 : index
    %get3A_1057 = vector.load %arg1[%get3A_1055, %get3A_1056] : memref<16x768xi32, #tpu.memory_space<vmem>>, vector<16x192xi32>
    %add3A_1058 = arith.addi %get3A_1057, %reduce_sum3A_1054 : vector<16x192xi32>
    %swap3A_1059 = arith.constant 0 : index
    %swap3A_1060 = arith.constant 576 : index
    %swap3A_1061 = vector.load %arg1[%swap3A_1059, %swap3A_1060] : memref<16x768xi32, #tpu.memory_space<vmem>>, vector<16x192xi32>
    tpu.vector_store %arg1[%swap3A_1059, %swap3A_1060], %add3A_1058 {strides = array<i32>} : memref<16x768xi32, #tpu.memory_space<vmem>>, vector<16x192xi32>,
    %get3A_1062 = arith.constant 0 : index
    %get3A_1063 = arith.constant 2816 : index
    %get3A_1064 = vector.load %arg0[%get3A_1062, %get3A_1063] : memref<16x3072xf32, #tpu.memory_space<vmem>>, vector<16x128xf32>
    %broadcast_in_dim3A_1065 = vector.shape_cast %get3A_869 : vector<16x768xf32> to vector<16x768x1xf32>
    %broadcast_in_dim3A_1066 = vector.shape_cast %get3A_1064 : vector<16x128xf32> to vector<16x1x128xf32>
    %gt3A_1067 = vector.broadcast %broadcast_in_dim3A_1065 : vector<16x768x1xf32> to vector<16x768x128xf32>
    %gt3A_1068 = vector.broadcast %broadcast_in_dim3A_1066 : vector<16x1x128xf32> to vector<16x768x128xf32>
    %gt3A_1069 = arith.cmpf ogt, %gt3A_1067, %gt3A_1068 : vector<16x768x128xf32>
    %convert_element_type3A_1070 = arith.extui %gt3A_1069 : vector<16x768x128xi1> to vector<16x768x128xi32>
    %iota3A_1071 = tpu.iota {dimensions = array<i32: 1>} : vector<1x768x1xi32>
    %iota3A_1072 = tpu.iota {dimensions = array<i32: 2>} : vector<1x1x128xi32>
    %add3A_1073 = arith.constant 512 : i32
    %add3A_1074 = vector.broadcast %add3A_1073 : i32 to vector<1x1x128xi32>
    %add3A_1075 = arith.addi %add3A_1074, %iota3A_1072 : vector<1x1x128xi32>
    %lt3A_1076 = vector.broadcast %iota3A_1071 : vector<1x768x1xi32> to vector<1x768x128xi32>
    %lt3A_1077 = vector.broadcast %add3A_1075 : vector<1x1x128xi32> to vector<1x768x128xi32>
    %lt3A_1078 = arith.cmpi slt, %lt3A_1076, %lt3A_1077 : vector<1x768x128xi32>
    %broadcast_in_dim3A_1079 = vector.shape_cast %get3A_869 : vector<16x768xf32> to vector<16x768x1xf32>
    %broadcast_in_dim3A_1080 = vector.shape_cast %get3A_1064 : vector<16x128xf32> to vector<16x1x128xf32>
    %eq3A_1081 = vector.broadcast %broadcast_in_dim3A_1079 : vector<16x768x1xf32> to vector<16x768x128xf32>
    %eq3A_1082 = vector.broadcast %broadcast_in_dim3A_1080 : vector<16x1x128xf32> to vector<16x768x128xf32>
    %eq3A_1083 = arith.cmpf oeq, %eq3A_1081, %eq3A_1082 : vector<16x768x128xf32>
    %and3A_1084 = vector.broadcast %lt3A_1078 : vector<1x768x128xi1> to vector<16x768x128xi1>
    %and3A_1085 = arith.andi %eq3A_1083, %and3A_1084 : vector<16x768x128xi1>
    %convert_element_type3A_1086 = arith.extui %and3A_1085 : vector<16x768x128xi1> to vector<16x768x128xi32>
    %add3A_1087 = arith.addi %convert_element_type3A_1070, %convert_element_type3A_1086 : vector<16x768x128xi32>
    %reduce_sum3A_1088 = arith.constant dense<0> : vector<16x128xi32>
    %reduce_sum3A_1089 = vector.multi_reduction <add>, %add3A_1087, %reduce_sum3A_1088 [1] : vector<16x768x128xi32> to vector<16x128xi32>
    %iota3A_1090 = tpu.iota {dimensions = array<i32: 2>} : vector<1x1x192xi32>
    %broadcast_in_dim3A_1091 = vector.shape_cast %reduce_sum3A_1089 : vector<16x128xi32> to vector<16x128x1xi32>
    %eq3A_1092 = vector.broadcast %broadcast_in_dim3A_1091 : vector<16x128x1xi32> to vector<16x128x192xi32>
    %eq3A_1093 = vector.broadcast %iota3A_1090 : vector<1x1x192xi32> to vector<16x128x192xi32>
    %eq3A_1094 = arith.cmpi eq, %eq3A_1092, %eq3A_1093 : vector<16x128x192xi32>
    %convert_element_type3A_1095 = arith.extui %eq3A_1094 : vector<16x128x192xi1> to vector<16x128x192xi32>
    %iota3A_1096 = tpu.iota {dimensions = array<i32: 1>} : vector<1x128x1xi32>
    %add3A_1097 = arith.constant 512 : i32
    %add3A_1098 = vector.broadcast %add3A_1097 : i32 to vector<1x128x1xi32>
    %add3A_1099 = arith.addi %add3A_1098, %iota3A_1096 : vector<1x128x1xi32>
    %mul3A_1100 = vector.broadcast %add3A_1099 : vector<1x128x1xi32> to vector<16x128x192xi32>
    %mul3A_1101 = arith.muli %convert_element_type3A_1095, %mul3A_1100 : vector<16x128x192xi32>
    %reduce_sum3A_1102 = arith.constant dense<0> : vector<16x192xi32>
    %reduce_sum3A_1103 = vector.multi_reduction <add>, %mul3A_1101, %reduce_sum3A_1102 [1] : vector<16x128x192xi32> to vector<16x192xi32>
    %get3A_1104 = arith.constant 0 : index
    %get3A_1105 = arith.constant 576 : index
    %get3A_1106 = vector.load %arg1[%get3A_1104, %get3A_1105] : memref<16x768xi32, #tpu.memory_space<vmem>>, vector<16x192xi32>
    %add3A_1107 = arith.addi %get3A_1106, %reduce_sum3A_1103 : vector<16x192xi32>
    %swap3A_1108 = arith.constant 0 : index
    %swap3A_1109 = arith.constant 576 : index
    %swap3A_1110 = vector.load %arg1[%swap3A_1108, %swap3A_1109] : memref<16x768xi32, #tpu.memory_space<vmem>>, vector<16x192xi32>
    tpu.vector_store %arg1[%swap3A_1108, %swap3A_1109], %add3A_1107 {strides = array<i32>} : memref<16x768xi32, #tpu.memory_space<vmem>>, vector<16x192xi32>,
    %get3A_1111 = arith.constant 0 : index
    %get3A_1112 = arith.constant 2944 : index
    %get3A_1113 = vector.load %arg0[%get3A_1111, %get3A_1112] : memref<16x3072xf32, #tpu.memory_space<vmem>>, vector<16x128xf32>
    %broadcast_in_dim3A_1114 = vector.shape_cast %get3A_869 : vector<16x768xf32> to vector<16x768x1xf32>
    %broadcast_in_dim3A_1115 = vector.shape_cast %get3A_1113 : vector<16x128xf32> to vector<16x1x128xf32>
    %gt3A_1116 = vector.broadcast %broadcast_in_dim3A_1114 : vector<16x768x1xf32> to vector<16x768x128xf32>
    %gt3A_1117 = vector.broadcast %broadcast_in_dim3A_1115 : vector<16x1x128xf32> to vector<16x768x128xf32>
    %gt3A_1118 = arith.cmpf ogt, %gt3A_1116, %gt3A_1117 : vector<16x768x128xf32>
    %convert_element_type3A_1119 = arith.extui %gt3A_1118 : vector<16x768x128xi1> to vector<16x768x128xi32>
    %iota3A_1120 = tpu.iota {dimensions = array<i32: 1>} : vector<1x768x1xi32>
    %iota3A_1121 = tpu.iota {dimensions = array<i32: 2>} : vector<1x1x128xi32>
    %add3A_1122 = arith.constant 640 : i32
    %add3A_1123 = vector.broadcast %add3A_1122 : i32 to vector<1x1x128xi32>
    %add3A_1124 = arith.addi %add3A_1123, %iota3A_1121 : vector<1x1x128xi32>
    %lt3A_1125 = vector.broadcast %iota3A_1120 : vector<1x768x1xi32> to vector<1x768x128xi32>
    %lt3A_1126 = vector.broadcast %add3A_1124 : vector<1x1x128xi32> to vector<1x768x128xi32>
    %lt3A_1127 = arith.cmpi slt, %lt3A_1125, %lt3A_1126 : vector<1x768x128xi32>
    %broadcast_in_dim3A_1128 = vector.shape_cast %get3A_869 : vector<16x768xf32> to vector<16x768x1xf32>
    %broadcast_in_dim3A_1129 = vector.shape_cast %get3A_1113 : vector<16x128xf32> to vector<16x1x128xf32>
    %eq3A_1130 = vector.broadcast %broadcast_in_dim3A_1128 : vector<16x768x1xf32> to vector<16x768x128xf32>
    %eq3A_1131 = vector.broadcast %broadcast_in_dim3A_1129 : vector<16x1x128xf32> to vector<16x768x128xf32>
    %eq3A_1132 = arith.cmpf oeq, %eq3A_1130, %eq3A_1131 : vector<16x768x128xf32>
    %and3A_1133 = vector.broadcast %lt3A_1127 : vector<1x768x128xi1> to vector<16x768x128xi1>
    %and3A_1134 = arith.andi %eq3A_1132, %and3A_1133 : vector<16x768x128xi1>
    %convert_element_type3A_1135 = arith.extui %and3A_1134 : vector<16x768x128xi1> to vector<16x768x128xi32>
    %add3A_1136 = arith.addi %convert_element_type3A_1119, %convert_element_type3A_1135 : vector<16x768x128xi32>
    %reduce_sum3A_1137 = arith.constant dense<0> : vector<16x128xi32>
    %reduce_sum3A_1138 = vector.multi_reduction <add>, %add3A_1136, %reduce_sum3A_1137 [1] : vector<16x768x128xi32> to vector<16x128xi32>
    %iota3A_1139 = tpu.iota {dimensions = array<i32: 2>} : vector<1x1x192xi32>
    %broadcast_in_dim3A_1140 = vector.shape_cast %reduce_sum3A_1138 : vector<16x128xi32> to vector<16x128x1xi32>
    %eq3A_1141 = vector.broadcast %broadcast_in_dim3A_1140 : vector<16x128x1xi32> to vector<16x128x192xi32>
    %eq3A_1142 = vector.broadcast %iota3A_1139 : vector<1x1x192xi32> to vector<16x128x192xi32>
    %eq3A_1143 = arith.cmpi eq, %eq3A_1141, %eq3A_1142 : vector<16x128x192xi32>
    %convert_element_type3A_1144 = arith.extui %eq3A_1143 : vector<16x128x192xi1> to vector<16x128x192xi32>
    %iota3A_1145 = tpu.iota {dimensions = array<i32: 1>} : vector<1x128x1xi32>
    %add3A_1146 = arith.constant 640 : i32
    %add3A_1147 = vector.broadcast %add3A_1146 : i32 to vector<1x128x1xi32>
    %add3A_1148 = arith.addi %add3A_1147, %iota3A_1145 : vector<1x128x1xi32>
    %mul3A_1149 = vector.broadcast %add3A_1148 : vector<1x128x1xi32> to vector<16x128x192xi32>
    %mul3A_1150 = arith.muli %convert_element_type3A_1144, %mul3A_1149 : vector<16x128x192xi32>
    %reduce_sum3A_1151 = arith.constant dense<0> : vector<16x192xi32>
    %reduce_sum3A_1152 = vector.multi_reduction <add>, %mul3A_1150, %reduce_sum3A_1151 [1] : vector<16x128x192xi32> to vector<16x192xi32>
    %get3A_1153 = arith.constant 0 : index
    %get3A_1154 = arith.constant 576 : index
    %get3A_1155 = vector.load %arg1[%get3A_1153, %get3A_1154] : memref<16x768xi32, #tpu.memory_space<vmem>>, vector<16x192xi32>
    %add3A_1156 = arith.addi %get3A_1155, %reduce_sum3A_1152 : vector<16x192xi32>
    %swap3A_1157 = arith.constant 0 : index
    %swap3A_1158 = arith.constant 576 : index
    %swap3A_1159 = vector.load %arg1[%swap3A_1157, %swap3A_1158] : memref<16x768xi32, #tpu.memory_space<vmem>>, vector<16x192xi32>
    tpu.vector_store %arg1[%swap3A_1157, %swap3A_1158], %add3A_1156 {strides = array<i32>} : memref<16x768xi32, #tpu.memory_space<vmem>>, vector<16x192xi32>,
    %iota3A_1160 = tpu.iota {dimensions = array<i32: 0>} : vector<16x768xi32>
    %get3A_1161 = arith.constant 0 : index
    %get3A_1162 = arith.constant 0 : index
    %get3A_1163 = vector.load %arg1[%get3A_1161, %get3A_1162] : memref<16x768xi32, #tpu.memory_space<vmem>>, vector<16x768xi32>
    %mul3A_1164 = arith.constant 768 : i32
    %mul3A_1165 = vector.broadcast %mul3A_1164 : i32 to vector<16x768xi32>
    %mul3A_1166 = arith.muli %iota3A_1160, %mul3A_1165 : vector<16x768xi32>
    %add3A_1167 = arith.addi %get3A_1163, %mul3A_1166 : vector<16x768xi32>
    %swap3A_1168 = arith.constant 0 : index
    %swap3A_1169 = arith.constant 0 : index
    %swap3A_1170 = vector.load %arg1[%swap3A_1168, %swap3A_1169] : memref<16x768xi32, #tpu.memory_space<vmem>>, vector<16x768xi32>
    tpu.vector_store %arg1[%swap3A_1168, %swap3A_1169], %add3A_1167 {strides = array<i32>} : memref<16x768xi32, #tpu.memory_space<vmem>>, vector<16x768xi32>,
    return
  }
}

</mosaic_0001>

<sc_bundles>
// kernel: kernel.5.cloned.1.call-start
scs
__scs_entry_jumppad:
0x0: {  	(pc) =	sbr.rel $0x88, $3  }
0x1: {  	(tag) =	ssettag $0x0;
	lr =	simm.s32 $0x1  }
0x2: {  	[smem:$0x3F9C] =	sst lr;
	_ =	strace $0xD0000000  }
0x3: {  	_ = 	snop  }
0x4: {  	_ = 	snop  }
0x5: {  	_ = 	snop  }
0x6: {  	_ = 	snop  }
0x7: {  	_ = 	snop  }
__scs_overlays_trampoline_lowered:
0x8: {  	[smem:$0x3FAB] =	sst s0  }
0x9: {  	[smem:$0x3FAC] =	sst s1  }
0xa: {  	[smem:$0x3FAD] =	sst s2  }
0xb: {  	[smem:$0x3FAE] =	sst s3  }
0xc: {  	[smem:$0x3FAF] =	sst s4  }
0xd: {  	[smem:$0x3FB0] =	sst s5  }
0xe: {  	[smem:$0x3FB1] =	sst s6  }
0xf: {  	[smem:$0x3FB2] =	sst s7  }
0x10: {  	[smem:$0x3FB3] =	sst s8  }
0x11: {  	[smem:$0x3FB4] =	sst s9;
	s0 =	simm.s32 @!p0 $0x0  }
0x12: {  	s1 =	sld [smem:$0x3F9A];
	s0 =	simm.s32 @p0 $0x1  }
0x13: {  	[smem:$0x3FB5] =	sst s0;
	s0 =	simm.s32 @!p1 $0x0  }
0x14: {  	s2 =	sld [smem:$0x3F99];
	s0 =	simm.s32 @p1 $0x1  }
0x15: {  	[smem:$0x3FB6] =	sst s0;
	s0 =	simm.s32 @!p2 $0x0  }
0x16: {  	s3 =	sld [smem:$0x3FDB];
	s0 =	simm.s32 @p2 $0x1  }
0x17: {  	s4 =	simm.s32 $0x1BF5;
	[smem:$0x3FB8] =	sst s0  }
0x18: {  	s0 =	sld [smem:$0x3F9B];
	_ =	swait.ge [sflag:s4], $0x0  }
0x19: {  	s7 =	sld [smem:$0x3F9C]  }
0x1a: {  	s8 =	sadd.s32 $0xFFFFE003, lr  }
0x1b: {  	s9 =	sadd.s32 $0xFFFFFEF7, lr;
	s5 =	simm.s32 $0xFFFFFFFF;
	p2 =	slt.u32 s8, $0xFFFFF086  }
0x1c: {  	p1 =	slt.u32 s9, $0xF7A;
	s5 =	simm.s32 @!p2 $0x0  }
0x1d: {  	s5 =	simm.s32 @p1 $0x1;
	p0 =	seq.s32 s7, s2  }
0x1e: {  	s7 =	smul.u32 @!p0 $0xF7A, s2;
	p2 =	seq.s32 @!p0 s5, $0x0  }
0x1f: {  	s9 =	smul.u32 $0xF7A, s1;
	s8 =	simm.s32 @!p0 $0x1BF5;
	p2 =	por !p2, p0  }
0x20: {  	[sflag:s8] =	ssyncset.s32 @!p0 $0xFFFFF086;
	s6 =	sadd.s32 @!p0 s3, s7;
	s7 =	simm.s32 @!p0 $0x108  }
0x21: {  	s3 =	sadd.s32 s3, s9;
	s6 =	sadd.s32 @!p0 $0x88, s6;
	s7 =	simm.s32 @p2 $0x1082  }
0x22: {  	[simem:s7], [sflag:s8] =	dma.local @!p0 [hbm:s6], $0xF7A  }
0x23: {  	s9 =	sor.u32 $0xD0000000, s2;
	s6 =	simm.s32 $0x108;
	_ =	swait.ge @!p0 [sflag:s8], $0x0  }
0x24: {  	s3 =	sadd.s32 $0x88, s3;
	s6 =	simm.s32 @!p1 $0x1082;
	[sflag:s4] =	ssyncset.s32 $0xFFFFF086  }
0x25: {  	[simem:s6], [sflag:s4] =	dma.local [hbm:s3], $0xF7A  }
0x26: {  	[smem:$0x3F9C] =	sst s1;
	(tag) =	ssettag s2;
	_ =	strace s9  }
0x27: {  	s1 =	sld [smem:$0x3FAC]  }
0x28: {  	s2 =	sld [smem:$0x3FAD]  }
0x29: {  	s4 =	sld [smem:$0x3FAF]  }
0x2a: {  	p0 =	seq.s32 s5, $0x0;
	s5 =	sld [smem:$0x3FB0]  }
0x2b: {  	s6 =	sld [smem:$0x3FB1]  }
0x2c: {  	s7 =	sld [smem:$0x3FB2]  }
0x2d: {  	s3 =	simm.s32 $0x108;
	s8 =	sld [smem:$0x3FB3]  }
0x2e: {  	s3 =	simm.s32 @!p0 $0x1082;
	s9 =	sld [smem:$0x3FB4]  }
0x2f: {  	lr =	sadd.s32 s0, s3;
	s0 =	sld [smem:$0x3FAB]  }
0x30: {  	s3 =	sld [smem:$0x3FAE]  }
0x31: {  	[smem:$0x3FB7] =	sst s10  }
0x32: {  	s10 =	sld [smem:$0x3FB5];
	_ =	sdelay $0x3  }
0x33: {  	p0 =	seq.s32 s10, $0x1;
	s10 =	sld [smem:$0x3FB7];
	_ =	sdelay $0x3  }
0x34: {  	[smem:$0x3FB7] =	sst s10  }
0x35: {  	s10 =	sld [smem:$0x3FB6];
	_ =	sdelay $0x3  }
0x36: {  	p1 =	seq.s32 s10, $0x1;
	s10 =	sld [smem:$0x3FB7];
	_ =	sdelay $0x3  }
0x37: {  	[smem:$0x3FB7] =	sst s10  }
0x38: {  	s10 =	sld [smem:$0x3FB8]  }
0x39: {  	_ = 	snop;
	(pc) =	sbr.ind lr, $3  }
0x3a: {  	_ = 	snop  }
0x3b: {  	_ = 	snop  }
0x3c: {  	p2 =	seq.s32 s10, $0x1;
	s10 =	sld [smem:$0x3FB7]  }
0x3d: {  	_ =	shalt  }
0x3e: {  	_ =	shalt  }
0x3f: {  	_ =	shalt  }
0x40: {  	_ =	shalt  }
0x41: {  	_ =	shalt  }
0x42: {  	_ =	shalt  }
0x43: {  	_ =	shalt  }
0x44: {  	_ =	shalt  }
0x45: {  	_ =	shalt  }
0x46: {  	_ =	shalt  }
0x47: {  	_ =	shalt  }
0x48: {  	_ =	shalt  }
0x49: {  	_ =	shalt  }
0x4a: {  	_ =	shalt  }
0x4b: {  	_ =	shalt  }
0x4c: {  	_ =	shalt  }
0x4d: {  	_ =	shalt  }
0x4e: {  	_ =	shalt  }
0x4f: {  	_ =	shalt  }
0x50: {  	_ =	shalt  }
0x51: {  	_ =	shalt  }
0x52: {  	_ =	shalt  }
0x53: {  	_ =	shalt  }
0x54: {  	_ =	shalt  }
0x55: {  	_ =	shalt  }
0x56: {  	_ =	shalt  }
0x57: {  	_ =	shalt  }
0x58: {  	_ =	shalt  }
0x59: {  	_ =	shalt  }
0x5a: {  	_ =	shalt  }
0x5b: {  	_ =	shalt  }
0x5c: {  	_ =	shalt  }
0x5d: {  	_ =	shalt  }
0x5e: {  	_ =	shalt  }
0x5f: {  	_ =	shalt  }
0x60: {  	_ =	shalt  }
0x61: {  	_ =	shalt  }
0x62: {  	_ =	shalt  }
0x63: {  	_ =	shalt  }
0x64: {  	_ =	shalt  }
0x65: {  	_ =	shalt  }
0x66: {  	_ =	shalt  }
0x67: {  	_ =	shalt  }
0x68: {  	_ =	shalt  }
0x69: {  	_ =	shalt  }
0x6a: {  	_ =	shalt  }
0x6b: {  	_ =	shalt  }
0x6c: {  	_ =	shalt  }
0x6d: {  	_ =	shalt  }
0x6e: {  	_ =	shalt  }
0x6f: {  	_ =	shalt  }
0x70: {  	_ =	shalt  }
0x71: {  	_ =	shalt  }
0x72: {  	_ =	shalt  }
0x73: {  	_ =	shalt  }
0x74: {  	_ =	shalt  }
0x75: {  	_ =	shalt  }
0x76: {  	_ =	shalt  }
0x77: {  	_ =	shalt  }
0x78: {  	_ =	shalt  }
0x79: {  	_ =	shalt  }
0x7a: {  	_ =	shalt  }
0x7b: {  	_ =	shalt  }
0x7c: {  	_ =	shalt  }
0x7d: {  	_ =	shalt  }
0x7e: {  	_ =	shalt  }
0x7f: {  	_ =	shalt  }
0x80: {  	_ =	shalt  }
0x81: {  	_ =	shalt  }
0x82: {  	_ =	shalt  }
0x83: {  	_ =	shalt  }
0x84: {  	_ =	shalt  }
0x85: {  	_ =	shalt  }
0x86: {  	_ =	shalt  }
0x87: {  	_ =	shalt  }
.Lfunc_end0:
.L_simem_size_0:
called_computation.1_lowered:
.L_overlay_start_0:
0x88: {  	s2 =	sld [smem:$0x3FD9]  }
0x89: {  	s3 =	sld [smem:$0x3FFE];
	_ =	sdelay $0x1  }
0x8a: {  	s1 =	srdreg.scid  }
0x8b: {  	s0 =	sand.u32 $0x1, s1  }
0x8c: {  	s17 =	sshll.u32 s0, $0xA;
	s2 =	sadd.s32 s3, s2  }
0x8d: {  	s2 =	sadd.s32 s2, s17  }
0x8e: {  	[smem:$0x3FC3] =	sst s2  }
0x8f: {  	_ = 	snop  }
0x90: {  	s2 =	sld [smem:$0x3FD0];
	(tm) =	ssettm $0x1  }
0x91: {  	s18 =	sld [smem:$0x3FFB];
	_ =	sdelay $0x3  }
0x92: {  	_ =	strace s18  }
0x93: {  	s3 =	sld [smem:$0x3FFC];
	_ =	sdelay $0x3  }
0x94: {  	_ =	strace s3  }
0x95: {  	s3 =	sld [smem:$0x3FFD];
	_ =	sdelay $0x3  }
0x96: {  	_ =	strace s3  }
0x97: {  	_ =	strace $0x8FFFFFFF  }
0x98: {  	s19 =	sld [smem:$0x3FDB];
	_ =	sdelay $0x1  }
0x99: {  	s4 =	simm.s32 $_scs_section_size  }
0x9a: {  	s5 =	simm.s32 $_size__tile_overlayer_lowered;
	s6 =	simm.s32 $_tile_overlayer_lowered  }
0x9b: {  	s22 =	simm.s32 $0x1BFF;
	s21 =	sshll.u32 s6, $0x1;
	s3 =	sadd.s32 s4, s19  }
0x9c: {  	s7 =	simm.s32 $0x0;
	s20 =	sshll.u32 s5, $0x1;
	s5 =	sadd.s32 s21, s3  }
0x9d: {  	[timem:s7], [sflag:s22] =	dma.local [hbm:s5], s20  }
0x9e: {  	_ =	swait.ge [sflag:s22], s20  }
0x9f: {  	s4 =	ssub.s32 $0x0, s20;
	[sflag:s22] =	ssyncset.done $0x0  }
0xa0: {  	[sflag:s22] =	ssyncadd.s32 s4;
	_ =	sdelay $0x1  }
0xa1: {  	s23 =	simm.s32 $0x1B8B  }
0xa2: {  	_ =	swait.ge [sflag:s23], $0x1  }
0xa3: {  	[sflag:s23] =	ssyncset.done $0x0  }
0xa4: {  	s25 =	simm.s32 $0x1B8E;
	s24 =	sld [smem:$0x3FFE];
	[sflag:s23] =	ssyncadd.s32 $0xFFFFFFFF  }
0xa5: {  	s26 =	simm.s32 $execute0_lowered;
	[smem:$0x3FD2] =	sst s25  }
0xa6: {  	s5 =	sshll.u32 s26, $0x1;
	_ =	strace $0x80000046;
	[dreg:$0x1] =	wrdreg $0xFFFFFFFF  }
0xa7: {  	s28 =	simm.s32 $_size_execute0_lowered;
	s3 =	sadd.s32 s3, s5;
	[dreg:$0x0] =	wrdreg $0x0  }
0xa8: {  	s5 =	sshll.u32 s28, $0x1;
	[dreg:$0x2] =	wrdreg s3  }
0xa9: {  	[dreg:$0x3] =	wrdreg s5  }
0xaa: {  	[dreg:$0x4] =	wrdreg $0xC0  }
0xab: {  	_ =	task [dreg:s7], $0x5FFFF  }
0xac: {  	[dreg:$0x1] =	wrdreg $0xFFFFFFFF  }
0xad: {  	[dreg:$0x0] =	wrdreg $0x60  }
0xae: {  	[dreg:$0x2] =	wrdreg s2  }
0xaf: {  	[dreg:$0x3] =	wrdreg s24  }
0xb0: {  	[dreg:$0x4] =	wrdreg $0x0  }
0xb1: {  	[dreg:$0x5] =	wrdreg $0x9  }
0xb2: {  	_ =	task.clear_ibuf [dreg:s7], $0x6FFFF;
	_ =	strace $0x90000046  }
0xb3: {  	s29 =	simm.s32 $0x9;
	_ =	strace $0x80000048  }
0xb4: {  	_ =	swait.ge [sflag:s29], $0x1  }
0xb5: {  	[sflag:s29] =	ssyncadd.s32 $0xFFFFFFFF  }
0xb6: {  	_ =	strace $0x90000048  }
0xb7: {  	_ =	sfence  }
0xb8: {  	s30 =	sld [smem:$0x0];
	_ =	sdelay $0x2  }
0xb9: {  	s31 =	sshll.u32 s1, $0xD;
	s1 =	sshrl.u32 s1, $0x2  }
0xba: {  	s3 =	sand.u32 $0x4000, s31;
	s1 =	sadd.s32 s1, s30  }
0xbb: {  	s0 =	sor.u32 s3, s0;
	s1 =	sshll.u32 s1, $0x11  }
0xbc: {  	s0 =	sor.u32 s1, s0  }
0xbd: {  	s0 =	sadd.s32 $0x8F2B, s0  }
0xbe: {  	[sflag:s0] =	ssyncadd.remote.s32 $0x1  }
0xbf: {  	_ =	sfence.sel $0xFFFF  }
0xc0: {  	[dreg:$0x0] =	wrdreg $0xFFFFFFFF;
	(pc) =	sbr.abs _section_cstart, $3  }
0xc1: {  	[dreg:$0x1] =	wrdreg $0xFFFFFFFF  }
0xc2: {  	_ =	task.clear_ibuf [dreg:s7], $0x2FFFF;
	_ =	strace $0x9FFFFFFF  }
0xc3: {  	(tm) =	ssettm $0x7FFFFFFF  }
tec
execute0_lowered:
.L_overlay_start_1:
0x0: {  	(tag) =	ssettag $0x1  }
0x1: {  	s1 =	rddreg [dreg:$0x0]  }
0x2: {  	s0 =	rddreg [dreg:$0x1]  }
0x3: {  	s2 =	rddreg [dreg:$0x2]  }
0x4: {  	s3 =	srdreg.scid;
	s10 =	stileid.u32;
	s24 =	simm.s32 $0x180  }
0x5: {  	s18 =	simm.s32 $0x6FC0;
	s19 =	simm.s32 $0x7C00;
	s20 =	simm.s32 $0x8840  }
0x6: {  	s21 =	simm.s32 $0x9480;
	s22 =	simm.s32 $0xA0C0;
	s23 =	simm.s32 $0xAD00  }
0x7: {  	s25 =	simm.s32 $0xB940;
	s26 =	simm.s32 $0x6380;
	s28 =	simm.s32 $0x5  }
0x8: {  	s31 =	simm.s32 $0x5;
	s29 =	simm.s32 $0x3;
	s30 =	simm.s32 $0x4  }
0x9: {  	s4 =	sand.u32 $0x1, s3;
	s5 =	sshrl.u32 s10, $0x2;
	s3 =	simm.s32 $0x0  }
0xa: {  	s6 =	sshll.u32 s10, $0x8;
	s9 =	smul.u32 $0x49800, s10;
	[smem:$0x7FF] =	sst s3  }
0xb: {  	s11 =	sshrl.u32 s10, $0x3;
	_ =	strace $0x80000047;
	[dreg:$0x5] =	wrdreg s18  }
0xc: {  	s13 =	sshll.u32 s10, $0x6;
	s7 =	sshll.u32 s4, $0x7;
	[dreg:$0x6] =	wrdreg s19  }
0xd: {  	s5 =	smul.u32 $0xC00, s5;
	s12 =	ssub.s32 $0x2, s4;
	[dreg:$0x7] =	wrdreg s20  }
0xe: {  	s4 =	smul.u32 $0x24C00, s4;
	s6 =	sor.u32 s7, s6;
	[dreg:$0x8] =	wrdreg s21  }
0xf: {  	s7 =	smul.u32 $0x3000, s11;
	s8 =	sshrl.u32 s12, $0x1;
	[dreg:$0x9] =	wrdreg s22  }
0x10: {  	s11 =	simm.s32 $0x1;
	[dreg:$0xa] =	wrdreg s23;
	s6 =	sand.u32 $0x380, s6  }
0x11: {  	[dreg:$0xb] =	wrdreg s25;
	s23 =	simm.s32 $0x3;
	s5 =	sor.u32 s5, s6  }
0x12: {  	s7 =	sshrl.u32 s7, $0x2;
	s6 =	ssub.s32 s12, s8;
	s5 =	sshrl.u32 s5, $0x3  }
0x13: {  	s2 =	sadd.s32 s7, s2;
	s14 =	smax.u32 s6, $0x1;
	s5 =	sadd.s32 s5, s0  }
0x14: {  	s0 =	sadd.s32 s9, s0;
	s9 =	sshll.u32 s10, $0x7;
	[dreg:$0xf] =	wrdreg s14  }
0x15: {  	s9 =	sand.u32 $0x380, s9;
	s5 =	sadd.s32 $0x1200, s5;
	s0 =	sadd.s32 s4, s0  }
0x16: {  	s7 =	sadd.s32 s9, s2;
	[dreg:$0xd] =	wrdreg s5;
	s2 =	sor.u32 $0x1C13, s13  }
0x17: {  	s25 =	simm.s32 $0x4;
	s0 =	sadd.s32 $0x1800, s0;
	[dreg:$0xe] =	wrdreg s2  }
0x18: {  	s18 =	simm.s32 $0xB;
	s19 =	simm.s32 $0xC;
	[dreg:$0x4] =	wrdreg s0  }
0x19: {  	s20 =	simm.s32 $0xD;
	s15 =	sadd.s32 $0x400, s7;
	[dreg:$0xc] =	wrdreg s7  }
0x1a: {  	s14 =	simm.s32 $0x8;
	s16 =	sadd.s32 $0x800, s7;
	[dreg:$0x10] =	wrdreg s15  }
0x1b: {  	s5 =	simm.s32 $0x0;
	s17 =	sshrl.u32 s7, $0x3;
	[dreg:$0x11] =	wrdreg s16  }
0x1c: {  	s0 =	simm.s32 $0x6;
	s2 =	simm.s32 $0x7;
	[dreg:$0x12] =	wrdreg s17  }
0x1d: {  	s15 =	simm.s32 $0x2;
	s16 =	simm.s32 $0x9;
	s17 =	simm.s32 $0xA  }
.LBB2_1:
0x1e: {  	[dreg:$0x13] =	wrdreg s5  }
0x1f: {  	s4 =	rddreg [dreg:$0xd]  }
0x20: {  	s9 =	rddreg [dreg:$0xe]  }
0x21: {  	s6 =	rddreg [dreg:$0x12];
	s7 =	simm.s32 $0x80;
	s10 =	simm.s32 $0x13  }
0x22: {  	[spmem:s6@s7], [sflag:s9] =	dma.strided [hbm:s4@s7], $0x30, s11, $0x10   }
0x23: {  	_ =	swait.ge [sflag:s10], $0x30  }
0x24: {  	[sflag:s10] =	ssyncset.done $0x0  }
0x25: {  	s12 =	rddreg [dreg:$0xc];
	[sflag:s10] =	ssyncadd.s32 $0xFFFFFFD0  }
0x26: {  	[smem:s3], [sflag:$0x13] =	stream.linear.gather [spmem:s12], $0x80, $0x38;
	[tilespmem:$0xC580] =	vst v63  }
0x27: {  	s4 =	rddreg [dreg:$0x10]  }
0x28: {  	[smem:s7], [sflag:$0x13] =	stream.linear.gather [spmem:s4], $0x80, $0x38;
	[tilespmem:$0xC580] =	vst v63  }
0x29: {  	s13 =	simm.s32 $0x100;
	s4 =	rddreg [dreg:$0x11]  }
0x2a: {  	[smem:s13], [sflag:$0x13] =	stream.linear.gather [spmem:s4], $0x80, $0x38;
	[tilespmem:$0xC580] =	vst v63  }
0x2b: {  	_ =	swait.ge [sflag:s10], $0x180  }
0x2c: {  	[sflag:s10] =	ssyncset.done $0x0  }
0x2d: {  	[sflag:s10] =	ssyncadd.s32 $0xFFFFFE80  }
0x2e: {  	s21 =	sld [smem:$0x0]  }
0x2f: {  	s22 =	sld [smem:$0x1]  }
0x30: {  	s5 =	sld [smem:$0x2]  }
0x31: {  	s9 =	sld [smem:$0x3];
	s4 =	smul.u32 $0xC40, s21  }
0x32: {  	s6 =	smul.u32 $0xC40, s22  }
0x33: {  	s8 =	smul.u32 $0xC40, s5  }
0x34: {  	s10 =	simm.s32 $0xDC0;
	s13 =	smul.u32 $0xC40, s9;
	s21 =	sld [smem:$0x4]  }
0x35: {  	s22 =	simm.s32 $0x1A00;
	s9 =	sld [smem:$0x5];
	s4 =	sshrl.u32 s4, $0x3  }
0x36: {  	s6 =	sshrl.u32 s6, $0x3;
	s12 =	sshrl.u32 s8, $0x3;
	s4 =	sadd.s32 s1, s4  }
0x37: {  	[tilespmem:s24], [sflag:$0x1] =	stream.linear.gather [hbm4b:s4+s3], $0xC40, $0x38;
	[tilespmem:$0xC580] =	vst v63  }
0x38: {  	s8 =	smul.u32 $0xC40, s21;
	s21 =	sld [smem:$0x6];
	s4 =	sadd.s32 s1, s6  }
0x39: {  	s6 =	sshrl.u32 s13, $0x3;
	s13 =	smul.u32 $0xC40, s9;
	s9 =	simm.s32 $0x3EC0  }
0x3a: {  	[tilespmem:s10], [sflag:$0x2] =	stream.linear.gather [hbm4b:s4+s3], $0xC40, $0x38;
	[tilespmem:$0xC580] =	vst v63  }
0x3b: {  	s4 =	sadd.s32 s1, s12;
	s10 =	simm.s32 $0x2640;
	s12 =	sshrl.u32 s8, $0x3  }
0x3c: {  	[tilespmem:s22], [sflag:$0x3] =	stream.linear.gather [hbm4b:s4+s3], $0xC40, $0x38;
	[tilespmem:$0xC580] =	vst v63  }
0x3d: {  	s7 =	smul.u32 $0xC40, s21;
	s8 =	sld [smem:$0x7];
	s4 =	sadd.s32 s1, s6  }
0x3e: {  	[tilespmem:s10], [sflag:$0x4] =	stream.linear.gather [hbm4b:s4+s3], $0xC40, $0x38;
	[tilespmem:$0xC580] =	vst v63  }
0x3f: {  	s22 =	simm.s32 $0x3280;
	s6 =	sshrl.u32 s13, $0x3;
	s4 =	sadd.s32 s1, s12  }
0x40: {  	[tilespmem:s22], [sflag:$0x5] =	stream.linear.gather [hbm4b:s4+s3], $0xC40, $0x38;
	[tilespmem:$0xC580] =	vst v63  }
0x41: {  	s10 =	sshrl.u32 s7, $0x3;
	s12 =	smul.u32 $0xC40, s8;
	s4 =	sadd.s32 s1, s6  }
0x42: {  	[tilespmem:s9], [sflag:$0x6] =	stream.linear.gather [hbm4b:s4+s3], $0xC40, $0x38;
	[tilespmem:$0xC580] =	vst v63  }
0x43: {  	s13 =	simm.s32 $0x4B00;
	s21 =	sshrl.u32 s12, $0x3;
	s4 =	sadd.s32 s1, s10  }
0x44: {  	[tilespmem:s13], [sflag:$0x7] =	stream.linear.gather [hbm4b:s4+s3], $0xC40, $0x38;
	[tilespmem:$0xC580] =	vst v63  }
0x45: {  	p0 =	por $0x1, $0x1;
	s22 =	simm.s32 $0x5740;
	s4 =	sadd.s32 s1, s21  }
0x46: {  	[tilespmem:s22], [sflag:$0x8] =	stream.linear.gather [hbm4b:s4+s3], $0xC40, $0x38;
	[tilespmem:$0xC580] =	vst v63  }
0x47: {  	s4 =	simm.s32 @!p0 $0x12  }
0x48: {  	_ =	swait.ge @!p0 [sflag:s4], $0x6200  }
0x49: {  	[sflag:s4] =	ssyncset.done @!p0 $0x0  }
0x4a: {  	[sflag:s4] =	ssyncadd.s32 @!p0 $0xFFFF9E00;
	s4 =	rddreg [dreg:$0x9]  }
0x4b: {  	s6 =	sld [smem:$0xA]  }
0x4c: {  	s5 =	sld [smem:$0x9]  }
0x4d: {  	s8 =	sld [smem:$0xB]  }
0x4e: {  	s9 =	sld [smem:$0x8]  }
0x4f: {  	s6 =	smul.u32 $0xC40, s6;
	s10 =	sld [smem:$0xC]  }
0x50: {  	s12 =	rddreg [dreg:$0x5];
	s7 =	smul.u32 $0xC40, s5  }
0x51: {  	s21 =	sld [smem:$0xD];
	s9 =	smul.u32 $0xC40, s9  }
0x52: {  	s8 =	smul.u32 $0xC40, s8;
	s6 =	sshrl.u32 s6, $0x3;
	s22 =	sld [smem:$0xE]  }
0x53: {  	s7 =	sshrl.u32 s7, $0x3;
	s6 =	sadd.s32 s1, s6;
	s9 =	sshrl.u32 s9, $0x3  }
0x54: {  	s13 =	sld [smem:$0xF];
	s10 =	smul.u32 $0xC40, s10;
	s9 =	sadd.s32 s1, s9  }
0x55: {  	[tilespmem:s26], [sflag:$0x9] =	stream.linear.gather [hbm4b:s9+s3], $0xC40, $0x38;
	[tilespmem:$0xC580] =	vst v63  }
0x56: {  	s7 =	sadd.s32 s1, s7;
	s5 =	smul.u32 $0xC40, s22;
	s22 =	rddreg [dreg:$0x8]  }
0x57: {  	[tilespmem:s12], [sflag:$0xA] =	stream.linear.gather [hbm4b:s7+s3], $0xC40, $0x38;
	[tilespmem:$0xC580] =	vst v63  }
0x58: {  	s8 =	sshrl.u32 s8, $0x3;
	s9 =	sshrl.u32 s10, $0x3;
	s12 =	rddreg [dreg:$0x6]  }
0x59: {  	[tilespmem:s12], [sflag:$0xB] =	stream.linear.gather [hbm4b:s6+s3], $0xC40, $0x38;
	[tilespmem:$0xC580] =	vst v63  }
0x5a: {  	s10 =	smul.u32 $0xC40, s21;
	s26 =	rddreg [dreg:$0x7];
	s21 =	sadd.s32 s1, s8  }
0x5b: {  	[tilespmem:s26], [sflag:$0xC] =	stream.linear.gather [hbm4b:s21+s3], $0xC40, $0x38;
	[tilespmem:$0xC580] =	vst v63  }
0x5c: {  	s6 =	sshrl.u32 s5, $0x3;
	s5 =	sshrl.u32 s10, $0x3;
	s26 =	sadd.s32 s1, s9  }
0x5d: {  	[tilespmem:s22], [sflag:$0xD] =	stream.linear.gather [hbm4b:s26+s3], $0xC40, $0x38;
	[tilespmem:$0xC580] =	vst v63  }
0x5e: {  	s10 =	smul.u32 $0xC40, s13;
	s12 =	sadd.s32 s1, s5  }
0x5f: {  	[tilespmem:s4], [sflag:$0xE] =	stream.linear.gather [hbm4b:s12+s3], $0xC40, $0x38;
	[tilespmem:$0xC580] =	vst v63  }
0x60: {  	s13 =	rddreg [dreg:$0xa];
	s6 =	sadd.s32 s1, s6;
	s21 =	sshrl.u32 s10, $0x3  }
0x61: {  	[tilespmem:s13], [sflag:$0xF] =	stream.linear.gather [hbm4b:s6+s3], $0xC40, $0x38;
	[tilespmem:$0xC580] =	vst v63  }
0x62: {  	s22 =	rddreg [dreg:$0xb];
	s4 =	sadd.s32 s1, s21  }
0x63: {  	[tilespmem:s22], [sflag:$0x10] =	stream.linear.gather [hbm4b:s4+s3], $0xC40, $0x38;
	[tilespmem:$0xC580] =	vst v63  }
0x64: {  	_ =	swait.ge [sflag:s11], $0xC40  }
0x65: {  	[sflag:s11] =	ssyncset.done $0x0  }
0x66: {  	[sflag:s11] =	ssyncadd.s32 $0xFFFFF3C0  }
0x67: {  	_ =	swait.ge [sflag:s15], $0xC40  }
0x68: {  	[sflag:s15] =	ssyncset.done $0x0  }
0x69: {  	[sflag:s15] =	ssyncadd.s32 $0xFFFFF3C0  }
0x6a: {  	_ =	swait.ge [sflag:s23], $0xC40  }
0x6b: {  	[sflag:s23] =	ssyncset.done $0x0  }
0x6c: {  	[sflag:s23] =	ssyncadd.s32 $0xFFFFF3C0  }
0x6d: {  	_ =	swait.ge [sflag:s25], $0xC40  }
0x6e: {  	[sflag:s25] =	ssyncset.done $0x0  }
0x6f: {  	[sflag:s25] =	ssyncadd.s32 $0xFFFFF3C0  }
0x70: {  	_ =	swait.ge [sflag:s28], $0xC40  }
0x71: {  	[sflag:s28] =	ssyncset.done $0x0  }
0x72: {  	[sflag:s28] =	ssyncadd.s32 $0xFFFFF3C0  }
0x73: {  	_ =	swait.ge [sflag:s0], $0xC40  }
0x74: {  	[sflag:s0] =	ssyncset.done $0x0  }
0x75: {  	[sflag:s0] =	ssyncadd.s32 $0xFFFFF3C0  }
0x76: {  	_ =	swait.ge [sflag:s2], $0xC40  }
0x77: {  	[sflag:s2] =	ssyncset.done $0x0  }
0x78: {  	[sflag:s2] =	ssyncadd.s32 $0xFFFFF3C0  }
0x79: {  	_ =	swait.ge [sflag:s14], $0xC40  }
0x7a: {  	p1 =	por $0x0, $0x0;
	s26 =	rddreg [dreg:$0x4];
	[sflag:s14] =	ssyncset.done $0x0  }
0x7b: {  	s6 =	simm.s32 @!p1 $0x11;
	[sflag:s14] =	ssyncadd.s32 $0xFFFFF3C0;
	s7 =	sadd.s32 $0x0, s26  }
0x7c: {  	[hbm4b:s7+s3] =	stream.linear.scatter [tilespmem:s24], [sflag:$0x11], $0x6200, $0x38;
	[tilespmem:$0xC580] =	vst v63  }
0x7d: {  	_ =	swait.ge @!p1 [sflag:s6], $0x6200  }
0x7e: {  	[sflag:s6] =	ssyncset.done @!p1 $0x0  }
0x7f: {  	[sflag:s6] =	ssyncadd.s32 @!p1 $0xFFFF9E00  }
0x80: {  	s4 =	sld @!p1 [smem:$0x10];
	_ =	sdelay $0x1  }
0x81: {  	s6 =	sld @!p1 [smem:$0x11]  }
0x82: {  	s8 =	sld @!p1 [smem:$0x12];
	s4 =	smul.u32 @!p1 $0xC40, s4  }
0x83: {  	s9 =	simm.s32 @!p1 $0x0;
	s10 =	sld @!p1 [smem:$0x13]  }
0x84: {  	s12 =	simm.s32 @!p1 $0x180;
	s13 =	sld @!p1 [smem:$0x14];
	s4 =	sshrl.u32 @!p1 s4, $0x3  }
0x85: {  	s6 =	smul.u32 @!p1 $0xC40, s6;
	s21 =	sld @!p1 [smem:$0x15];
	s4 =	sadd.s32 @!p1 s1, s4  }
0x86: {  	[tilespmem:s12], [sflag:$0x1] =	stream.linear.gather @!p1 [hbm4b:s4+s9], $0xC40, $0x38;
	[tilespmem:$0xC580] =	vst v63  }
0x87: {  	s4 =	sshrl.u32 @!p1 s6, $0x3  }
0x88: {  	s8 =	smul.u32 @!p1 $0xC40, s8;
	s6 =	simm.s32 @!p1 $0xDC0;
	s4 =	sadd.s32 @!p1 s1, s4  }
0x89: {  	[tilespmem:s6], [sflag:$0x2] =	stream.linear.gather @!p1 [hbm4b:s4+s9], $0xC40, $0x38;
	[tilespmem:$0xC580] =	vst v63  }
0x8a: {  	s28 =	simm.s32 $0x2;
	s0 =	simm.s32 $0x6;
	s4 =	sshrl.u32 @!p1 s8, $0x3  }
0x8b: {  	s6 =	simm.s32 @!p1 $0x1A00;
	s8 =	smul.u32 @!p1 $0xC40, s10;
	s4 =	sadd.s32 @!p1 s1, s4  }
0x8c: {  	[tilespmem:s6], [sflag:$0x3] =	stream.linear.gather @!p1 [hbm4b:s4+s9], $0xC40, $0x38;
	[tilespmem:$0xC580] =	vst v63  }
0x8d: {  	s10 =	smul.u32 @!p1 $0xC40, s21;
	s4 =	simm.s32 @!p1 $0x2640;
	s6 =	sshrl.u32 @!p1 s8, $0x3  }
0x8e: {  	s8 =	smul.u32 @!p1 $0xC40, s13;
	s6 =	sadd.s32 @!p1 s1, s6;
	s12 =	sld @!p1 [smem:$0x16]  }
0x8f: {  	[tilespmem:s4], [sflag:$0x4] =	stream.linear.gather @!p1 [hbm4b:s6+s9], $0xC40, $0x38;
	[tilespmem:$0xC580] =	vst v63  }
0x90: {  	s2 =	simm.s32 $0x7;
	s4 =	simm.s32 @!p1 $0x3280;
	s6 =	sshrl.u32 @!p1 s8, $0x3  }
0x91: {  	s8 =	sshrl.u32 @!p1 s10, $0x3;
	s6 =	sadd.s32 @!p1 s1, s6;
	s13 =	sld @!p1 [smem:$0x17]  }
0x92: {  	[tilespmem:s4], [sflag:$0x5] =	stream.linear.gather @!p1 [hbm4b:s6+s9], $0xC40, $0x38;
	[tilespmem:$0xC580] =	vst v63  }
0x93: {  	s14 =	simm.s32 $0x8;
	s10 =	simm.s32 @!p1 $0x4B00;
	s4 =	sadd.s32 @!p1 s1, s8  }
0x94: {  	s6 =	simm.s32 @!p1 $0x3EC0;
	s8 =	smul.u32 @!p1 $0xC40, s12;
	s12 =	simm.s32 $0xC  }
0x95: {  	[tilespmem:s6], [sflag:$0x6] =	stream.linear.gather @!p1 [hbm4b:s4+s9], $0xC40, $0x38;
	[tilespmem:$0xC580] =	vst v63  }
0x96: {  	s6 =	simm.s32 $0x1880;
	s8 =	sshrl.u32 @!p1 s8, $0x3;
	s4 =	smul.u32 @!p1 $0xC40, s13  }
.LBB2_2:
0x97: {  	s13 =	sadd.s32 @!p1 s1, s8  }
0x98: {  	[tilespmem:s10], [sflag:$0x7] =	stream.linear.gather @!p1 [hbm4b:s13+s9], $0xC40, $0x38;
	[tilespmem:$0xC580] =	vst v63  }
0x99: {  	s4 =	sshrl.u32 @!p1 s4, $0x3  }
0x9a: {  	s10 =	simm.s32 @!p1 $0x5740;
	s4 =	sadd.s32 @!p1 s1, s4  }
0x9b: {  	[tilespmem:s10], [sflag:$0x8] =	stream.linear.gather @!p1 [hbm4b:s4+s9], $0xC40, $0x38;
	[tilespmem:$0xC580] =	vst v63  }
0x9c: {  	_ =	swait.ge [sflag:s16], $0xC40  }
0x9d: {  	[sflag:s16] =	ssyncset.done $0x0  }
0x9e: {  	[sflag:s16] =	ssyncadd.s32 $0xFFFFF3C0  }
0x9f: {  	_ =	swait.ge [sflag:s17], $0xC40  }
0xa0: {  	[sflag:s17] =	ssyncset.done $0x0  }
0xa1: {  	[sflag:s17] =	ssyncadd.s32 $0xFFFFF3C0  }
0xa2: {  	_ =	swait.ge [sflag:s18], $0xC40  }
0xa3: {  	[sflag:s18] =	ssyncset.done $0x0  }
0xa4: {  	[sflag:s18] =	ssyncadd.s32 $0xFFFFF3C0  }
0xa5: {  	_ =	swait.ge [sflag:s19], $0xC40  }
0xa6: {  	[sflag:s19] =	ssyncset.done $0x0  }
0xa7: {  	[sflag:s19] =	ssyncadd.s32 $0xFFFFF3C0  }
0xa8: {  	_ =	swait.ge [sflag:s20], $0xC40  }
0xa9: {  	[sflag:s20] =	ssyncset.done $0x0  }
0xaa: {  	s5 =	simm.s32 $0xE;
	[sflag:s20] =	ssyncadd.s32 $0xFFFFF3C0  }
0xab: {  	_ =	swait.ge [sflag:s5], $0xC40  }
0xac: {  	[sflag:s5] =	ssyncset.done $0x0  }
0xad: {  	s26 =	simm.s32 $0xF;
	[sflag:s5] =	ssyncadd.s32 $0xFFFFF3C0  }
0xae: {  	_ =	swait.ge [sflag:s26], $0xC40  }
0xaf: {  	[sflag:s26] =	ssyncset.done $0x0  }
0xb0: {  	s9 =	simm.s32 $0x10;
	[sflag:s26] =	ssyncadd.s32 $0xFFFFF3C0  }
0xb1: {  	s8 =	smov.u32 s6;
	_ =	swait.ge [sflag:s9], $0xC40  }
0xb2: {  	s7 =	sadd.s32 $0xC40, s7;
	p2 =	seq.s32 s8, $0x0;
	[sflag:s9] =	ssyncset.done $0x0  }
0xb3: {  	s25 =	simm.s32 $0x6380;
	s4 =	simm.s32 @!p2 $0x12;
	[sflag:s9] =	ssyncadd.s32 $0xFFFFF3C0  }
0xb4: {  	[hbm4b:s7+s3] =	stream.linear.scatter [tilespmem:s25], [sflag:$0x12], $0x6200, $0x38;
	[tilespmem:$0xC580] =	vst v63  }
0xb5: {  	_ =	swait.ge @!p2 [sflag:s4], $0x6200  }
0xb6: {  	[sflag:s4] =	ssyncset.done @!p2 $0x0  }
0xb7: {  	s12 =	sadd.s32 $0x10, s12;
	[sflag:s4] =	ssyncadd.s32 @!p2 $0xFFFF9E00  }
0xb8: {  	s10 =	sld [smem:s12+$0xFFFFFFFE]  }
0xb9: {  	s13 =	sld [smem:s12+$0xFFFFFFFD]  }
0xba: {  	s15 =	sld [smem:s12+$0xFFFFFFFF]  }
0xbb: {  	s23 =	sld [smem:s12+$0xFFFFFFFC];
	s7 =	smul.u32 $0xC40, s10  }
0xbc: {  	s21 =	sld [smem:s12+$0x0];
	s9 =	smul.u32 $0xC40, s13  }
0xbd: {  	s26 =	sld [smem:s12+$0x1];
	s10 =	smul.u32 $0xC40, s15  }
0xbe: {  	s22 =	rddreg [dreg:$0x5];
	s13 =	smul.u32 $0xC40, s23  }
0xbf: {  	s21 =	smul.u32 $0xC40, s21;
	s15 =	sld [smem:s12+$0x2]  }
0xc0: {  	s23 =	sld [smem:s12+$0x3];
	s5 =	smul.u32 $0xC40, s26;
	s13 =	sshrl.u32 s13, $0x3  }
0xc1: {  	s7 =	sshrl.u32 s7, $0x3;
	s9 =	sshrl.u32 s9, $0x3;
	s13 =	sadd.s32 s1, s13  }
0xc2: {  	[tilespmem:s25], [sflag:$0x9] =	stream.linear.gather [hbm4b:s13+s3], $0xC40, $0x38;
	[tilespmem:$0xC580] =	vst v63  }
0xc3: {  	s10 =	sshrl.u32 s10, $0x3;
	s21 =	sshrl.u32 s21, $0x3;
	s9 =	sadd.s32 s1, s9  }
0xc4: {  	[tilespmem:s22], [sflag:$0xA] =	stream.linear.gather [hbm4b:s9+s3], $0xC40, $0x38;
	[tilespmem:$0xC580] =	vst v63  }
0xc5: {  	s5 =	sshrl.u32 s5, $0x3;
	s7 =	sadd.s32 s1, s7;
	s13 =	rddreg [dreg:$0x6]  }
0xc6: {  	[tilespmem:s13], [sflag:$0xB] =	stream.linear.gather [hbm4b:s7+s3], $0xC40, $0x38;
	[tilespmem:$0xC580] =	vst v63  }
0xc7: {  	s15 =	smul.u32 $0xC40, s15;
	s25 =	rddreg [dreg:$0x7];
	s13 =	sadd.s32 s1, s10  }
0xc8: {  	[tilespmem:s25], [sflag:$0xC] =	stream.linear.gather [hbm4b:s13+s3], $0xC40, $0x38;
	[tilespmem:$0xC580] =	vst v63  }
0xc9: {  	s22 =	smul.u32 $0xC40, s23;
	s23 =	sadd.s32 s1, s21;
	s10 =	rddreg [dreg:$0x8]  }
0xca: {  	[tilespmem:s10], [sflag:$0xD] =	stream.linear.gather [hbm4b:s23+s3], $0xC40, $0x38;
	[tilespmem:$0xC580] =	vst v63  }
0xcb: {  	s4 =	rddreg [dreg:$0x9];
	s5 =	sadd.s32 s1, s5;
	s15 =	sshrl.u32 s15, $0x3  }
0xcc: {  	[tilespmem:s4], [sflag:$0xE] =	stream.linear.gather [hbm4b:s5+s3], $0xC40, $0x38;
	[tilespmem:$0xC580] =	vst v63  }
0xcd: {  	s21 =	sadd.s32 s1, s15;
	s25 =	sshrl.u32 s22, $0x3;
	s13 =	rddreg [dreg:$0xa]  }
0xce: {  	[tilespmem:s13], [sflag:$0xF] =	stream.linear.gather [hbm4b:s21+s3], $0xC40, $0x38;
	[tilespmem:$0xC580] =	vst v63  }
0xcf: {  	s22 =	rddreg [dreg:$0xb];
	s23 =	sadd.s32 s1, s25  }
0xd0: {  	[tilespmem:s22], [sflag:$0x10] =	stream.linear.gather [hbm4b:s23+s3], $0xC40, $0x38;
	[tilespmem:$0xC580] =	vst v63  }
0xd1: {  	_ =	swait.ge [sflag:s11], $0xC40  }
0xd2: {  	[sflag:s11] =	ssyncset.done $0x0  }
0xd3: {  	[sflag:s11] =	ssyncadd.s32 $0xFFFFF3C0  }
0xd4: {  	_ =	swait.ge [sflag:s28], $0xC40  }
0xd5: {  	[sflag:s28] =	ssyncset.done $0x0  }
0xd6: {  	[sflag:s28] =	ssyncadd.s32 $0xFFFFF3C0  }
0xd7: {  	_ =	swait.ge [sflag:s29], $0xC40  }
0xd8: {  	[sflag:s29] =	ssyncset.done $0x0  }
0xd9: {  	[sflag:s29] =	ssyncadd.s32 $0xFFFFF3C0  }
0xda: {  	_ =	swait.ge [sflag:s30], $0xC40  }
0xdb: {  	[sflag:s30] =	ssyncset.done $0x0  }
0xdc: {  	[sflag:s30] =	ssyncadd.s32 $0xFFFFF3C0  }
0xdd: {  	_ =	swait.ge [sflag:s31], $0xC40  }
0xde: {  	[sflag:s31] =	ssyncset.done $0x0  }
0xdf: {  	[sflag:s31] =	ssyncadd.s32 $0xFFFFF3C0  }
0xe0: {  	_ =	swait.ge [sflag:s0], $0xC40  }
0xe1: {  	[sflag:s0] =	ssyncset.done $0x0  }
0xe2: {  	[sflag:s0] =	ssyncadd.s32 $0xFFFFF3C0  }
0xe3: {  	_ =	swait.ge [sflag:s2], $0xC40  }
0xe4: {  	[sflag:s2] =	ssyncset.done $0x0  }
0xe5: {  	[sflag:s2] =	ssyncadd.s32 $0xFFFFF3C0  }
0xe6: {  	_ =	swait.ge [sflag:s14], $0xC40  }
0xe7: {  	p1 =	seq.s32 s8, $0x23380;
	s25 =	rddreg [dreg:$0x4];
	[sflag:s14] =	ssyncset.done $0x0  }
0xe8: {  	s5 =	simm.s32 @!p1 $0x11;
	[sflag:s14] =	ssyncadd.s32 $0xFFFFF3C0;
	s7 =	sadd.s32 s8, s25  }
0xe9: {  	[hbm4b:s7+s3] =	stream.linear.scatter [tilespmem:s24], [sflag:$0x11], $0x6200, $0x38;
	[tilespmem:$0xC580] =	vst v63  }
0xea: {  	_ =	swait.ge @!p1 [sflag:s5], $0x6200  }
0xeb: {  	[sflag:s5] =	ssyncset.done @!p1 $0x0  }
0xec: {  	s6 =	sadd.s32 $0x1880, s6;
	[sflag:s5] =	ssyncadd.s32 @!p1 $0xFFFF9E00  }
0xed: {  	p0 =	sne.s32 s6, $0x24C00;
	s26 =	simm.s32 $0x6380;
	s5 =	sld @!p1 [smem:s12+$0x4]  }
0xee: {  	s9 =	simm.s32 @!p1 $0x0;
	s15 =	simm.s32 @!p1 $0x2640;
	s8 =	sld @!p1 [smem:s12+$0x5]  }
0xef: {  	s10 =	simm.s32 @!p1 $0x4B00;
	s4 =	simm.s32 @!p1 $0xDC0;
	s13 =	sld @!p1 [smem:s12+$0x6]  }
0xf0: {  	s21 =	simm.s32 @!p1 $0x3280;
	s23 =	sld @!p1 [smem:s12+$0x7];
	s5 =	smul.u32 @!p1 $0xC40, s5  }
0xf1: {  	s22 =	simm.s32 @!p1 $0x1A00;
	s24 =	sld @!p1 [smem:s12+$0x8];
	s8 =	smul.u32 @!p1 $0xC40, s8  }
0xf2: {  	s11 =	simm.s32 @!p1 $0x180;
	s25 =	sld @!p1 [smem:s12+$0x9];
	s5 =	sshrl.u32 @!p1 s5, $0x3  }
0xf3: {  	s13 =	smul.u32 @!p1 $0xC40, s13;
	s8 =	sshrl.u32 @!p1 s8, $0x3;
	s5 =	sadd.s32 @!p1 s1, s5  }
0xf4: {  	[tilespmem:s11], [sflag:$0x1] =	stream.linear.gather @!p1 [hbm4b:s5+s9], $0xC40, $0x38;
	[tilespmem:$0xC580] =	vst v63  }
0xf5: {  	s23 =	smul.u32 @!p1 $0xC40, s23;
	s5 =	sadd.s32 @!p1 s1, s8;
	s8 =	sshrl.u32 @!p1 s13, $0x3  }
0xf6: {  	[tilespmem:s4], [sflag:$0x2] =	stream.linear.gather @!p1 [hbm4b:s5+s9], $0xC40, $0x38;
	[tilespmem:$0xC580] =	vst v63  }
0xf7: {  	s11 =	sshrl.u32 @!p1 s23, $0x3;
	s13 =	sld @!p1 [smem:s12+$0xB];
	s4 =	sadd.s32 @!p1 s1, s8  }
0xf8: {  	s5 =	sadd.s32 @!p1 s1, s11;
	s8 =	smul.u32 @!p1 $0xC40, s24;
	s24 =	simm.s32 $0x180  }
0xf9: {  	[tilespmem:s22], [sflag:$0x3] =	stream.linear.gather @!p1 [hbm4b:s4+s9], $0xC40, $0x38;
	[tilespmem:$0xC580] =	vst v63  }
0xfa: {  	s11 =	sld @!p1 [smem:s12+$0xA];
	s4 =	sshrl.u32 @!p1 s8, $0x3;
	s8 =	smul.u32 @!p1 $0xC40, s25  }
0xfb: {  	[tilespmem:s15], [sflag:$0x4] =	stream.linear.gather @!p1 [hbm4b:s5+s9], $0xC40, $0x38;
	[tilespmem:$0xC580] =	vst v63  }
.Ltmp0:
0xfc: {  	s4 =	sadd.s32 @!p1 s1, s4;
	s5 =	sshrl.u32 @!p1 s8, $0x3;
	(pc) =	sbr.rel @p0 .LBB2_2-.Ltmp0, $4  }
0xfd: {  	[tilespmem:s21], [sflag:$0x5] =	stream.linear.gather @!p1 [hbm4b:s4+s9], $0xC40, $0x38;
	[tilespmem:$0xC580] =	vst v63  }
0xfe: {  	s8 =	smul.u32 @!p1 $0xC40, s11;
	s4 =	sadd.s32 @!p1 s1, s5;
	s5 =	simm.s32 @!p1 $0x3EC0  }
0xff: {  	[tilespmem:s5], [sflag:$0x6] =	stream.linear.gather @!p1 [hbm4b:s4+s9], $0xC40, $0x38;
	[tilespmem:$0xC580] =	vst v63  }
0x100: {  	s11 =	simm.s32 $0x1;
	s8 =	sshrl.u32 @!p1 s8, $0x3;
	s4 =	smul.u32 @!p1 $0xC40, s13  }
0x101: {  	s5 =	sadd.s32 @!p1 s1, s8  }
0x102: {  	[tilespmem:s10], [sflag:$0x7] =	stream.linear.gather @!p1 [hbm4b:s5+s9], $0xC40, $0x38;
	[tilespmem:$0xC580] =	vst v63  }
0x103: {  	s4 =	sshrl.u32 @!p1 s4, $0x3  }
0x104: {  	s5 =	simm.s32 @!p1 $0x5740;
	s4 =	sadd.s32 @!p1 s1, s4  }
0x105: {  	[tilespmem:s5], [sflag:$0x8] =	stream.linear.gather @!p1 [hbm4b:s4+s9], $0xC40, $0x38;
	[tilespmem:$0xC580] =	vst v63  }
0x106: {  	_ =	swait.ge [sflag:s16], $0xC40  }
0x107: {  	[sflag:s16] =	ssyncset.done $0x0  }
0x108: {  	[sflag:s16] =	ssyncadd.s32 $0xFFFFF3C0  }
0x109: {  	_ =	swait.ge [sflag:s17], $0xC40  }
0x10a: {  	[sflag:s17] =	ssyncset.done $0x0  }
0x10b: {  	[sflag:s17] =	ssyncadd.s32 $0xFFFFF3C0  }
0x10c: {  	_ =	swait.ge [sflag:s18], $0xC40  }
0x10d: {  	[sflag:s18] =	ssyncset.done $0x0  }
0x10e: {  	[sflag:s18] =	ssyncadd.s32 $0xFFFFF3C0  }
0x10f: {  	_ =	swait.ge [sflag:s19], $0xC40  }
0x110: {  	[sflag:s19] =	ssyncset.done $0x0  }
0x111: {  	[sflag:s19] =	ssyncadd.s32 $0xFFFFF3C0  }
0x112: {  	_ =	swait.ge [sflag:s20], $0xC40  }
0x113: {  	[sflag:s20] =	ssyncset.done $0x0  }
0x114: {  	s0 =	simm.s32 $0xE;
	[sflag:s20] =	ssyncadd.s32 $0xFFFFF3C0  }
0x115: {  	_ =	swait.ge [sflag:s0], $0xC40  }
0x116: {  	[sflag:s0] =	ssyncset.done $0x0  }
0x117: {  	s13 =	simm.s32 $0xF;
	[sflag:s0] =	ssyncadd.s32 $0xFFFFF3C0  }
0x118: {  	_ =	swait.ge [sflag:s13], $0xC40  }
0x119: {  	[sflag:s13] =	ssyncset.done $0x0  }
0x11a: {  	s14 =	simm.s32 $0x10;
	[sflag:s13] =	ssyncadd.s32 $0xFFFFF3C0  }
0x11b: {  	_ =	swait.ge [sflag:s14], $0xC40  }
0x11c: {  	[sflag:s14] =	ssyncset.done $0x0  }
0x11d: {  	s15 =	sadd.s32 $0xC40, s7;
	s21 =	simm.s32 $0x11;
	[sflag:s14] =	ssyncadd.s32 $0xFFFFF3C0  }
0x11e: {  	[hbm4b:s15+s3] =	stream.linear.scatter [tilespmem:s26], [sflag:$0x12], $0x6200, $0x38;
	[tilespmem:$0xC580] =	vst v63  }
0x11f: {  	_ =	swait.ge [sflag:s21], $0x6200  }
0x120: {  	[sflag:s21] =	ssyncset.done $0x0  }
0x121: {  	s22 =	simm.s32 $0x12;
	[sflag:s21] =	ssyncadd.s32 $0xFFFF9E00  }
0x122: {  	_ =	swait.ge [sflag:s22], $0x6200  }
0x123: {  	s23 =	rddreg [dreg:$0x13]  }
0x124: {  	s25 =	rddreg [dreg:$0xf];
	s5 =	sadd.s32 $0x1, s23  }
0x125: {  	p0 =	sne.s32 s5, s25  }
.Ltmp1:
0x126: {  	_ = 	snop;
	(pc) =	sbr.rel @p0 .LBB2_1-.Ltmp1, $4  }
0x127: {  	_ = 	snop  }
0x128: {  	s28 =	simm.s32 $0x5;
	s2 =	simm.s32 $0x7;
	s0 =	simm.s32 $0x6  }
0x129: {  	s14 =	simm.s32 $0x8;
	s15 =	simm.s32 $0x2;
	[sflag:s22] =	ssyncset.done $0x0  }
0x12a: {  	[sflag:s22] =	ssyncadd.s32 $0xFFFF9E00;
	s23 =	simm.s32 $0x3;
	s25 =	simm.s32 $0x4  }
0x12b: {  	_ =	sfence.sel $0x180000  }
0x12c: {  	[bflag:$0x0] =	sbarrier.arrive $0xFFFF  }
0x12d: {  	_ =	strace $0x90000047  }
0x12e: {  	s0 =	stileid.u32;
	[bflag:$0x2] =	sbarrier.arrive $0xFFFF  }
0x12f: {  	p0 =	sne.s32 s0, $0x0;
	s0 =	rddreg [dreg:$0x3]  }
0x130: {  	s0 =	sadd.s32 @!p0 $0x100000, s0  }
0x131: {  	[sflag:s0] =	ssyncadd.tile.s32 @!p0 $0x1;
	_ =	shalt  }
.Lfunc_end2:
_tile_overlayer_lowered:
.L_overlay_start_2:
0x132: {  	(tag) =	ssettag $0x2  }
0x133: {  	s0 =	rddreg [dreg:$0x0];
	s2 =	stileid.u32  }
0x134: {  	s1 =	rddreg [dreg:$0x1];
	p0 =	sne.s32 s2, $0x0  }
0x135: {  	s3 =	rddreg [dreg:$0x2];
	[bflag:$0x3] =	sbarrier.arrive $0xFFFF;
	s2 =	simm.s32 @!p0 $0x1C13  }
0x136: {  	[timem:s3], [sflag:s2] =	dma.local @!p0 [hbm:s0], s1  }
0x137: {  	s0 =	simm.s32 @!p0 $0x13  }
0x138: {  	_ =	swait.ge @!p0 [sflag:s0], s1  }
0x139: {  	s1 =	ssub.s32 @!p0 $0x0, s1;
	[sflag:s0] =	ssyncset.done @!p0 $0x0  }
0x13a: {  	[sflag:s0] =	ssyncadd.s32 @!p0 s1  }
0x13b: {  	[bflag:$0x3] =	sbarrier.arrive $0xFFFF  }
0x13c: {  	_ =	shalt  }

// kernel: sparse-core-data-format-call.cloned.1.call-start
scs
called_computation_lowered:
.L_overlay_start_0:
0x0: {  	s2 =	sld [smem:$0x3FD9]  }
0x1: {  	s3 =	sld [smem:$0x3FFE];
	_ =	sdelay $0x1  }
0x2: {  	s1 =	srdreg.scid  }
0x3: {  	s0 =	sand.u32 $0x1, s1  }
0x4: {  	s18 =	sshll.u32 s0, $0xA;
	s2 =	sadd.s32 s3, s2  }
0x5: {  	s2 =	sadd.s32 s2, s18  }
0x6: {  	[smem:$0x3FC3] =	sst s2  }
0x7: {  	_ = 	snop  }
0x8: {  	s2 =	sld [smem:$0x3FD0];
	(tm) =	ssettm $0x1  }
0x9: {  	s19 =	sld [smem:$0x3FFB];
	_ =	sdelay $0x3  }
0xa: {  	_ =	strace s19  }
0xb: {  	s3 =	sld [smem:$0x3FFC];
	_ =	sdelay $0x3  }
0xc: {  	_ =	strace s3  }
0xd: {  	s3 =	sld [smem:$0x3FFD];
	_ =	sdelay $0x3  }
0xe: {  	_ =	strace s3  }
0xf: {  	_ =	strace $0x8FFFFFFF  }
0x10: {  	s20 =	sld [smem:$0x3FDB];
	_ =	sdelay $0x1  }
0x11: {  	s4 =	simm.s32 $_scs_section_size  }
0x12: {  	s5 =	simm.s32 $_size__tile_overlayer_lowered;
	s6 =	simm.s32 $_tile_overlayer_lowered  }
0x13: {  	s23 =	simm.s32 $0x1BFF;
	s22 =	sshll.u32 s6, $0x1;
	s3 =	sadd.s32 s4, s20  }
0x14: {  	s7 =	simm.s32 $0x0;
	s21 =	sshll.u32 s5, $0x1;
	s5 =	sadd.s32 s22, s3  }
0x15: {  	[timem:s7], [sflag:s23] =	dma.local [hbm:s5], s21  }
0x16: {  	_ =	swait.ge [sflag:s23], s21  }
0x17: {  	s4 =	ssub.s32 $0x0, s21;
	[sflag:s23] =	ssyncset.done $0x0  }
0x18: {  	[sflag:s23] =	ssyncadd.s32 s4;
	_ =	sdelay $0x1  }
0x19: {  	s24 =	simm.s32 $0x1B8B  }
0x1a: {  	_ =	swait.ge [sflag:s24], $0x1  }
0x1b: {  	[sflag:s24] =	ssyncset.done $0x0  }
0x1c: {  	s26 =	simm.s32 $0x1B8E;
	s25 =	sld [smem:$0x3FFE];
	[sflag:s24] =	ssyncadd.s32 $0xFFFFFFFF  }
0x1d: {  	s27 =	simm.s32 $execute0_lowered;
	[smem:$0x3FD2] =	sst s26  }
0x1e: {  	s5 =	sshll.u32 s27, $0x1;
	_ =	strace $0x80000049;
	[dreg:$0x1] =	wrdreg $0xFFFFFFFF  }
0x1f: {  	s28 =	simm.s32 $_size_execute0_lowered;
	s3 =	sadd.s32 s3, s5;
	[dreg:$0x0] =	wrdreg $0x0  }
0x20: {  	s5 =	sshll.u32 s28, $0x1;
	[dreg:$0x2] =	wrdreg s3  }
0x21: {  	[dreg:$0x3] =	wrdreg s5  }
0x22: {  	[dreg:$0x4] =	wrdreg $0xC0  }
0x23: {  	_ =	task [dreg:s7], $0x5FFFF  }
0x24: {  	[dreg:$0x1] =	wrdreg $0xFFFFFFFF  }
0x25: {  	[dreg:$0x0] =	wrdreg $0x60  }
0x26: {  	[dreg:$0x2] =	wrdreg s25  }
0x27: {  	[dreg:$0x3] =	wrdreg s2  }
0x28: {  	[dreg:$0x4] =	wrdreg $0x9  }
0x29: {  	_ =	task.clear_ibuf [dreg:s7], $0x5FFFF;
	_ =	strace $0x90000049  }
0x2a: {  	s29 =	simm.s32 $0x9;
	_ =	strace $0x8000004B  }
0x2b: {  	_ =	swait.ge [sflag:s29], $0x1  }
0x2c: {  	[sflag:s29] =	ssyncadd.s32 $0xFFFFFFFF  }
0x2d: {  	_ =	strace $0x9000004B  }
0x2e: {  	_ =	sfence  }
0x2f: {  	s30 =	sld [smem:$0x0];
	_ =	sdelay $0x2  }
0x30: {  	s31 =	sshll.u32 s1, $0xD;
	s1 =	sshrl.u32 s1, $0x2  }
0x31: {  	s3 =	sand.u32 $0x4000, s31;
	s1 =	sadd.s32 s1, s30  }
0x32: {  	s0 =	sor.u32 s3, s0;
	s1 =	sshll.u32 s1, $0x11  }
0x33: {  	s0 =	sor.u32 s1, s0  }
0x34: {  	s0 =	sadd.s32 $0x8F2B, s0  }
0x35: {  	[sflag:s0] =	ssyncadd.remote.s32 $0x1  }
0x36: {  	_ =	sfence.sel $0xFFFF  }
0x37: {  	[dreg:$0x0] =	wrdreg $0xFFFFFFFF;
	(pc) =	sbr.abs _section_cstart, $3  }
0x38: {  	[dreg:$0x1] =	wrdreg $0xFFFFFFFF  }
0x39: {  	_ =	task.clear_ibuf [dreg:s7], $0x2FFFF;
	_ =	strace $0x9FFFFFFF  }
0x3a: {  	(tm) =	ssettm $0x7FFFFFFF  }
0x3b: {  	_ =	shalt  }
tec
execute0_lowered:
.L_overlay_start_1:
0x0: {  	(tag) =	ssettag $0x1  }
0x1: {  	s3 =	rddreg [dreg:$0x0]  }
0x2: {  	s0 =	srdreg.scid;
	s2 =	rddreg [dreg:$0x1]  }
0x3: {  	s4 =	simm.s32 $0x1;
	s7 =	simm.s32 $0x2;
	s16 =	simm.s32 $0x0  }
0x4: {  	p0 =	por $0x0, $0x0;
	s8 =	simm.s32 $0x1800;
	s17 =	simm.s32 $0x0  }
0x5: {  	s18 =	simm.s32 $0x0;
	s9 =	simm.s32 $0x0;
	s1 =	sand.u32 $0x1, s0  }
0x6: {  	s10 =	simm.s32 $0x0;
	s11 =	simm.s32 $0x0;
	s5 =	ssub.s32 $0x38, s1  }
.Ltmp0:
0x7: {  	s13 =	simm.s32 $0x0;
	s6 =	sshrl.u32 s5, $0x1;
	(pc) =	sbr.rel .LBB1_1-.Ltmp0, $4  }
0x8: {  	s0 =	rddreg [dreg:$0x2];
	_ =	strace $0x8000004A;
	s5 =	ssub.s32 s5, s6  }
0x9: {  	s14 =	stileid.u32;
	[sflag:s4] =	ssyncpa.u1 $0x0;
	s5 =	smul.u32 $0x6, s5  }
0xa: {  	s15 =	simm.s32 $0x0;
	s12 =	smov.u32 s1;
	[sflag:s7] =	ssyncpa.u1 $0x0  }
0xb: {  	s6 =	sadd.s32 $0x499800, s3;
	s3 =	stileid.u32;
	s7 =	sor.u32 $0x1, s5  }
.LBB1_4:
0xc: {  	s21 =	sshll.u32 s10, $0x3  }
0xd: {  	s22 =	sand.u32 $0x7F, s10;
	p1 =	sgt.s32 s11, $0xF;
	s25 =	smov.u32 s11  }
0xe: {  	s26 =	sshra.s32 s11, $0x1F;
	p2 =	sgt.s32 s10, $0x280;
	s27 =	smov.u32 s10  }
0xf: {  	s28 =	sshra.s32 s10, $0x1F;
	s31 =	sshra.s32 s9, $0x1F;
	s21 =	sand.u32 $0xFFFFFC00, s21  }
0x10: {  	s25 =	simm.s32 @!p1 $0xF;
	s26 =	sand.u32 s26, s11;
	s27 =	simm.s32 @!p2 $0x280  }
0x11: {  	s30 =	sand.u32 s28, s10;
	p2 =	sgt.s32 s9, $0x37;
	s28 =	smov.u32 s9  }
0x12: {  	s22 =	sor.u32 s22, s21;
	s21 =	smulhi.u32 $0xAAAAAAAB, s21;
	s25 =	ssub.s32 s25, s26  }
0x13: {  	s23 =	smulhi.u32 $0xAAAAAAAB, s22;
	s26 =	sadd.s32 $0xFFFFFFF1, s25;
	s25 =	ssub.s32 $0x10, s25  }
0x14: {  	s21 =	sshrl.u32 s21, $0x9;
	p1 =	sgt.s32 s26, $0x0;
	s25 =	smul.u32 $0x38, s25  }
0x15: {  	s26 =	ssub.s32 s27, s30;
	s23 =	sshrl.u32 s23, $0x9;
	s24 =	smulhi.u32 $0x4924925, s21  }
0x16: {  	s28 =	simm.s32 @!p2 $0x37;
	s27 =	sadd.s32 $0xFFFFFD80, s26;
	s23 =	smul.u32 $0x300, s23  }
0x17: {  	p2 =	sgt.s32 s27, $0x7F;
	s27 =	sand.u32 s31, s9;
	s31 =	smul.u32 $0x49800, s11  }
0x18: {  	s26 =	ssub.s32 $0x300, s26;
	s25 =	simm.s32 @p1 $0x0;
	s24 =	smul.u32 $0x38, s24  }
0x19: {  	s26 =	simm.s32 @p2 $0x0;
	s29 =	ssub.s32 s28, s27;
	s27 =	smul.u32 $0x1500, s9  }
0x1a: {  	s22 =	ssub.s32 s22, s23;
	s25 =	smul.u32 s26, s25;
	s30 =	sadd.s32 $0xFFFFFFC9, s29  }
0x1b: {  	s23 =	ssub.s32 $0x38, s29;
	s21 =	ssub.s32 s21, s24;
	p1 =	sgt.s32 s30, $0x0  }
0x1c: {  	s26 =	sadd.s32 s2, s31;
	s23 =	simm.s32 @p1 $0x0;
	s21 =	smul.u32 $0x60, s21  }
0x1d: {  	[tilespmem:s20+$0x810 ss:$0x81] =	vst.msk $0xffff, v2;
	s24 =	sadd.s32 s27, s26;
	s28 =	sand.u32 $0x7, s22;
	s23 =	smul.u32 s23, s25  }
0x1e: {  	[tilespmem:s20+$0x1020 ss:$0x81] =	vst.msk $0xffff, v0;
	s22 =	sshrl.u32 s22, $0x3;
	s29 =	sshll.u32 s28, $0x12;
	s21 =	sadd.s32 s21, s24  }
0x1f: {  	[tilespmem:s20+$0x0 ss:$0x81] =	vst.msk $0xffff, v1;
	s31 =	sor.u32 $0x400, s29;
	s30 =	sand.u32 $0x3FFFFFF8, s23;
	s21 =	sadd.s32 s22, s21  }
0x20: {  	[hbm4b:s21+s31] =	stream.strided.scatter [tilespmem:s19], [sflag:$0x2], s30, s8, s31, $0x20;
	[tilespmem:$0x8080] =	vst v63  }
.LBB1_5:
0x21: {  	p1 =	slt.u32 s15, $0x2  }
0x22: {  	p2 =	sgt.s32 @!p1 s18, $0xF  }
0x23: {  	s19 =	smov.u32 s18;
	s20 =	sshra.s32 @!p1 s18, $0x1F;
	p2 =	por !p2, p1  }
0x24: {  	p3 =	sgt.s32 @!p1 s17, $0x280;
	s18 =	sand.u32 @!p1 s20, s18;
	s19 =	simm.s32 @p2 $0xF  }
0x25: {  	s21 =	smov.u32 s16;
	p3 =	por !p3, p1;
	s18 =	ssub.s32 @!p1 s19, s18  }
0x26: {  	s20 =	sshra.s32 @!p1 s17, $0x1F;
	s19 =	sadd.s32 @!p1 $0xFFFFFFF1, s18;
	s18 =	ssub.s32 @!p1 $0x10, s18  }
0x27: {  	p2 =	sgt.s32 @!p1 s19, $0x0;
	s19 =	smov.u32 s17;
	s17 =	sand.u32 @!p1 s20, s17  }
0x28: {  	s20 =	sshra.s32 @!p1 s16, $0x1F;
	s19 =	simm.s32 @p3 $0x280;
	p3 =	sgt.s32 @!p1 s16, $0x37  }
0x29: {  	s18 =	smul.u32 @!p1 $0x38, s18;
	p3 =	por !p3, p1;
	s17 =	ssub.s32 @!p1 s19, s17  }
0x2a: {  	s16 =	sand.u32 @!p1 s20, s16;
	s21 =	simm.s32 @p3 $0x37;
	s19 =	sadd.s32 @!p1 $0xFFFFFD80, s17  }
0x2b: {  	p2 =	por !p2, p1;
	s16 =	ssub.s32 @!p1 s21, s16;
	p3 =	sgt.s32 @!p1 s19, $0x7F  }
0x2c: {  	s17 =	ssub.s32 @!p1 $0x300, s17;
	s20 =	sadd.s32 @!p1 $0xFFFFFFC9, s16;
	p3 =	por !p3, p1  }
0x2d: {  	s18 =	simm.s32 @!p2 $0x0;
	s17 =	simm.s32 @!p3 $0x0;
	p3 =	sgt.s32 @!p1 s20, $0x0  }
0x2e: {  	s16 =	ssub.s32 @!p1 $0x38, s16;
	p2 =	por !p3, p1;
	s17 =	smul.u32 @!p1 s17, s18  }
0x2f: {  	s19 =	sadd.s32 $0x2, s12;
	s20 =	smov.u32 s13;
	s16 =	simm.s32 @!p2 $0x0  }
0x30: {  	p2 =	sgt.s32 s19, $0x37;
	s16 =	smul.u32 @!p1 s16, s17;
	s17 =	sadd.s32 $0x80, s13  }
0x31: {  	s20 =	smov.u32 @p2 s17  }
0x32: {  	s22 =	smov.u32 s14;
	s17 =	sadd.s32 $0x10, s14;
	p3 =	sgt.s32 s20, $0x2FF  }
0x33: {  	p0 =	por !p0, !p0;
	s21 =	simm.s32 @!p1 $0x2;
	s22 =	smov.u32 @p3 s17  }
0x34: {  	s18 =	smov.u32 s11;
	s19 =	smov.u32 @p2 s1;
	p2 =	sgt.s32 s22, $0xF  }
0x35: {  	s16 =	sand.u32 @!p1 $0x3FFFFFF8, s16;
	s22 =	smov.u32 @p2 s3;
	p2 =	sne.s32 s15, s7  }
.Ltmp1:
0x36: {  	s11 =	smov.u32 s14;
	_ =	swait.ge @!p1 [sflag:s21], s16;
	(pc) =	sbr.rel @!p2 .LBB1_6-.Ltmp1, $4  }
0x37: {  	s23 =	ssub.s32 @!p1 $0x0, s16;
	s20 =	simm.s32 @p3 $0x0;
	s16 =	smov.u32 s9  }
0x38: {  	s17 =	smov.u32 s10;
	s9 =	smov.u32 s12;
	s10 =	smov.u32 s13  }
0x39: {  	s12 =	smov.u32 s19;
	[sflag:s21] =	ssyncset.done @!p1 $0x0;
	s13 =	smov.u32 s20  }
0x3a: {  	s15 =	sadd.s32 $0x1, s15;
	[sflag:s21] =	ssyncadd.s32 @!p1 s23;
	s14 =	smov.u32 s22  }
.LBB1_1:
0x3b: {  	p1 =	sge.u32 s15, s5  }
0x3c: {  	s19 =	sand.u32 @!p1 $0x1FFFFFF, s12;
	s21 =	smul.u32 @!p1 $0xA8000, s14  }
0x3d: {  	s20 =	smulhi.u32 @!p1 $0x4924925, s19  }
0x3e: {  	s23 =	smul.u32 @!p1 $0x380, s13  }
0x3f: {  	s20 =	smul.u32 @!p1 $0x38, s20  }
0x40: {  	s31 =	sadd.s32 $0xFFFFFFFF, s15;
	s21 =	sadd.s32 @!p1 s6, s21  }
0x41: {  	s22 =	sxor.u32 @!p1 $0xFFFFFFFF, s15;
	s21 =	sadd.s32 @!p1 s23, s21;
	s19 =	ssub.s32 @!p1 s19, s20  }
0x42: {  	s20 =	sshll.u32 @!p1 s22, $0xD;
	s22 =	simm.s32 @!p1 $0x1C00;
	s19 =	sshll.u32 @!p1 s19, $0x4  }
0x43: {  	s20 =	sand.u32 @!p1 $0x2000, s20;
	s19 =	sadd.s32 @!p1 s19, s21;
	s21 =	simm.s32 @!p1 $0x40  }
0x44: {  	[tilespmem:s20], [sflag:$0x1] =	stream.strided.gather @!p1 [hbm4b:s19+s21], $0x2000, s22, s21, $0x38;
	[tilespmem:$0x8080] =	vst v63  }
0x45: {  	p1 =	sge.u32 s31, s5  }
.Ltmp2:
0x46: {  	_ = 	snop;
	(pc) =	sbr.rel @p1 .LBB1_5-.Ltmp2, $1  }
0x47: {  	_ =	sdelay $0x3  }
0x48: {  	s19 =	simm.s32 $0x1  }
0x49: {  	_ =	swait.ge [sflag:s4], $0x2000;
	s19 =	simm.s32 @!p0 $0x0  }
0x4a: {  	[sflag:s4] =	ssyncset.done $0x0;
	s20 =	sshll.u32 s19, $0xD  }
0x4b: {  	[sflag:s4] =	ssyncadd.s32 $0xFFFFE000;
	s23 =	sor.u32 $0x20, s20  }
0x4c: {  	s19 =	smul.u32 $0x8100, s19;
	v3 =	vld [tilespmem:s23+$0x10]  }
0x4d: {  	s30 =	sand.u32 $0x1, s15;
	v2 =	vld [tilespmem:s23+$0xFFFFFFF0]  }
0x4e: {  	s20 =	smul.u32 $0x8100, s30;
	s19 =	sshrl.u32 s19, $0x2;
	v0 =	vld [tilespmem:s23+$0x0]  }
0x4f: {  	v1 =	vld [tilespmem:s23+$0xFFFFFFE0];
	s21 =	sor.u32 $0x4000, s19  }
0x50: {  	s31 =	sshrl.u32 s20, $0x2;
	s20 =	sadd.s32 $0x0, s21  }
0x51: {  	s22 =	simm.s32 $0x4;
	s23 =	sadd.s32 $0x40, s23;
	s19 =	sor.u32 $0x4000, s31;
	[tilespmem:s20+$0x1830 ss:$0x81] =	vst.msk $0xffff, v3  }
.LBB1_3:
0x52: {  	v3 =	vld [tilespmem:s23+$0x10];
	p1 =	sne.s32 s22, $0x1FC;
	[tilespmem:s20+$0x810 ss:$0x81] =	vst.msk $0xffff, v2;
	s24 =	smov.u32 s22;
	s22 =	sadd.s32 $0x4, s22  }
.Ltmp3:
0x53: {  	v2 =	vld [tilespmem:s23+$0xFFFFFFF0];
	[tilespmem:s20+$0x1020 ss:$0x81] =	vst.msk $0xffff, v0;
	(pc) =	sbr.rel @p1 .LBB1_3-.Ltmp3, $4  }
0x54: {  	v0 =	vld [tilespmem:s23+$0x0];
	[tilespmem:s20+$0x0 ss:$0x81] =	vst.msk $0xffff, v1  }
0x55: {  	s20 =	sshra.s32 s24, $0x2;
	v1 =	vld [tilespmem:s23+$0xFFFFFFE0]  }
0x56: {  	s20 =	sadd.s32 s20, s21  }
0x57: {  	s23 =	sadd.s32 $0x40, s23;
	[tilespmem:s20+$0x1830 ss:$0x81] =	vst.msk $0xffff, v3  }
.Ltmp4:
0x58: {  	_ = 	snop;
	(pc) =	sbr.rel .LBB1_4-.Ltmp4, $1  }
0x59: {  	_ =	sdelay $0x3  }
.LBB1_6:
0x5a: {  	_ =	sfence.sel $0x180000  }
0x5b: {  	s1 =	simm.s32 $0x1;
	[bflag:$0x0] =	sbarrier.arrive $0xFFFF  }
0x5c: {  	s31 =	simm.s32 $0x2;
	[sflag:s1] =	ssyncpa.u1 $0x1  }
0x5d: {  	[sflag:s31] =	ssyncpa.u1 $0x1  }
0x5e: {  	p0 =	sne.s32 s3, $0x0;
	_ =	strace $0x9000004A  }
0x5f: {  	s0 =	sadd.s32 @!p0 $0x100000, s0;
	[bflag:$0x2] =	sbarrier.arrive $0xFFFF  }
0x60: {  	[sflag:s0] =	ssyncadd.tile.s32 @!p0 $0x1;
	_ =	shalt  }
.Lfunc_end1:
_tile_overlayer_lowered:
.L_overlay_start_2:
0x61: {  	(tag) =	ssettag $0x2  }
0x62: {  	s0 =	rddreg [dreg:$0x0];
	s2 =	stileid.u32  }
0x63: {  	s1 =	rddreg [dreg:$0x1];
	p0 =	sne.s32 s2, $0x0  }
0x64: {  	s3 =	rddreg [dreg:$0x2];
	[bflag:$0x3] =	sbarrier.arrive $0xFFFF;
	s2 =	simm.s32 @!p0 $0x1C01  }
0x65: {  	[timem:s3], [sflag:s2] =	dma.local @!p0 [hbm:s0], s1  }
0x66: {  	s0 =	simm.s32 @!p0 $0x1  }
0x67: {  	_ =	swait.ge @!p0 [sflag:s0], s1  }
0x68: {  	s1 =	ssub.s32 @!p0 $0x0, s1;
	[sflag:s0] =	ssyncset.done @!p0 $0x0  }
0x69: {  	[sflag:s0] =	ssyncadd.s32 @!p0 s1  }
0x6a: {  	[bflag:$0x3] =	sbarrier.arrive $0xFFFF  }
0x6b: {  	_ =	shalt  }

</sc_bundles>
